<compile_context>
chip_gen: v7x
topology: tpu7x:2x2x1
jax: 0.10.2.dev20260603
libtpu: 0.0.44.dev20260713+nightly
codegen_flags: <defaults>
</compile_context>

<pallas_src>
import functools

import jax
import jax.numpy as jnp
from jax import lax
from jax.experimental import pallas as pl
from jax.experimental.pallas import tpu as pltpu
from jax.experimental.pallas import tpu_sc as plsc

_NC = 2
_NS = 16
_EBLK = 96
_NBUF = 4
_G = 128



def _enc_body(x_ref, w_ref, b_ref, lo_ref, hi_ref):
    h = jnp.dot(x_ref[...], w_ref[...], preferred_element_type=jnp.float32)
    h = h + b_ref[...]
    dh = lo_ref.shape[1]
    lo_ref[...] = h[:, :dh]
    hi_ref[...] = h[:, dh:]


def _encoder(x, w, b):
    n, f = x.shape
    d = w.shape[1]
    half = jax.ShapeDtypeStruct((n, d // 2), jnp.float32)
    return pl.pallas_call(
        _enc_body,
        out_shape=(half, half),
    )(x, w, b)


def _mlp_bn_body(hlo_ref, hhi_ref, agg_ref, eps_ref, w1_ref, b1_ref, w2_ref,
                 b2_ref, gamma_ref, beta_ref, lo_ref, hi_ref, *, relu):
    n = hlo_ref.shape[0]
    h = jnp.concatenate([hlo_ref[...], hhi_ref[...]], axis=1)
    agg = jnp.concatenate([agg_ref[pl.ds(0, n), :], agg_ref[pl.ds(n, n), :]],
                          axis=1)
    z = (1.0 + eps_ref[0, 0]) * h + agg
    z = jnp.dot(z, w1_ref[...], preferred_element_type=jnp.float32) + b1_ref[...]
    z = jnp.maximum(z, 0.0)
    g = jnp.dot(z, w2_ref[...], preferred_element_type=jnp.float32) + b2_ref[...]
    mu = jnp.mean(g, axis=0, keepdims=True)
    var = jnp.mean(jnp.square(g - mu), axis=0, keepdims=True)
    o = gamma_ref[...] * (g - mu) * lax.rsqrt(var + 1e-5) + beta_ref[...]
    if relu:
        o = jnp.maximum(o, 0.0)
    dh = lo_ref.shape[1]
    lo_ref[...] = o[:, :dh]
    hi_ref[...] = o[:, dh:]


def _mlp_bn(hlo, hhi, aggf, eps, w1, b1, w2, b2, gamma, beta):
    n, dh = hlo.shape
    half = jax.ShapeDtypeStruct((n, dh), jnp.float32)
    return pl.pallas_call(
        functools.partial(_mlp_bn_body, relu=True),
        out_shape=(half, half),
    )(hlo, hhi, aggf, eps, w1, b1, w2, b2, gamma, beta)


def _mlp_bn_pool_body(hlo_ref, hhi_ref, agg_ref, eps_ref, w1_ref, b1_ref,
                      w2_ref, b2_ref, gamma_ref, beta_ref, batch_ref,
                      hg_ref, vg_ref):
    n = hlo_ref.shape[0]
    h = jnp.concatenate([hlo_ref[...], hhi_ref[...]], axis=1)
    agg = jnp.concatenate([agg_ref[pl.ds(0, n), :], agg_ref[pl.ds(n, n), :]],
                          axis=1)
    z = (1.0 + eps_ref[0, 0]) * h + agg
    z = jnp.dot(z, w1_ref[...], preferred_element_type=jnp.float32) + b1_ref[...]
    z = jnp.maximum(z, 0.0)
    g = jnp.dot(z, w2_ref[...], preferred_element_type=jnp.float32) + b2_ref[...]
    mu = jnp.mean(g, axis=0, keepdims=True)
    var = jnp.mean(jnp.square(g - mu), axis=0, keepdims=True)
    h2 = gamma_ref[...] * (g - mu) * lax.rsqrt(var + 1e-5) + beta_ref[...]
    seg = lax.broadcasted_iota(jnp.int32, (_G, n), 0)
    onehot = (batch_ref[...] == seg).astype(jnp.float32)
    hg_ref[...] = jnp.dot(onehot, h2, preferred_element_type=jnp.float32)
    vg_ref[...] = jnp.dot(onehot, h, preferred_element_type=jnp.float32)


def _mlp_bn_pool(hlo, hhi, aggf, eps, w1, b1, w2, b2, gamma, beta, batch):
    d = 2 * hlo.shape[1]
    return pl.pallas_call(
        _mlp_bn_pool_body,
        out_shape=(
            jax.ShapeDtypeStruct((_G, d), jnp.float32),
            jax.ShapeDtypeStruct((_G, d), jnp.float32),
        ),
    )(hlo, hhi, aggf, eps, w1, b1, w2, b2, gamma, beta, batch)



def _make_agg(n, e, dh):
    rows_per_tile = (n // (8 * _NS)) * 8
    tail = n - _NS * rows_per_tile
    ept = e // _NS
    chunks = ept // _EBLK
    etail = ept - chunks * _EBLK
    mesh = plsc.VectorSubcoreMesh(core_axis_name="c", subcore_axis_name="s")

    @functools.partial(
        pl.kernel,
        out_type=jax.ShapeDtypeStruct((2 * n, dh), jnp.float32),
        mesh=mesh,
        scratch_types=(
            [pltpu.VMEM((_EBLK,), jnp.int32)] * (2 * _NBUF)
            + [pltpu.VMEM((_EBLK, dh), jnp.float32)] * _NBUF
            + [
                pltpu.VMEM((max(etail, 8),), jnp.int32),
                pltpu.VMEM((max(etail, 8),), jnp.int32),
                pltpu.VMEM_SHARED((n, dh), jnp.float32),
            ]
            + [pltpu.SemaphoreType.DMA] * (2 * _NBUF)
        ),
    )
    def agg(h_lo, h_hi, edges, zeros, out, idx_s0, idx_s1, idx_s2, idx_s3,
            idx_d0, idx_d1, idx_d2, idx_d3, rows0, rows1, rows2, rows3,
            tidx_s, tidx_d, acc, sem0, sem1, sem2, sem3,
            sem_i0, sem_i1, sem_i2, sem_i3):
        src = edges.at[pl.ds(0, e)]
        dst = edges.at[pl.ds(e, e)]
        c = lax.axis_index("c")
        s = lax.axis_index("s")
        idx_s = (idx_s0, idx_s1, idx_s2, idx_s3)
        idx_d = (idx_d0, idx_d1, idx_d2, idx_d3)
        rows = (rows0, rows1, rows2, rows3)
        sems = (sem0, sem1, sem2, sem3)
        sems_i = (sem_i0, sem_i1, sem_i2, sem_i3)
        ebase = s * ept

        def load_idx(k, b):
            pltpu.async_copy(src.at[pl.ds(ebase + k * _EBLK, _EBLK)],
                             idx_s[b], sems_i[b])
            pltpu.async_copy(dst.at[pl.ds(ebase + k * _EBLK, _EBLK)],
                             idx_d[b], sems_i[b])

        def wait_idx(b):
            pltpu.make_async_copy(src.at[pl.ds(0, _EBLK)], idx_s[b],
                                  sems_i[b]).wait()
            pltpu.make_async_copy(dst.at[pl.ds(0, _EBLK)], idx_d[b],
                                  sems_i[b]).wait()

        def fire_gather(b):
            @pl.when(c == 0)
            def _():
                pltpu.async_copy(h_lo.at[idx_s[b]], rows[b], sems[b])

            @pl.when(c == 1)
            def _():
                pltpu.async_copy(h_hi.at[idx_s[b]], rows[b], sems[b])

        load_idx(0, 0)
        load_idx(1, 1)
        load_idx(2, 2)
        pltpu.sync_copy(zeros.at[pl.ds(0, rows_per_tile)],
                        acc.at[pl.ds(s * rows_per_tile, rows_per_tile)])
        if tail:
            @pl.when(s == _NS - 1)
            def _():
                pltpu.sync_copy(zeros.at[pl.ds(0, tail)],
                                acc.at[pl.ds(_NS * rows_per_tile, tail)])
        wait_idx(0)
        fire_gather(0)
        if chunks > 1:
            wait_idx(1)
            fire_gather(1)
        if chunks > 2:
            wait_idx(2)
            fire_gather(2)
        if chunks > 3:
            load_idx(3, 3)
        plsc.subcore_barrier()

        def tri_body(i, carry):
            for b in range(_NBUF):
                k = _NBUF * i + b
                pltpu.make_async_copy(h_lo.at[idx_s[b]], rows[b],
                                      sems[b]).wait()

                @pl.when(k + 3 < chunks)
                def _():
                    b2 = (b + 3) % _NBUF
                    wait_idx(b2)
                    fire_gather(b2)

                pltpu.sync_copy(rows[b], acc.at[idx_d[b]], add=True)

                @pl.when(k + _NBUF < chunks)
                def _():
                    load_idx(k + _NBUF, b)
            return carry

        lax.fori_loop(0, chunks // _NBUF, tri_body, 0)
        for kk in range(chunks - chunks % _NBUF, chunks):
            b = kk % _NBUF
            pltpu.make_async_copy(h_lo.at[idx_s[b]], rows[b],
                                  sems[b]).wait()
            if kk + 3 < chunks:
                b2 = (b + 3) % _NBUF
                wait_idx(b2)
                fire_gather(b2)
            pltpu.sync_copy(rows[b], acc.at[idx_d[b]], add=True)

        if etail:
            tbase = ebase + chunks * _EBLK
            pltpu.sync_copy(src.at[pl.ds(tbase, etail)], tidx_s.at[pl.ds(0, etail)])
            pltpu.sync_copy(dst.at[pl.ds(tbase, etail)], tidx_d.at[pl.ds(0, etail)])

            @pl.when(c == 0)
            def _():
                pltpu.async_copy(h_lo.at[tidx_s], rows0.at[pl.ds(0, max(etail, 8))],
                                 sem0).wait()

            @pl.when(c == 1)
            def _():
                pltpu.async_copy(h_hi.at[tidx_s], rows0.at[pl.ds(0, max(etail, 8))],
                                 sem1).wait()

            pltpu.sync_copy(rows0.at[pl.ds(0, max(etail, 8))], acc.at[tidx_d],
                            add=True)
        plsc.subcore_barrier()
        pltpu.sync_copy(
            acc.at[pl.ds(s * rows_per_tile, rows_per_tile)],
            out.at[pl.ds(c * n + s * rows_per_tile, rows_per_tile)],
        )
        if tail:
            @pl.when(s == _NS - 1)
            def _():
                pltpu.sync_copy(
                    acc.at[pl.ds(_NS * rows_per_tile, tail)],
                    out.at[pl.ds(c * n + _NS * rows_per_tile, tail)],
                )

    return agg



def kernel(x, edge_index, batch, W_enc, b_enc, eps1, W1_1, b1_1, W2_1, b2_1,
           gamma1, beta1, eps2, W1_2, b1_2, W2_2, b2_2, gamma2, beta2):
    n, f = x.shape
    d = W_enc.shape[1]
    dh = d // 2
    e = edge_index.shape[1]

    zeros = jnp.zeros((n // _NS, dh), jnp.float32)
    eps1_ = jnp.reshape(eps1, (1, 1))
    eps2_ = jnp.reshape(eps2, (1, 1))
    b_enc_ = jnp.reshape(b_enc, (1, d))
    b1_1_ = jnp.reshape(b1_1, (1, 2 * d))
    b2_1_ = jnp.reshape(b2_1, (1, d))
    gamma1_ = jnp.reshape(gamma1, (1, d))
    beta1_ = jnp.reshape(beta1, (1, d))
    b1_2_ = jnp.reshape(b1_2, (1, 2 * d))
    b2_2_ = jnp.reshape(b2_2, (1, d))
    gamma2_ = jnp.reshape(gamma2, (1, d))
    beta2_ = jnp.reshape(beta2, (1, d))
    batch_ = jnp.reshape(batch, (1, n))

    agg_fn = _make_agg(n, e, dh)

    edges_flat = jnp.ravel(edge_index)

    h0lo, h0hi = _encoder(x, W_enc, b_enc_)
    agg1 = agg_fn(h0lo, h0hi, edges_flat, zeros)
    h1lo, h1hi = _mlp_bn(h0lo, h0hi, agg1, eps1_, W1_1, b1_1_, W2_1, b2_1_,
                         gamma1_, beta1_)
    agg2 = agg_fn(h1lo, h1hi, edges_flat, zeros)
    hg, vg = _mlp_bn_pool(h1lo, h1hi, agg2, eps2_, W1_2, b1_2_, W2_2, b2_2_,
                          gamma2_, beta2_, batch_)
    return (hg, vg)

# --- scband reference (transcript-rebuilt; emitter-appended) ---
"""Pipeline reference for scband-gnn-19670950216319 (READ-ONLY COPY).

The authoritative reference and input builder live on the scoring server;
editing this copy changes nothing except your own understanding.
"""

import jax, jax.numpy as jnp
import numpy as np

N = 10000
E = 160000
F = 256
D = 256
G = 128


def setup_inputs(seed: int = 0) -> dict:
    key = jax.random.key(seed)
    ks = jax.random.split(key, 12)
    inp = {}
    inp["x"] = jax.random.normal(ks[0], (N, F), dtype=jnp.float32)
    inp["edge_index"] = jax.random.randint(ks[1], (2, E), 0, N, dtype=jnp.int32)
    inp["batch"] = jnp.sort(jax.random.randint(ks[2], (N,), 0, G, dtype=jnp.int32))
    # learned parameters (node encoder + 2 GIN layers, each MLP D->2D->D + BN affine + eps)
    inp["W_enc"] = jax.random.normal(ks[3], (F, D), dtype=jnp.float32) * 0.05
    inp["b_enc"] = jnp.zeros((D,), dtype=jnp.float32)
    inp["eps1"] = jnp.zeros((), dtype=jnp.float32)
    inp["W1_1"] = jax.random.normal(ks[4], (D, 2 * D), dtype=jnp.float32) * 0.05
    inp["b1_1"] = jnp.zeros((2 * D,), dtype=jnp.float32)
    inp["W2_1"] = jax.random.normal(ks[5], (2 * D, D), dtype=jnp.float32) * 0.05
    inp["b2_1"] = jnp.zeros((D,), dtype=jnp.float32)
    inp["gamma1"] = jnp.ones((D,), dtype=jnp.float32)
    inp["beta1"] = jnp.zeros((D,), dtype=jnp.float32)
    inp["eps2"] = jnp.zeros((), dtype=jnp.float32)
    inp["W1_2"] = jax.random.normal(ks[6], (D, 2 * D), dtype=jnp.float32) * 0.05
    inp["b1_2"] = jnp.zeros((2 * D,), dtype=jnp.float32)
    inp["W2_2"] = jax.random.normal(ks[7], (2 * D, D), dtype=jnp.float32) * 0.05
    inp["b2_2"] = jnp.zeros((D,), dtype=jnp.float32)
    inp["gamma2"] = jnp.ones((D,), dtype=jnp.float32)
    inp["beta2"] = jnp.zeros((D,), dtype=jnp.float32)
    return inp


def _bn(h, gamma, beta):
    mu = jnp.mean(h, axis=0)
    var = jnp.var(h, axis=0)
    return gamma * (h - mu) / jnp.sqrt(var + 1e-5) + beta


def _gin_conv(h, src, dst, eps, W1, b1, W2, b2):
    # sum-aggregate neighbor messages (gather from src, scatter-add to dst)
    agg = jax.ops.segment_sum(h[src], dst, num_segments=h.shape[0])
    z = (1.0 + eps) * h + agg
    z = jax.nn.relu(jnp.dot(z, W1) + b1)
    return jnp.dot(z, W2) + b2


def reference(x, edge_index, batch, W_enc, b_enc, eps1, W1_1, b1_1, W2_1, b2_1, gamma1, beta1, eps2, W1_2, b1_2, W2_2, b2_2, gamma2, beta2):
    src = edge_index[0]
    dst = edge_index[1]
    # node encoder
    h0 = jnp.dot(x, W_enc) + b_enc
    # GIN layer 1 (not last): conv -> BN -> ReLU (dropout omitted, eval mode)
    h1 = jax.nn.relu(_bn(_gin_conv(h0, src, dst, eps1, W1_1, b1_1, W2_1, b2_1), gamma1, beta1))
    # GIN layer 2 (last): conv -> BN (no ReLU)
    h2 = _bn(_gin_conv(h1, src, dst, eps2, W1_2, b1_2, W2_2, b2_2), gamma2, beta2)
    node_rep = h2
    vice_node_rep = h1  # second-to-last layer representation
    # global_add_pool over graph assignment ids
    h_graph = jax.ops.segment_sum(node_rep, batch, num_segments=G)
    vice_h_graph = jax.ops.segment_sum(vice_node_rep, batch, num_segments=G)
    return (h_graph, vice_h_graph)

if __name__ == "__main__":
    import jax
    _d = setup_inputs()
    print(jax.jit(kernel)(*tuple(_d.values())))

</pallas_src>

<mosaic_0001>
#map = affine_map<(d0, d1) -> (0, 0)>
#map1 = affine_map<(d0, d1) -> (0)>
module attributes {stable_mosaic.version = 14 : i64} {
  func.func @agg(%arg0: i32, %arg1: i32, %arg2: memref<10000x128xf32, #tpu.memory_space<hbm>>, %arg3: memref<10000x128xf32, #tpu.memory_space<hbm>>, %arg4: memref<320000xi32, #tpu.memory_space<hbm>>, %arg5: memref<625x128xf32, #tpu.memory_space<hbm>>, %arg6: memref<20000x128xf32, #tpu.memory_space<hbm>>, %arg7: memref<96xi32, #tpu.memory_space<vmem>>, %arg8: memref<96xi32, #tpu.memory_space<vmem>>, %arg9: memref<96xi32, #tpu.memory_space<vmem>>, %arg10: memref<96xi32, #tpu.memory_space<vmem>>, %arg11: memref<96xi32, #tpu.memory_space<vmem>>, %arg12: memref<96xi32, #tpu.memory_space<vmem>>, %arg13: memref<96xi32, #tpu.memory_space<vmem>>, %arg14: memref<96xi32, #tpu.memory_space<vmem>>, %arg15: memref<96x128xf32, #tpu.memory_space<vmem>>, %arg16: memref<96x128xf32, #tpu.memory_space<vmem>>, %arg17: memref<96x128xf32, #tpu.memory_space<vmem>>, %arg18: memref<96x128xf32, #tpu.memory_space<vmem>>, %arg19: memref<16xi32, #tpu.memory_space<vmem>>, %arg20: memref<16xi32, #tpu.memory_space<vmem>>, %arg21: memref<10000x128xf32, #tpu.memory_space<vmem_shared>>, %arg22: memref<!tpu.dma_semaphore, #tpu.memory_space<semaphore_mem>>, %arg23: memref<!tpu.dma_semaphore, #tpu.memory_space<semaphore_mem>>, %arg24: memref<!tpu.dma_semaphore, #tpu.memory_space<semaphore_mem>>, %arg25: memref<!tpu.dma_semaphore, #tpu.memory_space<semaphore_mem>>, %arg26: memref<!tpu.dma_semaphore, #tpu.memory_space<semaphore_mem>>, %arg27: memref<!tpu.dma_semaphore, #tpu.memory_space<semaphore_mem>>, %arg28: memref<!tpu.dma_semaphore, #tpu.memory_space<semaphore_mem>>, %arg29: memref<!tpu.dma_semaphore, #tpu.memory_space<semaphore_mem>>) attributes {dimension_semantics = [#tpu.dimension_semantics<core_parallel>, #tpu.dimension_semantics<subcore_parallel>], iteration_bounds = array<i64: 2, 16>, scalar_prefetch = 0 : i64, scratch_operands = 23 : i64, tpu.core_type = #tpu.core_type<sc_vector_subcore>, window_params = [{transform_indices = #map}, {transform_indices = #map}, {transform_indices = #map1}, {transform_indices = #map}, {transform_indices = #map}]} {
    %mul3A = arith.constant 10000 : i32
    %mul3A_0 = arith.muli %arg1, %mul3A : i32
    %add3A = arith.constant 0 : i32
    %add3A_1 = arith.addi %mul3A_0, %add3A : i32
    %dma_start3A = arith.constant 0 : i32
    %dma_start3A_2 = tpu.memref_slice %arg4[%dma_start3A] : memref<320000xi32, #tpu.memory_space<hbm>> -> memref<160000xi32, #tpu.memory_space<hbm>>
    %dma_start3A_3 = tpu.memref_slice %dma_start3A_2[%add3A_1] : memref<160000xi32, #tpu.memory_space<hbm>> -> memref<96xi32, #tpu.memory_space<hbm>>
    %dma_start3A_4 = arith.constant 0 : i32
    %dma_start3A_5 = tpu.memref_slice %arg4[%dma_start3A_4] : memref<320000xi32, #tpu.memory_space<hbm>> -> memref<160000xi32, #tpu.memory_space<hbm>>
    %dma_start3A_6 = tpu.memref_slice %dma_start3A_5[%add3A_1] : memref<160000xi32, #tpu.memory_space<hbm>> -> memref<96xi32, #tpu.memory_space<hbm>>
    tpu.enqueue_dma source(%dma_start3A_6 : memref<96xi32, #tpu.memory_space<hbm>>) target(%arg7 : memref<96xi32, #tpu.memory_space<vmem>>) target_semaphore(%arg26 : memref<!tpu.dma_semaphore, #tpu.memory_space<semaphore_mem>>)
    %add3A_7 = arith.constant 0 : i32
    %add3A_8 = arith.addi %mul3A_0, %add3A_7 : i32
    %dma_start3A_9 = arith.constant 160000 : i32
    %dma_start3A_10 = tpu.memref_slice %arg4[%dma_start3A_9] : memref<320000xi32, #tpu.memory_space<hbm>> -> memref<160000xi32, #tpu.memory_space<hbm>>
    %dma_start3A_11 = tpu.memref_slice %dma_start3A_10[%add3A_8] : memref<160000xi32, #tpu.memory_space<hbm>> -> memref<96xi32, #tpu.memory_space<hbm>>
    %dma_start3A_12 = arith.constant 160000 : i32
    %dma_start3A_13 = tpu.memref_slice %arg4[%dma_start3A_12] : memref<320000xi32, #tpu.memory_space<hbm>> -> memref<160000xi32, #tpu.memory_space<hbm>>
    %dma_start3A_14 = tpu.memref_slice %dma_start3A_13[%add3A_8] : memref<160000xi32, #tpu.memory_space<hbm>> -> memref<96xi32, #tpu.memory_space<hbm>>
    tpu.enqueue_dma source(%dma_start3A_14 : memref<96xi32, #tpu.memory_space<hbm>>) target(%arg11 : memref<96xi32, #tpu.memory_space<vmem>>) target_semaphore(%arg26 : memref<!tpu.dma_semaphore, #tpu.memory_space<semaphore_mem>>)
    %add3A_15 = arith.constant 96 : i32
    %add3A_16 = arith.addi %mul3A_0, %add3A_15 : i32
    %dma_start3A_17 = arith.constant 0 : i32
    %dma_start3A_18 = tpu.memref_slice %arg4[%dma_start3A_17] : memref<320000xi32, #tpu.memory_space<hbm>> -> memref<160000xi32, #tpu.memory_space<hbm>>
    %dma_start3A_19 = tpu.memref_slice %dma_start3A_18[%add3A_16] : memref<160000xi32, #tpu.memory_space<hbm>> -> memref<96xi32, #tpu.memory_space<hbm>>
    %dma_start3A_20 = arith.constant 0 : i32
    %dma_start3A_21 = tpu.memref_slice %arg4[%dma_start3A_20] : memref<320000xi32, #tpu.memory_space<hbm>> -> memref<160000xi32, #tpu.memory_space<hbm>>
    %dma_start3A_22 = tpu.memref_slice %dma_start3A_21[%add3A_16] : memref<160000xi32, #tpu.memory_space<hbm>> -> memref<96xi32, #tpu.memory_space<hbm>>
    tpu.enqueue_dma source(%dma_start3A_22 : memref<96xi32, #tpu.memory_space<hbm>>) target(%arg8 : memref<96xi32, #tpu.memory_space<vmem>>) target_semaphore(%arg27 : memref<!tpu.dma_semaphore, #tpu.memory_space<semaphore_mem>>)
    %add3A_23 = arith.constant 96 : i32
    %add3A_24 = arith.addi %mul3A_0, %add3A_23 : i32
    %dma_start3A_25 = arith.constant 160000 : i32
    %dma_start3A_26 = tpu.memref_slice %arg4[%dma_start3A_25] : memref<320000xi32, #tpu.memory_space<hbm>> -> memref<160000xi32, #tpu.memory_space<hbm>>
    %dma_start3A_27 = tpu.memref_slice %dma_start3A_26[%add3A_24] : memref<160000xi32, #tpu.memory_space<hbm>> -> memref<96xi32, #tpu.memory_space<hbm>>
    %dma_start3A_28 = arith.constant 160000 : i32
    %dma_start3A_29 = tpu.memref_slice %arg4[%dma_start3A_28] : memref<320000xi32, #tpu.memory_space<hbm>> -> memref<160000xi32, #tpu.memory_space<hbm>>
    %dma_start3A_30 = tpu.memref_slice %dma_start3A_29[%add3A_24] : memref<160000xi32, #tpu.memory_space<hbm>> -> memref<96xi32, #tpu.memory_space<hbm>>
    tpu.enqueue_dma source(%dma_start3A_30 : memref<96xi32, #tpu.memory_space<hbm>>) target(%arg12 : memref<96xi32, #tpu.memory_space<vmem>>) target_semaphore(%arg27 : memref<!tpu.dma_semaphore, #tpu.memory_space<semaphore_mem>>)
    %add3A_31 = arith.constant 192 : i32
    %add3A_32 = arith.addi %mul3A_0, %add3A_31 : i32
    %dma_start3A_33 = arith.constant 0 : i32
    %dma_start3A_34 = tpu.memref_slice %arg4[%dma_start3A_33] : memref<320000xi32, #tpu.memory_space<hbm>> -> memref<160000xi32, #tpu.memory_space<hbm>>
    %dma_start3A_35 = tpu.memref_slice %dma_start3A_34[%add3A_32] : memref<160000xi32, #tpu.memory_space<hbm>> -> memref<96xi32, #tpu.memory_space<hbm>>
    %dma_start3A_36 = arith.constant 0 : i32
    %dma_start3A_37 = tpu.memref_slice %arg4[%dma_start3A_36] : memref<320000xi32, #tpu.memory_space<hbm>> -> memref<160000xi32, #tpu.memory_space<hbm>>
    %dma_start3A_38 = tpu.memref_slice %dma_start3A_37[%add3A_32] : memref<160000xi32, #tpu.memory_space<hbm>> -> memref<96xi32, #tpu.memory_space<hbm>>
    tpu.enqueue_dma source(%dma_start3A_38 : memref<96xi32, #tpu.memory_space<hbm>>) target(%arg9 : memref<96xi32, #tpu.memory_space<vmem>>) target_semaphore(%arg28 : memref<!tpu.dma_semaphore, #tpu.memory_space<semaphore_mem>>)
    %add3A_39 = arith.constant 192 : i32
    %add3A_40 = arith.addi %mul3A_0, %add3A_39 : i32
    %dma_start3A_41 = arith.constant 160000 : i32
    %dma_start3A_42 = tpu.memref_slice %arg4[%dma_start3A_41] : memref<320000xi32, #tpu.memory_space<hbm>> -> memref<160000xi32, #tpu.memory_space<hbm>>
    %dma_start3A_43 = tpu.memref_slice %dma_start3A_42[%add3A_40] : memref<160000xi32, #tpu.memory_space<hbm>> -> memref<96xi32, #tpu.memory_space<hbm>>
    %dma_start3A_44 = arith.constant 160000 : i32
    %dma_start3A_45 = tpu.memref_slice %arg4[%dma_start3A_44] : memref<320000xi32, #tpu.memory_space<hbm>> -> memref<160000xi32, #tpu.memory_space<hbm>>
    %dma_start3A_46 = tpu.memref_slice %dma_start3A_45[%add3A_40] : memref<160000xi32, #tpu.memory_space<hbm>> -> memref<96xi32, #tpu.memory_space<hbm>>
    tpu.enqueue_dma source(%dma_start3A_46 : memref<96xi32, #tpu.memory_space<hbm>>) target(%arg13 : memref<96xi32, #tpu.memory_space<vmem>>) target_semaphore(%arg28 : memref<!tpu.dma_semaphore, #tpu.memory_space<semaphore_mem>>)
    %mul3A_47 = arith.constant 624 : i32
    %mul3A_48 = arith.muli %arg1, %mul3A_47 : i32
    "tpu.region"() ({
      %run_scoped3A = tpu.sem_alloc : memref<!tpu.dma_semaphore, #tpu.memory_space<semaphore_mem>>
      %dma_start3A_174 = arith.constant 0 : i32
      %dma_start3A_175 = tpu.memref_slice %arg21[%mul3A_48, %dma_start3A_174] : memref<10000x128xf32, #tpu.memory_space<vmem_shared>> -> memref<624x128xf32, #tpu.memory_space<vmem_shared>>
      %dma_start3A_176 = arith.constant 0 : i32
      %dma_start3A_177 = arith.constant 0 : i32
      %dma_start3A_178 = tpu.memref_slice %arg5[%dma_start3A_176, %dma_start3A_177] : memref<625x128xf32, #tpu.memory_space<hbm>> -> memref<624x128xf32, #tpu.memory_space<hbm>>
      tpu.enqueue_dma source(%dma_start3A_178 : memref<624x128xf32, #tpu.memory_space<hbm>>) target(%dma_start3A_175 : memref<624x128xf32, #tpu.memory_space<vmem_shared>>) target_semaphore(%run_scoped3A : memref<!tpu.dma_semaphore, #tpu.memory_space<semaphore_mem>>)
      %dma_wait3A_179 = arith.constant 0 : i32
      %dma_wait3A_180 = tpu.memref_slice %arg21[%mul3A_48, %dma_wait3A_179] : memref<10000x128xf32, #tpu.memory_space<vmem_shared>> -> memref<624x128xf32, #tpu.memory_space<vmem_shared>>
      %dma_wait3A_181 = arith.constant 0 : i32
      %dma_wait3A_182 = arith.constant 0 : i32
      %dma_wait3A_183 = tpu.memref_slice %arg5[%dma_wait3A_181, %dma_wait3A_182] : memref<625x128xf32, #tpu.memory_space<hbm>> -> memref<624x128xf32, #tpu.memory_space<hbm>>
      tpu.wait_dma2 semaphore(%run_scoped3A : memref<!tpu.dma_semaphore, #tpu.memory_space<semaphore_mem>>) src(%dma_wait3A_183 : memref<624x128xf32, #tpu.memory_space<hbm>>) dst(%dma_wait3A_180 : memref<624x128xf32, #tpu.memory_space<vmem_shared>>)
      tpu.yield
    }) : () -> ()
    %eq3A = arith.constant 15 : i32
    %eq3A_49 = arith.cmpi eq, %arg1, %eq3A : i32
    %convert_element_type3A = arith.extui %eq3A_49 : i1 to i32
    %cond3A = arith.constant 0 : i32
    %cond3A_50 = arith.cmpi ne, %convert_element_type3A, %cond3A : i32
    scf.if %cond3A_50 {
      "tpu.region"() ({
        %run_scoped3A = tpu.sem_alloc : memref<!tpu.dma_semaphore, #tpu.memory_space<semaphore_mem>>
        %dma_start3A_174 = arith.constant 9984 : i32
        %dma_start3A_175 = arith.constant 0 : i32
        %dma_start3A_176 = tpu.memref_slice %arg21[%dma_start3A_174, %dma_start3A_175] : memref<10000x128xf32, #tpu.memory_space<vmem_shared>> -> memref<16x128xf32, #tpu.memory_space<vmem_shared>>
        %dma_start3A_177 = arith.constant 0 : i32
        %dma_start3A_178 = arith.constant 0 : i32
        %dma_start3A_179 = tpu.memref_slice %arg5[%dma_start3A_177, %dma_start3A_178] : memref<625x128xf32, #tpu.memory_space<hbm>> -> memref<16x128xf32, #tpu.memory_space<hbm>>
        tpu.enqueue_dma source(%dma_start3A_179 : memref<16x128xf32, #tpu.memory_space<hbm>>) target(%dma_start3A_176 : memref<16x128xf32, #tpu.memory_space<vmem_shared>>) target_semaphore(%run_scoped3A : memref<!tpu.dma_semaphore, #tpu.memory_space<semaphore_mem>>)
        %dma_wait3A_180 = arith.constant 9984 : i32
        %dma_wait3A_181 = arith.constant 0 : i32
        %dma_wait3A_182 = tpu.memref_slice %arg21[%dma_wait3A_180, %dma_wait3A_181] : memref<10000x128xf32, #tpu.memory_space<vmem_shared>> -> memref<16x128xf32, #tpu.memory_space<vmem_shared>>
        %dma_wait3A_183 = arith.constant 0 : i32
        %dma_wait3A_184 = arith.constant 0 : i32
        %dma_wait3A_185 = tpu.memref_slice %arg5[%dma_wait3A_183, %dma_wait3A_184] : memref<625x128xf32, #tpu.memory_space<hbm>> -> memref<16x128xf32, #tpu.memory_space<hbm>>
        tpu.wait_dma2 semaphore(%run_scoped3A : memref<!tpu.dma_semaphore, #tpu.memory_space<semaphore_mem>>) src(%dma_wait3A_185 : memref<16x128xf32, #tpu.memory_space<hbm>>) dst(%dma_wait3A_182 : memref<16x128xf32, #tpu.memory_space<vmem_shared>>)
        tpu.yield
      }) : () -> ()
    } else {
    }
    %dma_wait3A = arith.constant 0 : i32
    %dma_wait3A_51 = tpu.memref_slice %arg4[%dma_wait3A] : memref<320000xi32, #tpu.memory_space<hbm>> -> memref<160000xi32, #tpu.memory_space<hbm>>
    %dma_wait3A_52 = arith.constant 0 : i32
    %dma_wait3A_53 = tpu.memref_slice %dma_wait3A_51[%dma_wait3A_52] : memref<160000xi32, #tpu.memory_space<hbm>> -> memref<96xi32, #tpu.memory_space<hbm>>
    %dma_wait3A_54 = arith.constant 0 : i32
    %dma_wait3A_55 = tpu.memref_slice %arg4[%dma_wait3A_54] : memref<320000xi32, #tpu.memory_space<hbm>> -> memref<160000xi32, #tpu.memory_space<hbm>>
    %dma_wait3A_56 = arith.constant 0 : i32
    %dma_wait3A_57 = tpu.memref_slice %dma_wait3A_55[%dma_wait3A_56] : memref<160000xi32, #tpu.memory_space<hbm>> -> memref<96xi32, #tpu.memory_space<hbm>>
    tpu.wait_dma2 semaphore(%arg26 : memref<!tpu.dma_semaphore, #tpu.memory_space<semaphore_mem>>) src(%dma_wait3A_57 : memref<96xi32, #tpu.memory_space<hbm>>) dst(%arg7 : memref<96xi32, #tpu.memory_space<vmem>>)
    %dma_wait3A_58 = arith.constant 160000 : i32
    %dma_wait3A_59 = tpu.memref_slice %arg4[%dma_wait3A_58] : memref<320000xi32, #tpu.memory_space<hbm>> -> memref<160000xi32, #tpu.memory_space<hbm>>
    %dma_wait3A_60 = arith.constant 0 : i32
    %dma_wait3A_61 = tpu.memref_slice %dma_wait3A_59[%dma_wait3A_60] : memref<160000xi32, #tpu.memory_space<hbm>> -> memref<96xi32, #tpu.memory_space<hbm>>
    %dma_wait3A_62 = arith.constant 160000 : i32
    %dma_wait3A_63 = tpu.memref_slice %arg4[%dma_wait3A_62] : memref<320000xi32, #tpu.memory_space<hbm>> -> memref<160000xi32, #tpu.memory_space<hbm>>
    %dma_wait3A_64 = arith.constant 0 : i32
    %dma_wait3A_65 = tpu.memref_slice %dma_wait3A_63[%dma_wait3A_64] : memref<160000xi32, #tpu.memory_space<hbm>> -> memref<96xi32, #tpu.memory_space<hbm>>
    tpu.wait_dma2 semaphore(%arg26 : memref<!tpu.dma_semaphore, #tpu.memory_space<semaphore_mem>>) src(%dma_wait3A_65 : memref<96xi32, #tpu.memory_space<hbm>>) dst(%arg11 : memref<96xi32, #tpu.memory_space<vmem>>)
    %eq3A_66 = arith.constant 0 : i32
    %eq3A_67 = arith.cmpi eq, %arg0, %eq3A_66 : i32
    %convert_element_type3A_68 = arith.extui %eq3A_67 : i1 to i32
    %cond3A_69 = arith.constant 0 : i32
    %cond3A_70 = arith.cmpi ne, %convert_element_type3A_68, %cond3A_69 : i32
    scf.if %cond3A_70 {
      %dma_start3A_174 = arith.constant 0 : i32
      %dma_start3A_175 = arith.constant 0 : i32
      %dma_start3A_176 = tpu.memref_slice %arg2[%dma_start3A_174, %dma_start3A_175] : memref<10000x128xf32, #tpu.memory_space<hbm>> -> memref<10000x128xf32, #tpu.memory_space<hbm>>
      tpu.enqueue_indirect_dma source(%dma_start3A_176 : memref<10000x128xf32, #tpu.memory_space<hbm>>) target(%arg15 : memref<96x128xf32, #tpu.memory_space<vmem>>) offsets(%arg7 : memref<96xi32, #tpu.memory_space<vmem>>) semaphore(%arg22 : memref<!tpu.dma_semaphore, #tpu.memory_space<semaphore_mem>>)
    } else {
    }
    %eq3A_71 = arith.constant 1 : i32
    %eq3A_72 = arith.cmpi eq, %arg0, %eq3A_71 : i32
    %convert_element_type3A_73 = arith.extui %eq3A_72 : i1 to i32
    %cond3A_74 = arith.constant 0 : i32
    %cond3A_75 = arith.cmpi ne, %convert_element_type3A_73, %cond3A_74 : i32
    scf.if %cond3A_75 {
      %dma_start3A_174 = arith.constant 0 : i32
      %dma_start3A_175 = arith.constant 0 : i32
      %dma_start3A_176 = tpu.memref_slice %arg3[%dma_start3A_174, %dma_start3A_175] : memref<10000x128xf32, #tpu.memory_space<hbm>> -> memref<10000x128xf32, #tpu.memory_space<hbm>>
      tpu.enqueue_indirect_dma source(%dma_start3A_176 : memref<10000x128xf32, #tpu.memory_space<hbm>>) target(%arg15 : memref<96x128xf32, #tpu.memory_space<vmem>>) offsets(%arg7 : memref<96xi32, #tpu.memory_space<vmem>>) semaphore(%arg22 : memref<!tpu.dma_semaphore, #tpu.memory_space<semaphore_mem>>)
    } else {
    }
    %dma_wait3A_76 = arith.constant 0 : i32
    %dma_wait3A_77 = tpu.memref_slice %arg4[%dma_wait3A_76] : memref<320000xi32, #tpu.memory_space<hbm>> -> memref<160000xi32, #tpu.memory_space<hbm>>
    %dma_wait3A_78 = arith.constant 0 : i32
    %dma_wait3A_79 = tpu.memref_slice %dma_wait3A_77[%dma_wait3A_78] : memref<160000xi32, #tpu.memory_space<hbm>> -> memref<96xi32, #tpu.memory_space<hbm>>
    %dma_wait3A_80 = arith.constant 0 : i32
    %dma_wait3A_81 = tpu.memref_slice %arg4[%dma_wait3A_80] : memref<320000xi32, #tpu.memory_space<hbm>> -> memref<160000xi32, #tpu.memory_space<hbm>>
    %dma_wait3A_82 = arith.constant 0 : i32
    %dma_wait3A_83 = tpu.memref_slice %dma_wait3A_81[%dma_wait3A_82] : memref<160000xi32, #tpu.memory_space<hbm>> -> memref<96xi32, #tpu.memory_space<hbm>>
    tpu.wait_dma2 semaphore(%arg27 : memref<!tpu.dma_semaphore, #tpu.memory_space<semaphore_mem>>) src(%dma_wait3A_83 : memref<96xi32, #tpu.memory_space<hbm>>) dst(%arg8 : memref<96xi32, #tpu.memory_space<vmem>>)
    %dma_wait3A_84 = arith.constant 160000 : i32
    %dma_wait3A_85 = tpu.memref_slice %arg4[%dma_wait3A_84] : memref<320000xi32, #tpu.memory_space<hbm>> -> memref<160000xi32, #tpu.memory_space<hbm>>
    %dma_wait3A_86 = arith.constant 0 : i32
    %dma_wait3A_87 = tpu.memref_slice %dma_wait3A_85[%dma_wait3A_86] : memref<160000xi32, #tpu.memory_space<hbm>> -> memref<96xi32, #tpu.memory_space<hbm>>
    %dma_wait3A_88 = arith.constant 160000 : i32
    %dma_wait3A_89 = tpu.memref_slice %arg4[%dma_wait3A_88] : memref<320000xi32, #tpu.memory_space<hbm>> -> memref<160000xi32, #tpu.memory_space<hbm>>
    %dma_wait3A_90 = arith.constant 0 : i32
    %dma_wait3A_91 = tpu.memref_slice %dma_wait3A_89[%dma_wait3A_90] : memref<160000xi32, #tpu.memory_space<hbm>> -> memref<96xi32, #tpu.memory_space<hbm>>
    tpu.wait_dma2 semaphore(%arg27 : memref<!tpu.dma_semaphore, #tpu.memory_space<semaphore_mem>>) src(%dma_wait3A_91 : memref<96xi32, #tpu.memory_space<hbm>>) dst(%arg12 : memref<96xi32, #tpu.memory_space<vmem>>)
    %eq3A_92 = arith.constant 0 : i32
    %eq3A_93 = arith.cmpi eq, %arg0, %eq3A_92 : i32
    %convert_element_type3A_94 = arith.extui %eq3A_93 : i1 to i32
    %cond3A_95 = arith.constant 0 : i32
    %cond3A_96 = arith.cmpi ne, %convert_element_type3A_94, %cond3A_95 : i32
    scf.if %cond3A_96 {
      %dma_start3A_174 = arith.constant 0 : i32
      %dma_start3A_175 = arith.constant 0 : i32
      %dma_start3A_176 = tpu.memref_slice %arg2[%dma_start3A_174, %dma_start3A_175] : memref<10000x128xf32, #tpu.memory_space<hbm>> -> memref<10000x128xf32, #tpu.memory_space<hbm>>
      tpu.enqueue_indirect_dma source(%dma_start3A_176 : memref<10000x128xf32, #tpu.memory_space<hbm>>) target(%arg16 : memref<96x128xf32, #tpu.memory_space<vmem>>) offsets(%arg8 : memref<96xi32, #tpu.memory_space<vmem>>) semaphore(%arg23 : memref<!tpu.dma_semaphore, #tpu.memory_space<semaphore_mem>>)
    } else {
    }
    %eq3A_97 = arith.constant 1 : i32
    %eq3A_98 = arith.cmpi eq, %arg0, %eq3A_97 : i32
    %convert_element_type3A_99 = arith.extui %eq3A_98 : i1 to i32
    %cond3A_100 = arith.constant 0 : i32
    %cond3A_101 = arith.cmpi ne, %convert_element_type3A_99, %cond3A_100 : i32
    scf.if %cond3A_101 {
      %dma_start3A_174 = arith.constant 0 : i32
      %dma_start3A_175 = arith.constant 0 : i32
      %dma_start3A_176 = tpu.memref_slice %arg3[%dma_start3A_174, %dma_start3A_175] : memref<10000x128xf32, #tpu.memory_space<hbm>> -> memref<10000x128xf32, #tpu.memory_space<hbm>>
      tpu.enqueue_indirect_dma source(%dma_start3A_176 : memref<10000x128xf32, #tpu.memory_space<hbm>>) target(%arg16 : memref<96x128xf32, #tpu.memory_space<vmem>>) offsets(%arg8 : memref<96xi32, #tpu.memory_space<vmem>>) semaphore(%arg23 : memref<!tpu.dma_semaphore, #tpu.memory_space<semaphore_mem>>)
    } else {
    }
    %dma_wait3A_102 = arith.constant 0 : i32
    %dma_wait3A_103 = tpu.memref_slice %arg4[%dma_wait3A_102] : memref<320000xi32, #tpu.memory_space<hbm>> -> memref<160000xi32, #tpu.memory_space<hbm>>
    %dma_wait3A_104 = arith.constant 0 : i32
    %dma_wait3A_105 = tpu.memref_slice %dma_wait3A_103[%dma_wait3A_104] : memref<160000xi32, #tpu.memory_space<hbm>> -> memref<96xi32, #tpu.memory_space<hbm>>
    %dma_wait3A_106 = arith.constant 0 : i32
    %dma_wait3A_107 = tpu.memref_slice %arg4[%dma_wait3A_106] : memref<320000xi32, #tpu.memory_space<hbm>> -> memref<160000xi32, #tpu.memory_space<hbm>>
    %dma_wait3A_108 = arith.constant 0 : i32
    %dma_wait3A_109 = tpu.memref_slice %dma_wait3A_107[%dma_wait3A_108] : memref<160000xi32, #tpu.memory_space<hbm>> -> memref<96xi32, #tpu.memory_space<hbm>>
    tpu.wait_dma2 semaphore(%arg28 : memref<!tpu.dma_semaphore, #tpu.memory_space<semaphore_mem>>) src(%dma_wait3A_109 : memref<96xi32, #tpu.memory_space<hbm>>) dst(%arg9 : memref<96xi32, #tpu.memory_space<vmem>>)
    %dma_wait3A_110 = arith.constant 160000 : i32
    %dma_wait3A_111 = tpu.memref_slice %arg4[%dma_wait3A_110] : memref<320000xi32, #tpu.memory_space<hbm>> -> memref<160000xi32, #tpu.memory_space<hbm>>
    %dma_wait3A_112 = arith.constant 0 : i32
    %dma_wait3A_113 = tpu.memref_slice %dma_wait3A_111[%dma_wait3A_112] : memref<160000xi32, #tpu.memory_space<hbm>> -> memref<96xi32, #tpu.memory_space<hbm>>
    %dma_wait3A_114 = arith.constant 160000 : i32
    %dma_wait3A_115 = tpu.memref_slice %arg4[%dma_wait3A_114] : memref<320000xi32, #tpu.memory_space<hbm>> -> memref<160000xi32, #tpu.memory_space<hbm>>
    %dma_wait3A_116 = arith.constant 0 : i32
    %dma_wait3A_117 = tpu.memref_slice %dma_wait3A_115[%dma_wait3A_116] : memref<160000xi32, #tpu.memory_space<hbm>> -> memref<96xi32, #tpu.memory_space<hbm>>
    tpu.wait_dma2 semaphore(%arg28 : memref<!tpu.dma_semaphore, #tpu.memory_space<semaphore_mem>>) src(%dma_wait3A_117 : memref<96xi32, #tpu.memory_space<hbm>>) dst(%arg13 : memref<96xi32, #tpu.memory_space<vmem>>)
    %eq3A_118 = arith.constant 0 : i32
    %eq3A_119 = arith.cmpi eq, %arg0, %eq3A_118 : i32
    %convert_element_type3A_120 = arith.extui %eq3A_119 : i1 to i32
    %cond3A_121 = arith.constant 0 : i32
    %cond3A_122 = arith.cmpi ne, %convert_element_type3A_120, %cond3A_121 : i32
    scf.if %cond3A_122 {
      %dma_start3A_174 = arith.constant 0 : i32
      %dma_start3A_175 = arith.constant 0 : i32
      %dma_start3A_176 = tpu.memref_slice %arg2[%dma_start3A_174, %dma_start3A_175] : memref<10000x128xf32, #tpu.memory_space<hbm>> -> memref<10000x128xf32, #tpu.memory_space<hbm>>
      tpu.enqueue_indirect_dma source(%dma_start3A_176 : memref<10000x128xf32, #tpu.memory_space<hbm>>) target(%arg17 : memref<96x128xf32, #tpu.memory_space<vmem>>) offsets(%arg9 : memref<96xi32, #tpu.memory_space<vmem>>) semaphore(%arg24 : memref<!tpu.dma_semaphore, #tpu.memory_space<semaphore_mem>>)
    } else {
    }
    %eq3A_123 = arith.constant 1 : i32
    %eq3A_124 = arith.cmpi eq, %arg0, %eq3A_123 : i32
    %convert_element_type3A_125 = arith.extui %eq3A_124 : i1 to i32
    %cond3A_126 = arith.constant 0 : i32
    %cond3A_127 = arith.cmpi ne, %convert_element_type3A_125, %cond3A_126 : i32
    scf.if %cond3A_127 {
      %dma_start3A_174 = arith.constant 0 : i32
      %dma_start3A_175 = arith.constant 0 : i32
      %dma_start3A_176 = tpu.memref_slice %arg3[%dma_start3A_174, %dma_start3A_175] : memref<10000x128xf32, #tpu.memory_space<hbm>> -> memref<10000x128xf32, #tpu.memory_space<hbm>>
      tpu.enqueue_indirect_dma source(%dma_start3A_176 : memref<10000x128xf32, #tpu.memory_space<hbm>>) target(%arg17 : memref<96x128xf32, #tpu.memory_space<vmem>>) offsets(%arg9 : memref<96xi32, #tpu.memory_space<vmem>>) semaphore(%arg24 : memref<!tpu.dma_semaphore, #tpu.memory_space<semaphore_mem>>)
    } else {
    }
    %add3A_128 = arith.constant 288 : i32
    %add3A_129 = arith.addi %mul3A_0, %add3A_128 : i32
    %dma_start3A_130 = arith.constant 0 : i32
    %dma_start3A_131 = tpu.memref_slice %arg4[%dma_start3A_130] : memref<320000xi32, #tpu.memory_space<hbm>> -> memref<160000xi32, #tpu.memory_space<hbm>>
    %dma_start3A_132 = tpu.memref_slice %dma_start3A_131[%add3A_129] : memref<160000xi32, #tpu.memory_space<hbm>> -> memref<96xi32, #tpu.memory_space<hbm>>
    %dma_start3A_133 = arith.constant 0 : i32
    %dma_start3A_134 = tpu.memref_slice %arg4[%dma_start3A_133] : memref<320000xi32, #tpu.memory_space<hbm>> -> memref<160000xi32, #tpu.memory_space<hbm>>
    %dma_start3A_135 = tpu.memref_slice %dma_start3A_134[%add3A_129] : memref<160000xi32, #tpu.memory_space<hbm>> -> memref<96xi32, #tpu.memory_space<hbm>>
    tpu.enqueue_dma source(%dma_start3A_135 : memref<96xi32, #tpu.memory_space<hbm>>) target(%arg10 : memref<96xi32, #tpu.memory_space<vmem>>) target_semaphore(%arg29 : memref<!tpu.dma_semaphore, #tpu.memory_space<semaphore_mem>>)
    %add3A_136 = arith.constant 288 : i32
    %add3A_137 = arith.addi %mul3A_0, %add3A_136 : i32
    %dma_start3A_138 = arith.constant 160000 : i32
    %dma_start3A_139 = tpu.memref_slice %arg4[%dma_start3A_138] : memref<320000xi32, #tpu.memory_space<hbm>> -> memref<160000xi32, #tpu.memory_space<hbm>>
    %dma_start3A_140 = tpu.memref_slice %dma_start3A_139[%add3A_137] : memref<160000xi32, #tpu.memory_space<hbm>> -> memref<96xi32, #tpu.memory_space<hbm>>
    %dma_start3A_141 = arith.constant 160000 : i32
    %dma_start3A_142 = tpu.memref_slice %arg4[%dma_start3A_141] : memref<320000xi32, #tpu.memory_space<hbm>> -> memref<160000xi32, #tpu.memory_space<hbm>>
    %dma_start3A_143 = tpu.memref_slice %dma_start3A_142[%add3A_137] : memref<160000xi32, #tpu.memory_space<hbm>> -> memref<96xi32, #tpu.memory_space<hbm>>
    tpu.enqueue_dma source(%dma_start3A_143 : memref<96xi32, #tpu.memory_space<hbm>>) target(%arg14 : memref<96xi32, #tpu.memory_space<vmem>>) target_semaphore(%arg29 : memref<!tpu.dma_semaphore, #tpu.memory_space<semaphore_mem>>)
    %barrier3A = arith.constant 0 : index
    tpu.barrier barrier_id(%barrier3A)
    %scan3A = arith.constant 0 : i32
    %scan3A_144 = arith.constant 0 : i32
    %scan3A_145 = arith.constant 26 : i32
    %scan3A_146 = arith.addi %scan3A_144, %scan3A_145 : i32
    %scan3A_147 = arith.constant 1 : i32
    scf.for %scan3A_174 = %scan3A_144 to %scan3A_146 step %scan3A_147  : i32 {
      %mul3A_175 = arith.constant 4 : i32
      %mul3A_176 = arith.muli %mul3A_175, %scan3A_174 : i32
      %add3A_177 = arith.constant 0 : i32
      %add3A_178 = arith.addi %mul3A_176, %add3A_177 : i32
      %dma_wait3A_179 = arith.constant 0 : i32
      %dma_wait3A_180 = arith.constant 0 : i32
      %dma_wait3A_181 = tpu.memref_slice %arg2[%dma_wait3A_179, %dma_wait3A_180] : memref<10000x128xf32, #tpu.memory_space<hbm>> -> memref<10000x128xf32, #tpu.memory_space<hbm>>
      tpu.wait_indirect_dma semaphore(%arg22 : memref<!tpu.dma_semaphore, #tpu.memory_space<semaphore_mem>>) src(%dma_wait3A_181 : memref<10000x128xf32, #tpu.memory_space<hbm>>) dst(%arg15 : memref<96x128xf32, #tpu.memory_space<vmem>>)
      %add3A_182 = arith.constant 3 : i32
      %add3A_183 = arith.addi %add3A_178, %add3A_182 : i32
      %lt3A = arith.constant 104 : i32
      %lt3A_184 = arith.cmpi slt, %add3A_183, %lt3A : i32
      %convert_element_type3A_185 = arith.extui %lt3A_184 : i1 to i32
      %cond3A_186 = arith.constant 0 : i32
      %cond3A_187 = arith.cmpi ne, %convert_element_type3A_185, %cond3A_186 : i32
      scf.if %cond3A_187 {
        %dma_wait3A_258 = arith.constant 0 : i32
        %dma_wait3A_259 = tpu.memref_slice %arg4[%dma_wait3A_258] : memref<320000xi32, #tpu.memory_space<hbm>> -> memref<160000xi32, #tpu.memory_space<hbm>>
        %dma_wait3A_260 = arith.constant 0 : i32
        %dma_wait3A_261 = tpu.memref_slice %dma_wait3A_259[%dma_wait3A_260] : memref<160000xi32, #tpu.memory_space<hbm>> -> memref<96xi32, #tpu.memory_space<hbm>>
        %dma_wait3A_262 = arith.constant 0 : i32
        %dma_wait3A_263 = tpu.memref_slice %arg4[%dma_wait3A_262] : memref<320000xi32, #tpu.memory_space<hbm>> -> memref<160000xi32, #tpu.memory_space<hbm>>
        %dma_wait3A_264 = arith.constant 0 : i32
        %dma_wait3A_265 = tpu.memref_slice %dma_wait3A_263[%dma_wait3A_264] : memref<160000xi32, #tpu.memory_space<hbm>> -> memref<96xi32, #tpu.memory_space<hbm>>
        tpu.wait_dma2 semaphore(%arg29 : memref<!tpu.dma_semaphore, #tpu.memory_space<semaphore_mem>>) src(%dma_wait3A_265 : memref<96xi32, #tpu.memory_space<hbm>>) dst(%arg10 : memref<96xi32, #tpu.memory_space<vmem>>)
        %dma_wait3A_266 = arith.constant 160000 : i32
        %dma_wait3A_267 = tpu.memref_slice %arg4[%dma_wait3A_266] : memref<320000xi32, #tpu.memory_space<hbm>> -> memref<160000xi32, #tpu.memory_space<hbm>>
        %dma_wait3A_268 = arith.constant 0 : i32
        %dma_wait3A_269 = tpu.memref_slice %dma_wait3A_267[%dma_wait3A_268] : memref<160000xi32, #tpu.memory_space<hbm>> -> memref<96xi32, #tpu.memory_space<hbm>>
        %dma_wait3A_270 = arith.constant 160000 : i32
        %dma_wait3A_271 = tpu.memref_slice %arg4[%dma_wait3A_270] : memref<320000xi32, #tpu.memory_space<hbm>> -> memref<160000xi32, #tpu.memory_space<hbm>>
        %dma_wait3A_272 = arith.constant 0 : i32
        %dma_wait3A_273 = tpu.memref_slice %dma_wait3A_271[%dma_wait3A_272] : memref<160000xi32, #tpu.memory_space<hbm>> -> memref<96xi32, #tpu.memory_space<hbm>>
        tpu.wait_dma2 semaphore(%arg29 : memref<!tpu.dma_semaphore, #tpu.memory_space<semaphore_mem>>) src(%dma_wait3A_273 : memref<96xi32, #tpu.memory_space<hbm>>) dst(%arg14 : memref<96xi32, #tpu.memory_space<vmem>>)
        %eq3A_274 = arith.constant 0 : i32
        %eq3A_275 = arith.cmpi eq, %arg0, %eq3A_274 : i32
        %convert_element_type3A_276 = arith.extui %eq3A_275 : i1 to i32
        %cond3A_277 = arith.constant 0 : i32
        %cond3A_278 = arith.cmpi ne, %convert_element_type3A_276, %cond3A_277 : i32
        scf.if %cond3A_278 {
          %dma_start3A_284 = arith.constant 0 : i32
          %dma_start3A_285 = arith.constant 0 : i32
          %dma_start3A_286 = tpu.memref_slice %arg2[%dma_start3A_284, %dma_start3A_285] : memref<10000x128xf32, #tpu.memory_space<hbm>> -> memref<10000x128xf32, #tpu.memory_space<hbm>>
          tpu.enqueue_indirect_dma source(%dma_start3A_286 : memref<10000x128xf32, #tpu.memory_space<hbm>>) target(%arg18 : memref<96x128xf32, #tpu.memory_space<vmem>>) offsets(%arg10 : memref<96xi32, #tpu.memory_space<vmem>>) semaphore(%arg25 : memref<!tpu.dma_semaphore, #tpu.memory_space<semaphore_mem>>)
        } else {
        }
        %eq3A_279 = arith.constant 1 : i32
        %eq3A_280 = arith.cmpi eq, %arg0, %eq3A_279 : i32
        %convert_element_type3A_281 = arith.extui %eq3A_280 : i1 to i32
        %cond3A_282 = arith.constant 0 : i32
        %cond3A_283 = arith.cmpi ne, %convert_element_type3A_281, %cond3A_282 : i32
        scf.if %cond3A_283 {
          %dma_start3A_284 = arith.constant 0 : i32
          %dma_start3A_285 = arith.constant 0 : i32
          %dma_start3A_286 = tpu.memref_slice %arg3[%dma_start3A_284, %dma_start3A_285] : memref<10000x128xf32, #tpu.memory_space<hbm>> -> memref<10000x128xf32, #tpu.memory_space<hbm>>
          tpu.enqueue_indirect_dma source(%dma_start3A_286 : memref<10000x128xf32, #tpu.memory_space<hbm>>) target(%arg18 : memref<96x128xf32, #tpu.memory_space<vmem>>) offsets(%arg10 : memref<96xi32, #tpu.memory_space<vmem>>) semaphore(%arg25 : memref<!tpu.dma_semaphore, #tpu.memory_space<semaphore_mem>>)
        } else {
        }
      } else {
      }
      "tpu.region"() ({
        %run_scoped3A = tpu.sem_alloc : memref<!tpu.dma_semaphore, #tpu.memory_space<semaphore_mem>>
        %dma_start3A_258 = arith.constant 0 : i32
        %dma_start3A_259 = arith.constant 0 : i32
        %dma_start3A_260 = tpu.memref_slice %arg21[%dma_start3A_258, %dma_start3A_259] : memref<10000x128xf32, #tpu.memory_space<vmem_shared>> -> memref<10000x128xf32, #tpu.memory_space<vmem_shared>>
        tpu.enqueue_indirect_dma source(%arg15 : memref<96x128xf32, #tpu.memory_space<vmem>>) target(%dma_start3A_260 : memref<10000x128xf32, #tpu.memory_space<vmem_shared>>) offsets(%arg11 : memref<96xi32, #tpu.memory_space<vmem>>) semaphore(%run_scoped3A : memref<!tpu.dma_semaphore, #tpu.memory_space<semaphore_mem>>) {add = true}
        %dma_wait3A_261 = arith.constant 0 : i32
        %dma_wait3A_262 = arith.constant 0 : i32
        %dma_wait3A_263 = tpu.memref_slice %arg21[%dma_wait3A_261, %dma_wait3A_262] : memref<10000x128xf32, #tpu.memory_space<vmem_shared>> -> memref<10000x128xf32, #tpu.memory_space<vmem_shared>>
        tpu.wait_indirect_dma semaphore(%run_scoped3A : memref<!tpu.dma_semaphore, #tpu.memory_space<semaphore_mem>>) src(%arg15 : memref<96x128xf32, #tpu.memory_space<vmem>>) dst(%dma_wait3A_263 : memref<10000x128xf32, #tpu.memory_space<vmem_shared>>)
        tpu.yield
      }) : () -> ()
      %add3A_188 = arith.constant 4 : i32
      %add3A_189 = arith.addi %add3A_178, %add3A_188 : i32
      %lt3A_190 = arith.constant 104 : i32
      %lt3A_191 = arith.cmpi slt, %add3A_189, %lt3A_190 : i32
      %convert_element_type3A_192 = arith.extui %lt3A_191 : i1 to i32
      %cond3A_193 = arith.constant 0 : i32
      %cond3A_194 = arith.cmpi ne, %convert_element_type3A_192, %cond3A_193 : i32
      scf.if %cond3A_194 {
        %add3A_258 = arith.constant 4 : i32
        %add3A_259 = arith.addi %add3A_178, %add3A_258 : i32
        %mul3A_260 = arith.constant 96 : i32
        %mul3A_261 = arith.muli %add3A_259, %mul3A_260 : i32
        %add3A_262 = arith.addi %mul3A_0, %mul3A_261 : i32
        %dma_start3A_263 = arith.constant 0 : i32
        %dma_start3A_264 = tpu.memref_slice %arg4[%dma_start3A_263] : memref<320000xi32, #tpu.memory_space<hbm>> -> memref<160000xi32, #tpu.memory_space<hbm>>
        %dma_start3A_265 = tpu.memref_slice %dma_start3A_264[%add3A_262] : memref<160000xi32, #tpu.memory_space<hbm>> -> memref<96xi32, #tpu.memory_space<hbm>>
        %dma_start3A_266 = arith.constant 0 : i32
        %dma_start3A_267 = tpu.memref_slice %arg4[%dma_start3A_266] : memref<320000xi32, #tpu.memory_space<hbm>> -> memref<160000xi32, #tpu.memory_space<hbm>>
        %dma_start3A_268 = tpu.memref_slice %dma_start3A_267[%add3A_262] : memref<160000xi32, #tpu.memory_space<hbm>> -> memref<96xi32, #tpu.memory_space<hbm>>
        tpu.enqueue_dma source(%dma_start3A_268 : memref<96xi32, #tpu.memory_space<hbm>>) target(%arg7 : memref<96xi32, #tpu.memory_space<vmem>>) target_semaphore(%arg26 : memref<!tpu.dma_semaphore, #tpu.memory_space<semaphore_mem>>)
        %mul3A_269 = arith.constant 96 : i32
        %mul3A_270 = arith.muli %add3A_259, %mul3A_269 : i32
        %add3A_271 = arith.addi %mul3A_0, %mul3A_270 : i32
        %dma_start3A_272 = arith.constant 160000 : i32
        %dma_start3A_273 = tpu.memref_slice %arg4[%dma_start3A_272] : memref<320000xi32, #tpu.memory_space<hbm>> -> memref<160000xi32, #tpu.memory_space<hbm>>
        %dma_start3A_274 = tpu.memref_slice %dma_start3A_273[%add3A_271] : memref<160000xi32, #tpu.memory_space<hbm>> -> memref<96xi32, #tpu.memory_space<hbm>>
        %dma_start3A_275 = arith.constant 160000 : i32
        %dma_start3A_276 = tpu.memref_slice %arg4[%dma_start3A_275] : memref<320000xi32, #tpu.memory_space<hbm>> -> memref<160000xi32, #tpu.memory_space<hbm>>
        %dma_start3A_277 = tpu.memref_slice %dma_start3A_276[%add3A_271] : memref<160000xi32, #tpu.memory_space<hbm>> -> memref<96xi32, #tpu.memory_space<hbm>>
        tpu.enqueue_dma source(%dma_start3A_277 : memref<96xi32, #tpu.memory_space<hbm>>) target(%arg11 : memref<96xi32, #tpu.memory_space<vmem>>) target_semaphore(%arg26 : memref<!tpu.dma_semaphore, #tpu.memory_space<semaphore_mem>>)
      } else {
      }
      %mul3A_195 = arith.constant 4 : i32
      %mul3A_196 = arith.muli %mul3A_195, %scan3A_174 : i32
      %add3A_197 = arith.constant 1 : i32
      %add3A_198 = arith.addi %mul3A_196, %add3A_197 : i32
      %dma_wait3A_199 = arith.constant 0 : i32
      %dma_wait3A_200 = arith.constant 0 : i32
      %dma_wait3A_201 = tpu.memref_slice %arg2[%dma_wait3A_199, %dma_wait3A_200] : memref<10000x128xf32, #tpu.memory_space<hbm>> -> memref<10000x128xf32, #tpu.memory_space<hbm>>
      tpu.wait_indirect_dma semaphore(%arg23 : memref<!tpu.dma_semaphore, #tpu.memory_space<semaphore_mem>>) src(%dma_wait3A_201 : memref<10000x128xf32, #tpu.memory_space<hbm>>) dst(%arg16 : memref<96x128xf32, #tpu.memory_space<vmem>>)
      %add3A_202 = arith.constant 3 : i32
      %add3A_203 = arith.addi %add3A_198, %add3A_202 : i32
      %lt3A_204 = arith.constant 104 : i32
      %lt3A_205 = arith.cmpi slt, %add3A_203, %lt3A_204 : i32
      %convert_element_type3A_206 = arith.extui %lt3A_205 : i1 to i32
      %cond3A_207 = arith.constant 0 : i32
      %cond3A_208 = arith.cmpi ne, %convert_element_type3A_206, %cond3A_207 : i32
      scf.if %cond3A_208 {
        %dma_wait3A_258 = arith.constant 0 : i32
        %dma_wait3A_259 = tpu.memref_slice %arg4[%dma_wait3A_258] : memref<320000xi32, #tpu.memory_space<hbm>> -> memref<160000xi32, #tpu.memory_space<hbm>>
        %dma_wait3A_260 = arith.constant 0 : i32
        %dma_wait3A_261 = tpu.memref_slice %dma_wait3A_259[%dma_wait3A_260] : memref<160000xi32, #tpu.memory_space<hbm>> -> memref<96xi32, #tpu.memory_space<hbm>>
        %dma_wait3A_262 = arith.constant 0 : i32
        %dma_wait3A_263 = tpu.memref_slice %arg4[%dma_wait3A_262] : memref<320000xi32, #tpu.memory_space<hbm>> -> memref<160000xi32, #tpu.memory_space<hbm>>
        %dma_wait3A_264 = arith.constant 0 : i32
        %dma_wait3A_265 = tpu.memref_slice %dma_wait3A_263[%dma_wait3A_264] : memref<160000xi32, #tpu.memory_space<hbm>> -> memref<96xi32, #tpu.memory_space<hbm>>
        tpu.wait_dma2 semaphore(%arg26 : memref<!tpu.dma_semaphore, #tpu.memory_space<semaphore_mem>>) src(%dma_wait3A_265 : memref<96xi32, #tpu.memory_space<hbm>>) dst(%arg7 : memref<96xi32, #tpu.memory_space<vmem>>)
        %dma_wait3A_266 = arith.constant 160000 : i32
        %dma_wait3A_267 = tpu.memref_slice %arg4[%dma_wait3A_266] : memref<320000xi32, #tpu.memory_space<hbm>> -> memref<160000xi32, #tpu.memory_space<hbm>>
        %dma_wait3A_268 = arith.constant 0 : i32
        %dma_wait3A_269 = tpu.memref_slice %dma_wait3A_267[%dma_wait3A_268] : memref<160000xi32, #tpu.memory_space<hbm>> -> memref<96xi32, #tpu.memory_space<hbm>>
        %dma_wait3A_270 = arith.constant 160000 : i32
        %dma_wait3A_271 = tpu.memref_slice %arg4[%dma_wait3A_270] : memref<320000xi32, #tpu.memory_space<hbm>> -> memref<160000xi32, #tpu.memory_space<hbm>>
        %dma_wait3A_272 = arith.constant 0 : i32
        %dma_wait3A_273 = tpu.memref_slice %dma_wait3A_271[%dma_wait3A_272] : memref<160000xi32, #tpu.memory_space<hbm>> -> memref<96xi32, #tpu.memory_space<hbm>>
        tpu.wait_dma2 semaphore(%arg26 : memref<!tpu.dma_semaphore, #tpu.memory_space<semaphore_mem>>) src(%dma_wait3A_273 : memref<96xi32, #tpu.memory_space<hbm>>) dst(%arg11 : memref<96xi32, #tpu.memory_space<vmem>>)
        %eq3A_274 = arith.constant 0 : i32
        %eq3A_275 = arith.cmpi eq, %arg0, %eq3A_274 : i32
        %convert_element_type3A_276 = arith.extui %eq3A_275 : i1 to i32
        %cond3A_277 = arith.constant 0 : i32
        %cond3A_278 = arith.cmpi ne, %convert_element_type3A_276, %cond3A_277 : i32
        scf.if %cond3A_278 {
          %dma_start3A_284 = arith.constant 0 : i32
          %dma_start3A_285 = arith.constant 0 : i32
          %dma_start3A_286 = tpu.memref_slice %arg2[%dma_start3A_284, %dma_start3A_285] : memref<10000x128xf32, #tpu.memory_space<hbm>> -> memref<10000x128xf32, #tpu.memory_space<hbm>>
          tpu.enqueue_indirect_dma source(%dma_start3A_286 : memref<10000x128xf32, #tpu.memory_space<hbm>>) target(%arg15 : memref<96x128xf32, #tpu.memory_space<vmem>>) offsets(%arg7 : memref<96xi32, #tpu.memory_space<vmem>>) semaphore(%arg22 : memref<!tpu.dma_semaphore, #tpu.memory_space<semaphore_mem>>)
        } else {
        }
        %eq3A_279 = arith.constant 1 : i32
        %eq3A_280 = arith.cmpi eq, %arg0, %eq3A_279 : i32
        %convert_element_type3A_281 = arith.extui %eq3A_280 : i1 to i32
        %cond3A_282 = arith.constant 0 : i32
        %cond3A_283 = arith.cmpi ne, %convert_element_type3A_281, %cond3A_282 : i32
        scf.if %cond3A_283 {
          %dma_start3A_284 = arith.constant 0 : i32
          %dma_start3A_285 = arith.constant 0 : i32
          %dma_start3A_286 = tpu.memref_slice %arg3[%dma_start3A_284, %dma_start3A_285] : memref<10000x128xf32, #tpu.memory_space<hbm>> -> memref<10000x128xf32, #tpu.memory_space<hbm>>
          tpu.enqueue_indirect_dma source(%dma_start3A_286 : memref<10000x128xf32, #tpu.memory_space<hbm>>) target(%arg15 : memref<96x128xf32, #tpu.memory_space<vmem>>) offsets(%arg7 : memref<96xi32, #tpu.memory_space<vmem>>) semaphore(%arg22 : memref<!tpu.dma_semaphore, #tpu.memory_space<semaphore_mem>>)
        } else {
        }
      } else {
      }
      "tpu.region"() ({
        %run_scoped3A = tpu.sem_alloc : memref<!tpu.dma_semaphore, #tpu.memory_space<semaphore_mem>>
        %dma_start3A_258 = arith.constant 0 : i32
        %dma_start3A_259 = arith.constant 0 : i32
        %dma_start3A_260 = tpu.memref_slice %arg21[%dma_start3A_258, %dma_start3A_259] : memref<10000x128xf32, #tpu.memory_space<vmem_shared>> -> memref<10000x128xf32, #tpu.memory_space<vmem_shared>>
        tpu.enqueue_indirect_dma source(%arg16 : memref<96x128xf32, #tpu.memory_space<vmem>>) target(%dma_start3A_260 : memref<10000x128xf32, #tpu.memory_space<vmem_shared>>) offsets(%arg12 : memref<96xi32, #tpu.memory_space<vmem>>) semaphore(%run_scoped3A : memref<!tpu.dma_semaphore, #tpu.memory_space<semaphore_mem>>) {add = true}
        %dma_wait3A_261 = arith.constant 0 : i32
        %dma_wait3A_262 = arith.constant 0 : i32
        %dma_wait3A_263 = tpu.memref_slice %arg21[%dma_wait3A_261, %dma_wait3A_262] : memref<10000x128xf32, #tpu.memory_space<vmem_shared>> -> memref<10000x128xf32, #tpu.memory_space<vmem_shared>>
        tpu.wait_indirect_dma semaphore(%run_scoped3A : memref<!tpu.dma_semaphore, #tpu.memory_space<semaphore_mem>>) src(%arg16 : memref<96x128xf32, #tpu.memory_space<vmem>>) dst(%dma_wait3A_263 : memref<10000x128xf32, #tpu.memory_space<vmem_shared>>)
        tpu.yield
      }) : () -> ()
      %add3A_209 = arith.constant 4 : i32
      %add3A_210 = arith.addi %add3A_198, %add3A_209 : i32
      %lt3A_211 = arith.constant 104 : i32
      %lt3A_212 = arith.cmpi slt, %add3A_210, %lt3A_211 : i32
      %convert_element_type3A_213 = arith.extui %lt3A_212 : i1 to i32
      %cond3A_214 = arith.constant 0 : i32
      %cond3A_215 = arith.cmpi ne, %convert_element_type3A_213, %cond3A_214 : i32
      scf.if %cond3A_215 {
        %add3A_258 = arith.constant 4 : i32
        %add3A_259 = arith.addi %add3A_198, %add3A_258 : i32
        %mul3A_260 = arith.constant 96 : i32
        %mul3A_261 = arith.muli %add3A_259, %mul3A_260 : i32
        %add3A_262 = arith.addi %mul3A_0, %mul3A_261 : i32
        %dma_start3A_263 = arith.constant 0 : i32
        %dma_start3A_264 = tpu.memref_slice %arg4[%dma_start3A_263] : memref<320000xi32, #tpu.memory_space<hbm>> -> memref<160000xi32, #tpu.memory_space<hbm>>
        %dma_start3A_265 = tpu.memref_slice %dma_start3A_264[%add3A_262] : memref<160000xi32, #tpu.memory_space<hbm>> -> memref<96xi32, #tpu.memory_space<hbm>>
        %dma_start3A_266 = arith.constant 0 : i32
        %dma_start3A_267 = tpu.memref_slice %arg4[%dma_start3A_266] : memref<320000xi32, #tpu.memory_space<hbm>> -> memref<160000xi32, #tpu.memory_space<hbm>>
        %dma_start3A_268 = tpu.memref_slice %dma_start3A_267[%add3A_262] : memref<160000xi32, #tpu.memory_space<hbm>> -> memref<96xi32, #tpu.memory_space<hbm>>
        tpu.enqueue_dma source(%dma_start3A_268 : memref<96xi32, #tpu.memory_space<hbm>>) target(%arg8 : memref<96xi32, #tpu.memory_space<vmem>>) target_semaphore(%arg27 : memref<!tpu.dma_semaphore, #tpu.memory_space<semaphore_mem>>)
        %mul3A_269 = arith.constant 96 : i32
        %mul3A_270 = arith.muli %add3A_259, %mul3A_269 : i32
        %add3A_271 = arith.addi %mul3A_0, %mul3A_270 : i32
        %dma_start3A_272 = arith.constant 160000 : i32
        %dma_start3A_273 = tpu.memref_slice %arg4[%dma_start3A_272] : memref<320000xi32, #tpu.memory_space<hbm>> -> memref<160000xi32, #tpu.memory_space<hbm>>
        %dma_start3A_274 = tpu.memref_slice %dma_start3A_273[%add3A_271] : memref<160000xi32, #tpu.memory_space<hbm>> -> memref<96xi32, #tpu.memory_space<hbm>>
        %dma_start3A_275 = arith.constant 160000 : i32
        %dma_start3A_276 = tpu.memref_slice %arg4[%dma_start3A_275] : memref<320000xi32, #tpu.memory_space<hbm>> -> memref<160000xi32, #tpu.memory_space<hbm>>
        %dma_start3A_277 = tpu.memref_slice %dma_start3A_276[%add3A_271] : memref<160000xi32, #tpu.memory_space<hbm>> -> memref<96xi32, #tpu.memory_space<hbm>>
        tpu.enqueue_dma source(%dma_start3A_277 : memref<96xi32, #tpu.memory_space<hbm>>) target(%arg12 : memref<96xi32, #tpu.memory_space<vmem>>) target_semaphore(%arg27 : memref<!tpu.dma_semaphore, #tpu.memory_space<semaphore_mem>>)
      } else {
      }
      %mul3A_216 = arith.constant 4 : i32
      %mul3A_217 = arith.muli %mul3A_216, %scan3A_174 : i32
      %add3A_218 = arith.constant 2 : i32
      %add3A_219 = arith.addi %mul3A_217, %add3A_218 : i32
      %dma_wait3A_220 = arith.constant 0 : i32
      %dma_wait3A_221 = arith.constant 0 : i32
      %dma_wait3A_222 = tpu.memref_slice %arg2[%dma_wait3A_220, %dma_wait3A_221] : memref<10000x128xf32, #tpu.memory_space<hbm>> -> memref<10000x128xf32, #tpu.memory_space<hbm>>
      tpu.wait_indirect_dma semaphore(%arg24 : memref<!tpu.dma_semaphore, #tpu.memory_space<semaphore_mem>>) src(%dma_wait3A_222 : memref<10000x128xf32, #tpu.memory_space<hbm>>) dst(%arg17 : memref<96x128xf32, #tpu.memory_space<vmem>>)
      %add3A_223 = arith.constant 3 : i32
      %add3A_224 = arith.addi %add3A_219, %add3A_223 : i32
      %lt3A_225 = arith.constant 104 : i32
      %lt3A_226 = arith.cmpi slt, %add3A_224, %lt3A_225 : i32
      %convert_element_type3A_227 = arith.extui %lt3A_226 : i1 to i32
      %cond3A_228 = arith.constant 0 : i32
      %cond3A_229 = arith.cmpi ne, %convert_element_type3A_227, %cond3A_228 : i32
      scf.if %cond3A_229 {
        %dma_wait3A_258 = arith.constant 0 : i32
        %dma_wait3A_259 = tpu.memref_slice %arg4[%dma_wait3A_258] : memref<320000xi32, #tpu.memory_space<hbm>> -> memref<160000xi32, #tpu.memory_space<hbm>>
        %dma_wait3A_260 = arith.constant 0 : i32
        %dma_wait3A_261 = tpu.memref_slice %dma_wait3A_259[%dma_wait3A_260] : memref<160000xi32, #tpu.memory_space<hbm>> -> memref<96xi32, #tpu.memory_space<hbm>>
        %dma_wait3A_262 = arith.constant 0 : i32
        %dma_wait3A_263 = tpu.memref_slice %arg4[%dma_wait3A_262] : memref<320000xi32, #tpu.memory_space<hbm>> -> memref<160000xi32, #tpu.memory_space<hbm>>
        %dma_wait3A_264 = arith.constant 0 : i32
        %dma_wait3A_265 = tpu.memref_slice %dma_wait3A_263[%dma_wait3A_264] : memref<160000xi32, #tpu.memory_space<hbm>> -> memref<96xi32, #tpu.memory_space<hbm>>
        tpu.wait_dma2 semaphore(%arg27 : memref<!tpu.dma_semaphore, #tpu.memory_space<semaphore_mem>>) src(%dma_wait3A_265 : memref<96xi32, #tpu.memory_space<hbm>>) dst(%arg8 : memref<96xi32, #tpu.memory_space<vmem>>)
        %dma_wait3A_266 = arith.constant 160000 : i32
        %dma_wait3A_267 = tpu.memref_slice %arg4[%dma_wait3A_266] : memref<320000xi32, #tpu.memory_space<hbm>> -> memref<160000xi32, #tpu.memory_space<hbm>>
        %dma_wait3A_268 = arith.constant 0 : i32
        %dma_wait3A_269 = tpu.memref_slice %dma_wait3A_267[%dma_wait3A_268] : memref<160000xi32, #tpu.memory_space<hbm>> -> memref<96xi32, #tpu.memory_space<hbm>>
        %dma_wait3A_270 = arith.constant 160000 : i32
        %dma_wait3A_271 = tpu.memref_slice %arg4[%dma_wait3A_270] : memref<320000xi32, #tpu.memory_space<hbm>> -> memref<160000xi32, #tpu.memory_space<hbm>>
        %dma_wait3A_272 = arith.constant 0 : i32
        %dma_wait3A_273 = tpu.memref_slice %dma_wait3A_271[%dma_wait3A_272] : memref<160000xi32, #tpu.memory_space<hbm>> -> memref<96xi32, #tpu.memory_space<hbm>>
        tpu.wait_dma2 semaphore(%arg27 : memref<!tpu.dma_semaphore, #tpu.memory_space<semaphore_mem>>) src(%dma_wait3A_273 : memref<96xi32, #tpu.memory_space<hbm>>) dst(%arg12 : memref<96xi32, #tpu.memory_space<vmem>>)
        %eq3A_274 = arith.constant 0 : i32
        %eq3A_275 = arith.cmpi eq, %arg0, %eq3A_274 : i32
        %convert_element_type3A_276 = arith.extui %eq3A_275 : i1 to i32
        %cond3A_277 = arith.constant 0 : i32
        %cond3A_278 = arith.cmpi ne, %convert_element_type3A_276, %cond3A_277 : i32
        scf.if %cond3A_278 {
          %dma_start3A_284 = arith.constant 0 : i32
          %dma_start3A_285 = arith.constant 0 : i32
          %dma_start3A_286 = tpu.memref_slice %arg2[%dma_start3A_284, %dma_start3A_285] : memref<10000x128xf32, #tpu.memory_space<hbm>> -> memref<10000x128xf32, #tpu.memory_space<hbm>>
          tpu.enqueue_indirect_dma source(%dma_start3A_286 : memref<10000x128xf32, #tpu.memory_space<hbm>>) target(%arg16 : memref<96x128xf32, #tpu.memory_space<vmem>>) offsets(%arg8 : memref<96xi32, #tpu.memory_space<vmem>>) semaphore(%arg23 : memref<!tpu.dma_semaphore, #tpu.memory_space<semaphore_mem>>)
        } else {
        }
        %eq3A_279 = arith.constant 1 : i32
        %eq3A_280 = arith.cmpi eq, %arg0, %eq3A_279 : i32
        %convert_element_type3A_281 = arith.extui %eq3A_280 : i1 to i32
        %cond3A_282 = arith.constant 0 : i32
        %cond3A_283 = arith.cmpi ne, %convert_element_type3A_281, %cond3A_282 : i32
        scf.if %cond3A_283 {
          %dma_start3A_284 = arith.constant 0 : i32
          %dma_start3A_285 = arith.constant 0 : i32
          %dma_start3A_286 = tpu.memref_slice %arg3[%dma_start3A_284, %dma_start3A_285] : memref<10000x128xf32, #tpu.memory_space<hbm>> -> memref<10000x128xf32, #tpu.memory_space<hbm>>
          tpu.enqueue_indirect_dma source(%dma_start3A_286 : memref<10000x128xf32, #tpu.memory_space<hbm>>) target(%arg16 : memref<96x128xf32, #tpu.memory_space<vmem>>) offsets(%arg8 : memref<96xi32, #tpu.memory_space<vmem>>) semaphore(%arg23 : memref<!tpu.dma_semaphore, #tpu.memory_space<semaphore_mem>>)
        } else {
        }
      } else {
      }
      "tpu.region"() ({
        %run_scoped3A = tpu.sem_alloc : memref<!tpu.dma_semaphore, #tpu.memory_space<semaphore_mem>>
        %dma_start3A_258 = arith.constant 0 : i32
        %dma_start3A_259 = arith.constant 0 : i32
        %dma_start3A_260 = tpu.memref_slice %arg21[%dma_start3A_258, %dma_start3A_259] : memref<10000x128xf32, #tpu.memory_space<vmem_shared>> -> memref<10000x128xf32, #tpu.memory_space<vmem_shared>>
        tpu.enqueue_indirect_dma source(%arg17 : memref<96x128xf32, #tpu.memory_space<vmem>>) target(%dma_start3A_260 : memref<10000x128xf32, #tpu.memory_space<vmem_shared>>) offsets(%arg13 : memref<96xi32, #tpu.memory_space<vmem>>) semaphore(%run_scoped3A : memref<!tpu.dma_semaphore, #tpu.memory_space<semaphore_mem>>) {add = true}
        %dma_wait3A_261 = arith.constant 0 : i32
        %dma_wait3A_262 = arith.constant 0 : i32
        %dma_wait3A_263 = tpu.memref_slice %arg21[%dma_wait3A_261, %dma_wait3A_262] : memref<10000x128xf32, #tpu.memory_space<vmem_shared>> -> memref<10000x128xf32, #tpu.memory_space<vmem_shared>>
        tpu.wait_indirect_dma semaphore(%run_scoped3A : memref<!tpu.dma_semaphore, #tpu.memory_space<semaphore_mem>>) src(%arg17 : memref<96x128xf32, #tpu.memory_space<vmem>>) dst(%dma_wait3A_263 : memref<10000x128xf32, #tpu.memory_space<vmem_shared>>)
        tpu.yield
      }) : () -> ()
      %add3A_230 = arith.constant 4 : i32
      %add3A_231 = arith.addi %add3A_219, %add3A_230 : i32
      %lt3A_232 = arith.constant 104 : i32
      %lt3A_233 = arith.cmpi slt, %add3A_231, %lt3A_232 : i32
      %convert_element_type3A_234 = arith.extui %lt3A_233 : i1 to i32
      %cond3A_235 = arith.constant 0 : i32
      %cond3A_236 = arith.cmpi ne, %convert_element_type3A_234, %cond3A_235 : i32
      scf.if %cond3A_236 {
        %add3A_258 = arith.constant 4 : i32
        %add3A_259 = arith.addi %add3A_219, %add3A_258 : i32
        %mul3A_260 = arith.constant 96 : i32
        %mul3A_261 = arith.muli %add3A_259, %mul3A_260 : i32
        %add3A_262 = arith.addi %mul3A_0, %mul3A_261 : i32
        %dma_start3A_263 = arith.constant 0 : i32
        %dma_start3A_264 = tpu.memref_slice %arg4[%dma_start3A_263] : memref<320000xi32, #tpu.memory_space<hbm>> -> memref<160000xi32, #tpu.memory_space<hbm>>
        %dma_start3A_265 = tpu.memref_slice %dma_start3A_264[%add3A_262] : memref<160000xi32, #tpu.memory_space<hbm>> -> memref<96xi32, #tpu.memory_space<hbm>>
        %dma_start3A_266 = arith.constant 0 : i32
        %dma_start3A_267 = tpu.memref_slice %arg4[%dma_start3A_266] : memref<320000xi32, #tpu.memory_space<hbm>> -> memref<160000xi32, #tpu.memory_space<hbm>>
        %dma_start3A_268 = tpu.memref_slice %dma_start3A_267[%add3A_262] : memref<160000xi32, #tpu.memory_space<hbm>> -> memref<96xi32, #tpu.memory_space<hbm>>
        tpu.enqueue_dma source(%dma_start3A_268 : memref<96xi32, #tpu.memory_space<hbm>>) target(%arg9 : memref<96xi32, #tpu.memory_space<vmem>>) target_semaphore(%arg28 : memref<!tpu.dma_semaphore, #tpu.memory_space<semaphore_mem>>)
        %mul3A_269 = arith.constant 96 : i32
        %mul3A_270 = arith.muli %add3A_259, %mul3A_269 : i32
        %add3A_271 = arith.addi %mul3A_0, %mul3A_270 : i32
        %dma_start3A_272 = arith.constant 160000 : i32
        %dma_start3A_273 = tpu.memref_slice %arg4[%dma_start3A_272] : memref<320000xi32, #tpu.memory_space<hbm>> -> memref<160000xi32, #tpu.memory_space<hbm>>
        %dma_start3A_274 = tpu.memref_slice %dma_start3A_273[%add3A_271] : memref<160000xi32, #tpu.memory_space<hbm>> -> memref<96xi32, #tpu.memory_space<hbm>>
        %dma_start3A_275 = arith.constant 160000 : i32
        %dma_start3A_276 = tpu.memref_slice %arg4[%dma_start3A_275] : memref<320000xi32, #tpu.memory_space<hbm>> -> memref<160000xi32, #tpu.memory_space<hbm>>
        %dma_start3A_277 = tpu.memref_slice %dma_start3A_276[%add3A_271] : memref<160000xi32, #tpu.memory_space<hbm>> -> memref<96xi32, #tpu.memory_space<hbm>>
        tpu.enqueue_dma source(%dma_start3A_277 : memref<96xi32, #tpu.memory_space<hbm>>) target(%arg13 : memref<96xi32, #tpu.memory_space<vmem>>) target_semaphore(%arg28 : memref<!tpu.dma_semaphore, #tpu.memory_space<semaphore_mem>>)
      } else {
      }
      %mul3A_237 = arith.constant 4 : i32
      %mul3A_238 = arith.muli %mul3A_237, %scan3A_174 : i32
      %add3A_239 = arith.constant 3 : i32
      %add3A_240 = arith.addi %mul3A_238, %add3A_239 : i32
      %dma_wait3A_241 = arith.constant 0 : i32
      %dma_wait3A_242 = arith.constant 0 : i32
      %dma_wait3A_243 = tpu.memref_slice %arg2[%dma_wait3A_241, %dma_wait3A_242] : memref<10000x128xf32, #tpu.memory_space<hbm>> -> memref<10000x128xf32, #tpu.memory_space<hbm>>
      tpu.wait_indirect_dma semaphore(%arg25 : memref<!tpu.dma_semaphore, #tpu.memory_space<semaphore_mem>>) src(%dma_wait3A_243 : memref<10000x128xf32, #tpu.memory_space<hbm>>) dst(%arg18 : memref<96x128xf32, #tpu.memory_space<vmem>>)
      %add3A_244 = arith.constant 3 : i32
      %add3A_245 = arith.addi %add3A_240, %add3A_244 : i32
      %lt3A_246 = arith.constant 104 : i32
      %lt3A_247 = arith.cmpi slt, %add3A_245, %lt3A_246 : i32
      %convert_element_type3A_248 = arith.extui %lt3A_247 : i1 to i32
      %cond3A_249 = arith.constant 0 : i32
      %cond3A_250 = arith.cmpi ne, %convert_element_type3A_248, %cond3A_249 : i32
      scf.if %cond3A_250 {
        %dma_wait3A_258 = arith.constant 0 : i32
        %dma_wait3A_259 = tpu.memref_slice %arg4[%dma_wait3A_258] : memref<320000xi32, #tpu.memory_space<hbm>> -> memref<160000xi32, #tpu.memory_space<hbm>>
        %dma_wait3A_260 = arith.constant 0 : i32
        %dma_wait3A_261 = tpu.memref_slice %dma_wait3A_259[%dma_wait3A_260] : memref<160000xi32, #tpu.memory_space<hbm>> -> memref<96xi32, #tpu.memory_space<hbm>>
        %dma_wait3A_262 = arith.constant 0 : i32
        %dma_wait3A_263 = tpu.memref_slice %arg4[%dma_wait3A_262] : memref<320000xi32, #tpu.memory_space<hbm>> -> memref<160000xi32, #tpu.memory_space<hbm>>
        %dma_wait3A_264 = arith.constant 0 : i32
        %dma_wait3A_265 = tpu.memref_slice %dma_wait3A_263[%dma_wait3A_264] : memref<160000xi32, #tpu.memory_space<hbm>> -> memref<96xi32, #tpu.memory_space<hbm>>
        tpu.wait_dma2 semaphore(%arg28 : memref<!tpu.dma_semaphore, #tpu.memory_space<semaphore_mem>>) src(%dma_wait3A_265 : memref<96xi32, #tpu.memory_space<hbm>>) dst(%arg9 : memref<96xi32, #tpu.memory_space<vmem>>)
        %dma_wait3A_266 = arith.constant 160000 : i32
        %dma_wait3A_267 = tpu.memref_slice %arg4[%dma_wait3A_266] : memref<320000xi32, #tpu.memory_space<hbm>> -> memref<160000xi32, #tpu.memory_space<hbm>>
        %dma_wait3A_268 = arith.constant 0 : i32
        %dma_wait3A_269 = tpu.memref_slice %dma_wait3A_267[%dma_wait3A_268] : memref<160000xi32, #tpu.memory_space<hbm>> -> memref<96xi32, #tpu.memory_space<hbm>>
        %dma_wait3A_270 = arith.constant 160000 : i32
        %dma_wait3A_271 = tpu.memref_slice %arg4[%dma_wait3A_270] : memref<320000xi32, #tpu.memory_space<hbm>> -> memref<160000xi32, #tpu.memory_space<hbm>>
        %dma_wait3A_272 = arith.constant 0 : i32
        %dma_wait3A_273 = tpu.memref_slice %dma_wait3A_271[%dma_wait3A_272] : memref<160000xi32, #tpu.memory_space<hbm>> -> memref<96xi32, #tpu.memory_space<hbm>>
        tpu.wait_dma2 semaphore(%arg28 : memref<!tpu.dma_semaphore, #tpu.memory_space<semaphore_mem>>) src(%dma_wait3A_273 : memref<96xi32, #tpu.memory_space<hbm>>) dst(%arg13 : memref<96xi32, #tpu.memory_space<vmem>>)
        %eq3A_274 = arith.constant 0 : i32
        %eq3A_275 = arith.cmpi eq, %arg0, %eq3A_274 : i32
        %convert_element_type3A_276 = arith.extui %eq3A_275 : i1 to i32
        %cond3A_277 = arith.constant 0 : i32
        %cond3A_278 = arith.cmpi ne, %convert_element_type3A_276, %cond3A_277 : i32
        scf.if %cond3A_278 {
          %dma_start3A_284 = arith.constant 0 : i32
          %dma_start3A_285 = arith.constant 0 : i32
          %dma_start3A_286 = tpu.memref_slice %arg2[%dma_start3A_284, %dma_start3A_285] : memref<10000x128xf32, #tpu.memory_space<hbm>> -> memref<10000x128xf32, #tpu.memory_space<hbm>>
          tpu.enqueue_indirect_dma source(%dma_start3A_286 : memref<10000x128xf32, #tpu.memory_space<hbm>>) target(%arg17 : memref<96x128xf32, #tpu.memory_space<vmem>>) offsets(%arg9 : memref<96xi32, #tpu.memory_space<vmem>>) semaphore(%arg24 : memref<!tpu.dma_semaphore, #tpu.memory_space<semaphore_mem>>)
        } else {
        }
        %eq3A_279 = arith.constant 1 : i32
        %eq3A_280 = arith.cmpi eq, %arg0, %eq3A_279 : i32
        %convert_element_type3A_281 = arith.extui %eq3A_280 : i1 to i32
        %cond3A_282 = arith.constant 0 : i32
        %cond3A_283 = arith.cmpi ne, %convert_element_type3A_281, %cond3A_282 : i32
        scf.if %cond3A_283 {
          %dma_start3A_284 = arith.constant 0 : i32
          %dma_start3A_285 = arith.constant 0 : i32
          %dma_start3A_286 = tpu.memref_slice %arg3[%dma_start3A_284, %dma_start3A_285] : memref<10000x128xf32, #tpu.memory_space<hbm>> -> memref<10000x128xf32, #tpu.memory_space<hbm>>
          tpu.enqueue_indirect_dma source(%dma_start3A_286 : memref<10000x128xf32, #tpu.memory_space<hbm>>) target(%arg17 : memref<96x128xf32, #tpu.memory_space<vmem>>) offsets(%arg9 : memref<96xi32, #tpu.memory_space<vmem>>) semaphore(%arg24 : memref<!tpu.dma_semaphore, #tpu.memory_space<semaphore_mem>>)
        } else {
        }
      } else {
      }
      "tpu.region"() ({
        %run_scoped3A = tpu.sem_alloc : memref<!tpu.dma_semaphore, #tpu.memory_space<semaphore_mem>>
        %dma_start3A_258 = arith.constant 0 : i32
        %dma_start3A_259 = arith.constant 0 : i32
        %dma_start3A_260 = tpu.memref_slice %arg21[%dma_start3A_258, %dma_start3A_259] : memref<10000x128xf32, #tpu.memory_space<vmem_shared>> -> memref<10000x128xf32, #tpu.memory_space<vmem_shared>>
        tpu.enqueue_indirect_dma source(%arg18 : memref<96x128xf32, #tpu.memory_space<vmem>>) target(%dma_start3A_260 : memref<10000x128xf32, #tpu.memory_space<vmem_shared>>) offsets(%arg14 : memref<96xi32, #tpu.memory_space<vmem>>) semaphore(%run_scoped3A : memref<!tpu.dma_semaphore, #tpu.memory_space<semaphore_mem>>) {add = true}
        %dma_wait3A_261 = arith.constant 0 : i32
        %dma_wait3A_262 = arith.constant 0 : i32
        %dma_wait3A_263 = tpu.memref_slice %arg21[%dma_wait3A_261, %dma_wait3A_262] : memref<10000x128xf32, #tpu.memory_space<vmem_shared>> -> memref<10000x128xf32, #tpu.memory_space<vmem_shared>>
        tpu.wait_indirect_dma semaphore(%run_scoped3A : memref<!tpu.dma_semaphore, #tpu.memory_space<semaphore_mem>>) src(%arg18 : memref<96x128xf32, #tpu.memory_space<vmem>>) dst(%dma_wait3A_263 : memref<10000x128xf32, #tpu.memory_space<vmem_shared>>)
        tpu.yield
      }) : () -> ()
      %add3A_251 = arith.constant 4 : i32
      %add3A_252 = arith.addi %add3A_240, %add3A_251 : i32
      %lt3A_253 = arith.constant 104 : i32
      %lt3A_254 = arith.cmpi slt, %add3A_252, %lt3A_253 : i32
      %convert_element_type3A_255 = arith.extui %lt3A_254 : i1 to i32
      %cond3A_256 = arith.constant 0 : i32
      %cond3A_257 = arith.cmpi ne, %convert_element_type3A_255, %cond3A_256 : i32
      scf.if %cond3A_257 {
        %add3A_258 = arith.constant 4 : i32
        %add3A_259 = arith.addi %add3A_240, %add3A_258 : i32
        %mul3A_260 = arith.constant 96 : i32
        %mul3A_261 = arith.muli %add3A_259, %mul3A_260 : i32
        %add3A_262 = arith.addi %mul3A_0, %mul3A_261 : i32
        %dma_start3A_263 = arith.constant 0 : i32
        %dma_start3A_264 = tpu.memref_slice %arg4[%dma_start3A_263] : memref<320000xi32, #tpu.memory_space<hbm>> -> memref<160000xi32, #tpu.memory_space<hbm>>
        %dma_start3A_265 = tpu.memref_slice %dma_start3A_264[%add3A_262] : memref<160000xi32, #tpu.memory_space<hbm>> -> memref<96xi32, #tpu.memory_space<hbm>>
        %dma_start3A_266 = arith.constant 0 : i32
        %dma_start3A_267 = tpu.memref_slice %arg4[%dma_start3A_266] : memref<320000xi32, #tpu.memory_space<hbm>> -> memref<160000xi32, #tpu.memory_space<hbm>>
        %dma_start3A_268 = tpu.memref_slice %dma_start3A_267[%add3A_262] : memref<160000xi32, #tpu.memory_space<hbm>> -> memref<96xi32, #tpu.memory_space<hbm>>
        tpu.enqueue_dma source(%dma_start3A_268 : memref<96xi32, #tpu.memory_space<hbm>>) target(%arg10 : memref<96xi32, #tpu.memory_space<vmem>>) target_semaphore(%arg29 : memref<!tpu.dma_semaphore, #tpu.memory_space<semaphore_mem>>)
        %mul3A_269 = arith.constant 96 : i32
        %mul3A_270 = arith.muli %add3A_259, %mul3A_269 : i32
        %add3A_271 = arith.addi %mul3A_0, %mul3A_270 : i32
        %dma_start3A_272 = arith.constant 160000 : i32
        %dma_start3A_273 = tpu.memref_slice %arg4[%dma_start3A_272] : memref<320000xi32, #tpu.memory_space<hbm>> -> memref<160000xi32, #tpu.memory_space<hbm>>
        %dma_start3A_274 = tpu.memref_slice %dma_start3A_273[%add3A_271] : memref<160000xi32, #tpu.memory_space<hbm>> -> memref<96xi32, #tpu.memory_space<hbm>>
        %dma_start3A_275 = arith.constant 160000 : i32
        %dma_start3A_276 = tpu.memref_slice %arg4[%dma_start3A_275] : memref<320000xi32, #tpu.memory_space<hbm>> -> memref<160000xi32, #tpu.memory_space<hbm>>
        %dma_start3A_277 = tpu.memref_slice %dma_start3A_276[%add3A_271] : memref<160000xi32, #tpu.memory_space<hbm>> -> memref<96xi32, #tpu.memory_space<hbm>>
        tpu.enqueue_dma source(%dma_start3A_277 : memref<96xi32, #tpu.memory_space<hbm>>) target(%arg14 : memref<96xi32, #tpu.memory_space<vmem>>) target_semaphore(%arg29 : memref<!tpu.dma_semaphore, #tpu.memory_space<semaphore_mem>>)
      } else {
      }
    }
    %scan3A_148 = arith.constant 26 : i32
    %add3A_149 = arith.constant 9984 : i32
    %add3A_150 = arith.addi %mul3A_0, %add3A_149 : i32
    "tpu.region"() ({
      %run_scoped3A = tpu.sem_alloc : memref<!tpu.dma_semaphore, #tpu.memory_space<semaphore_mem>>
      %dma_start3A_174 = arith.constant 0 : i32
      %dma_start3A_175 = tpu.memref_slice %arg19[%dma_start3A_174] : memref<16xi32, #tpu.memory_space<vmem>> -> memref<16xi32, #tpu.memory_space<vmem>>
      %dma_start3A_176 = arith.constant 0 : i32
      %dma_start3A_177 = tpu.memref_slice %arg4[%dma_start3A_176] : memref<320000xi32, #tpu.memory_space<hbm>> -> memref<160000xi32, #tpu.memory_space<hbm>>
      %dma_start3A_178 = tpu.memref_slice %dma_start3A_177[%add3A_150] : memref<160000xi32, #tpu.memory_space<hbm>> -> memref<16xi32, #tpu.memory_space<hbm>>
      %dma_start3A_179 = arith.constant 0 : i32
      %dma_start3A_180 = tpu.memref_slice %arg19[%dma_start3A_179] : memref<16xi32, #tpu.memory_space<vmem>> -> memref<16xi32, #tpu.memory_space<vmem>>
      %dma_start3A_181 = arith.constant 0 : i32
      %dma_start3A_182 = tpu.memref_slice %arg4[%dma_start3A_181] : memref<320000xi32, #tpu.memory_space<hbm>> -> memref<160000xi32, #tpu.memory_space<hbm>>
      %dma_start3A_183 = tpu.memref_slice %dma_start3A_182[%add3A_150] : memref<160000xi32, #tpu.memory_space<hbm>> -> memref<16xi32, #tpu.memory_space<hbm>>
      tpu.enqueue_dma source(%dma_start3A_183 : memref<16xi32, #tpu.memory_space<hbm>>) target(%dma_start3A_180 : memref<16xi32, #tpu.memory_space<vmem>>) target_semaphore(%run_scoped3A : memref<!tpu.dma_semaphore, #tpu.memory_space<semaphore_mem>>)
      %dma_wait3A_184 = arith.constant 0 : i32
      %dma_wait3A_185 = tpu.memref_slice %arg19[%dma_wait3A_184] : memref<16xi32, #tpu.memory_space<vmem>> -> memref<16xi32, #tpu.memory_space<vmem>>
      %dma_wait3A_186 = arith.constant 0 : i32
      %dma_wait3A_187 = tpu.memref_slice %arg4[%dma_wait3A_186] : memref<320000xi32, #tpu.memory_space<hbm>> -> memref<160000xi32, #tpu.memory_space<hbm>>
      %dma_wait3A_188 = tpu.memref_slice %dma_wait3A_187[%add3A_150] : memref<160000xi32, #tpu.memory_space<hbm>> -> memref<16xi32, #tpu.memory_space<hbm>>
      %dma_wait3A_189 = arith.constant 0 : i32
      %dma_wait3A_190 = tpu.memref_slice %arg19[%dma_wait3A_189] : memref<16xi32, #tpu.memory_space<vmem>> -> memref<16xi32, #tpu.memory_space<vmem>>
      %dma_wait3A_191 = arith.constant 0 : i32
      %dma_wait3A_192 = tpu.memref_slice %arg4[%dma_wait3A_191] : memref<320000xi32, #tpu.memory_space<hbm>> -> memref<160000xi32, #tpu.memory_space<hbm>>
      %dma_wait3A_193 = tpu.memref_slice %dma_wait3A_192[%add3A_150] : memref<160000xi32, #tpu.memory_space<hbm>> -> memref<16xi32, #tpu.memory_space<hbm>>
      tpu.wait_dma2 semaphore(%run_scoped3A : memref<!tpu.dma_semaphore, #tpu.memory_space<semaphore_mem>>) src(%dma_wait3A_193 : memref<16xi32, #tpu.memory_space<hbm>>) dst(%dma_wait3A_190 : memref<16xi32, #tpu.memory_space<vmem>>)
      tpu.yield
    }) : () -> ()
    "tpu.region"() ({
      %run_scoped3A = tpu.sem_alloc : memref<!tpu.dma_semaphore, #tpu.memory_space<semaphore_mem>>
      %dma_start3A_174 = arith.constant 0 : i32
      %dma_start3A_175 = tpu.memref_slice %arg20[%dma_start3A_174] : memref<16xi32, #tpu.memory_space<vmem>> -> memref<16xi32, #tpu.memory_space<vmem>>
      %dma_start3A_176 = arith.constant 160000 : i32
      %dma_start3A_177 = tpu.memref_slice %arg4[%dma_start3A_176] : memref<320000xi32, #tpu.memory_space<hbm>> -> memref<160000xi32, #tpu.memory_space<hbm>>
      %dma_start3A_178 = tpu.memref_slice %dma_start3A_177[%add3A_150] : memref<160000xi32, #tpu.memory_space<hbm>> -> memref<16xi32, #tpu.memory_space<hbm>>
      %dma_start3A_179 = arith.constant 0 : i32
      %dma_start3A_180 = tpu.memref_slice %arg20[%dma_start3A_179] : memref<16xi32, #tpu.memory_space<vmem>> -> memref<16xi32, #tpu.memory_space<vmem>>
      %dma_start3A_181 = arith.constant 160000 : i32
      %dma_start3A_182 = tpu.memref_slice %arg4[%dma_start3A_181] : memref<320000xi32, #tpu.memory_space<hbm>> -> memref<160000xi32, #tpu.memory_space<hbm>>
      %dma_start3A_183 = tpu.memref_slice %dma_start3A_182[%add3A_150] : memref<160000xi32, #tpu.memory_space<hbm>> -> memref<16xi32, #tpu.memory_space<hbm>>
      tpu.enqueue_dma source(%dma_start3A_183 : memref<16xi32, #tpu.memory_space<hbm>>) target(%dma_start3A_180 : memref<16xi32, #tpu.memory_space<vmem>>) target_semaphore(%run_scoped3A : memref<!tpu.dma_semaphore, #tpu.memory_space<semaphore_mem>>)
      %dma_wait3A_184 = arith.constant 0 : i32
      %dma_wait3A_185 = tpu.memref_slice %arg20[%dma_wait3A_184] : memref<16xi32, #tpu.memory_space<vmem>> -> memref<16xi32, #tpu.memory_space<vmem>>
      %dma_wait3A_186 = arith.constant 160000 : i32
      %dma_wait3A_187 = tpu.memref_slice %arg4[%dma_wait3A_186] : memref<320000xi32, #tpu.memory_space<hbm>> -> memref<160000xi32, #tpu.memory_space<hbm>>
      %dma_wait3A_188 = tpu.memref_slice %dma_wait3A_187[%add3A_150] : memref<160000xi32, #tpu.memory_space<hbm>> -> memref<16xi32, #tpu.memory_space<hbm>>
      %dma_wait3A_189 = arith.constant 0 : i32
      %dma_wait3A_190 = tpu.memref_slice %arg20[%dma_wait3A_189] : memref<16xi32, #tpu.memory_space<vmem>> -> memref<16xi32, #tpu.memory_space<vmem>>
      %dma_wait3A_191 = arith.constant 160000 : i32
      %dma_wait3A_192 = tpu.memref_slice %arg4[%dma_wait3A_191] : memref<320000xi32, #tpu.memory_space<hbm>> -> memref<160000xi32, #tpu.memory_space<hbm>>
      %dma_wait3A_193 = tpu.memref_slice %dma_wait3A_192[%add3A_150] : memref<160000xi32, #tpu.memory_space<hbm>> -> memref<16xi32, #tpu.memory_space<hbm>>
      tpu.wait_dma2 semaphore(%run_scoped3A : memref<!tpu.dma_semaphore, #tpu.memory_space<semaphore_mem>>) src(%dma_wait3A_193 : memref<16xi32, #tpu.memory_space<hbm>>) dst(%dma_wait3A_190 : memref<16xi32, #tpu.memory_space<vmem>>)
      tpu.yield
    }) : () -> ()
    %eq3A_151 = arith.constant 0 : i32
    %eq3A_152 = arith.cmpi eq, %arg0, %eq3A_151 : i32
    %convert_element_type3A_153 = arith.extui %eq3A_152 : i1 to i32
    %cond3A_154 = arith.constant 0 : i32
    %cond3A_155 = arith.cmpi ne, %convert_element_type3A_153, %cond3A_154 : i32
    scf.if %cond3A_155 {
      %dma_start3A_174 = arith.constant 0 : i32
      %dma_start3A_175 = arith.constant 0 : i32
      %dma_start3A_176 = tpu.memref_slice %arg15[%dma_start3A_174, %dma_start3A_175] : memref<96x128xf32, #tpu.memory_space<vmem>> -> memref<16x128xf32, #tpu.memory_space<vmem>>
      %dma_start3A_177 = arith.constant 0 : i32
      %dma_start3A_178 = arith.constant 0 : i32
      %dma_start3A_179 = tpu.memref_slice %arg2[%dma_start3A_177, %dma_start3A_178] : memref<10000x128xf32, #tpu.memory_space<hbm>> -> memref<10000x128xf32, #tpu.memory_space<hbm>>
      tpu.enqueue_indirect_dma source(%dma_start3A_179 : memref<10000x128xf32, #tpu.memory_space<hbm>>) target(%dma_start3A_176 : memref<16x128xf32, #tpu.memory_space<vmem>>) offsets(%arg19 : memref<16xi32, #tpu.memory_space<vmem>>) semaphore(%arg22 : memref<!tpu.dma_semaphore, #tpu.memory_space<semaphore_mem>>)
      %dma_wait3A_180 = arith.constant 0 : i32
      %dma_wait3A_181 = arith.constant 0 : i32
      %dma_wait3A_182 = tpu.memref_slice %arg15[%dma_wait3A_180, %dma_wait3A_181] : memref<96x128xf32, #tpu.memory_space<vmem>> -> memref<16x128xf32, #tpu.memory_space<vmem>>
      %dma_wait3A_183 = arith.constant 0 : i32
      %dma_wait3A_184 = arith.constant 0 : i32
      %dma_wait3A_185 = tpu.memref_slice %arg2[%dma_wait3A_183, %dma_wait3A_184] : memref<10000x128xf32, #tpu.memory_space<hbm>> -> memref<10000x128xf32, #tpu.memory_space<hbm>>
      tpu.wait_indirect_dma semaphore(%arg22 : memref<!tpu.dma_semaphore, #tpu.memory_space<semaphore_mem>>) src(%dma_wait3A_185 : memref<10000x128xf32, #tpu.memory_space<hbm>>) dst(%dma_wait3A_182 : memref<16x128xf32, #tpu.memory_space<vmem>>)
    } else {
    }
    %eq3A_156 = arith.constant 1 : i32
    %eq3A_157 = arith.cmpi eq, %arg0, %eq3A_156 : i32
    %convert_element_type3A_158 = arith.extui %eq3A_157 : i1 to i32
    %cond3A_159 = arith.constant 0 : i32
    %cond3A_160 = arith.cmpi ne, %convert_element_type3A_158, %cond3A_159 : i32
    scf.if %cond3A_160 {
      %dma_start3A_174 = arith.constant 0 : i32
      %dma_start3A_175 = arith.constant 0 : i32
      %dma_start3A_176 = tpu.memref_slice %arg15[%dma_start3A_174, %dma_start3A_175] : memref<96x128xf32, #tpu.memory_space<vmem>> -> memref<16x128xf32, #tpu.memory_space<vmem>>
      %dma_start3A_177 = arith.constant 0 : i32
      %dma_start3A_178 = arith.constant 0 : i32
      %dma_start3A_179 = tpu.memref_slice %arg3[%dma_start3A_177, %dma_start3A_178] : memref<10000x128xf32, #tpu.memory_space<hbm>> -> memref<10000x128xf32, #tpu.memory_space<hbm>>
      tpu.enqueue_indirect_dma source(%dma_start3A_179 : memref<10000x128xf32, #tpu.memory_space<hbm>>) target(%dma_start3A_176 : memref<16x128xf32, #tpu.memory_space<vmem>>) offsets(%arg19 : memref<16xi32, #tpu.memory_space<vmem>>) semaphore(%arg23 : memref<!tpu.dma_semaphore, #tpu.memory_space<semaphore_mem>>)
      %dma_wait3A_180 = arith.constant 0 : i32
      %dma_wait3A_181 = arith.constant 0 : i32
      %dma_wait3A_182 = tpu.memref_slice %arg15[%dma_wait3A_180, %dma_wait3A_181] : memref<96x128xf32, #tpu.memory_space<vmem>> -> memref<16x128xf32, #tpu.memory_space<vmem>>
      %dma_wait3A_183 = arith.constant 0 : i32
      %dma_wait3A_184 = arith.constant 0 : i32
      %dma_wait3A_185 = tpu.memref_slice %arg3[%dma_wait3A_183, %dma_wait3A_184] : memref<10000x128xf32, #tpu.memory_space<hbm>> -> memref<10000x128xf32, #tpu.memory_space<hbm>>
      tpu.wait_indirect_dma semaphore(%arg23 : memref<!tpu.dma_semaphore, #tpu.memory_space<semaphore_mem>>) src(%dma_wait3A_185 : memref<10000x128xf32, #tpu.memory_space<hbm>>) dst(%dma_wait3A_182 : memref<16x128xf32, #tpu.memory_space<vmem>>)
    } else {
    }
    "tpu.region"() ({
      %run_scoped3A = tpu.sem_alloc : memref<!tpu.dma_semaphore, #tpu.memory_space<semaphore_mem>>
      %dma_start3A_174 = arith.constant 0 : i32
      %dma_start3A_175 = arith.constant 0 : i32
      %dma_start3A_176 = tpu.memref_slice %arg15[%dma_start3A_174, %dma_start3A_175] : memref<96x128xf32, #tpu.memory_space<vmem>> -> memref<16x128xf32, #tpu.memory_space<vmem>>
      %dma_start3A_177 = arith.constant 0 : i32
      %dma_start3A_178 = arith.constant 0 : i32
      %dma_start3A_179 = tpu.memref_slice %arg21[%dma_start3A_177, %dma_start3A_178] : memref<10000x128xf32, #tpu.memory_space<vmem_shared>> -> memref<10000x128xf32, #tpu.memory_space<vmem_shared>>
      tpu.enqueue_indirect_dma source(%dma_start3A_176 : memref<16x128xf32, #tpu.memory_space<vmem>>) target(%dma_start3A_179 : memref<10000x128xf32, #tpu.memory_space<vmem_shared>>) offsets(%arg20 : memref<16xi32, #tpu.memory_space<vmem>>) semaphore(%run_scoped3A : memref<!tpu.dma_semaphore, #tpu.memory_space<semaphore_mem>>) {add = true}
      %dma_wait3A_180 = arith.constant 0 : i32
      %dma_wait3A_181 = arith.constant 0 : i32
      %dma_wait3A_182 = tpu.memref_slice %arg15[%dma_wait3A_180, %dma_wait3A_181] : memref<96x128xf32, #tpu.memory_space<vmem>> -> memref<16x128xf32, #tpu.memory_space<vmem>>
      %dma_wait3A_183 = arith.constant 0 : i32
      %dma_wait3A_184 = arith.constant 0 : i32
      %dma_wait3A_185 = tpu.memref_slice %arg21[%dma_wait3A_183, %dma_wait3A_184] : memref<10000x128xf32, #tpu.memory_space<vmem_shared>> -> memref<10000x128xf32, #tpu.memory_space<vmem_shared>>
      tpu.wait_indirect_dma semaphore(%run_scoped3A : memref<!tpu.dma_semaphore, #tpu.memory_space<semaphore_mem>>) src(%dma_wait3A_182 : memref<16x128xf32, #tpu.memory_space<vmem>>) dst(%dma_wait3A_185 : memref<10000x128xf32, #tpu.memory_space<vmem_shared>>)
      tpu.yield
    }) : () -> ()
    %barrier3A_161 = arith.constant 0 : index
    tpu.barrier barrier_id(%barrier3A_161)
    %mul3A_162 = arith.constant 624 : i32
    %mul3A_163 = arith.muli %arg1, %mul3A_162 : i32
    %mul3A_164 = arith.constant 10000 : i32
    %mul3A_165 = arith.muli %arg0, %mul3A_164 : i32
    %mul3A_166 = arith.constant 624 : i32
    %mul3A_167 = arith.muli %arg1, %mul3A_166 : i32
    %add3A_168 = arith.addi %mul3A_165, %mul3A_167 : i32
    "tpu.region"() ({
      %run_scoped3A = tpu.sem_alloc : memref<!tpu.dma_semaphore, #tpu.memory_space<semaphore_mem>>
      %dma_start3A_174 = arith.constant 0 : i32
      %dma_start3A_175 = tpu.memref_slice %arg6[%add3A_168, %dma_start3A_174] : memref<20000x128xf32, #tpu.memory_space<hbm>> -> memref<624x128xf32, #tpu.memory_space<hbm>>
      %dma_start3A_176 = arith.constant 0 : i32
      %dma_start3A_177 = tpu.memref_slice %arg21[%mul3A_163, %dma_start3A_176] : memref<10000x128xf32, #tpu.memory_space<vmem_shared>> -> memref<624x128xf32, #tpu.memory_space<vmem_shared>>
      tpu.enqueue_dma source(%dma_start3A_177 : memref<624x128xf32, #tpu.memory_space<vmem_shared>>) target(%dma_start3A_175 : memref<624x128xf32, #tpu.memory_space<hbm>>) target_semaphore(%run_scoped3A : memref<!tpu.dma_semaphore, #tpu.memory_space<semaphore_mem>>)
      %dma_wait3A_178 = arith.constant 0 : i32
      %dma_wait3A_179 = tpu.memref_slice %arg6[%add3A_168, %dma_wait3A_178] : memref<20000x128xf32, #tpu.memory_space<hbm>> -> memref<624x128xf32, #tpu.memory_space<hbm>>
      %dma_wait3A_180 = arith.constant 0 : i32
      %dma_wait3A_181 = tpu.memref_slice %arg21[%mul3A_163, %dma_wait3A_180] : memref<10000x128xf32, #tpu.memory_space<vmem_shared>> -> memref<624x128xf32, #tpu.memory_space<vmem_shared>>
      tpu.wait_dma2 semaphore(%run_scoped3A : memref<!tpu.dma_semaphore, #tpu.memory_space<semaphore_mem>>) src(%dma_wait3A_181 : memref<624x128xf32, #tpu.memory_space<vmem_shared>>) dst(%dma_wait3A_179 : memref<624x128xf32, #tpu.memory_space<hbm>>)
      tpu.yield
    }) : () -> ()
    %eq3A_169 = arith.constant 15 : i32
    %eq3A_170 = arith.cmpi eq, %arg1, %eq3A_169 : i32
    %convert_element_type3A_171 = arith.extui %eq3A_170 : i1 to i32
    %cond3A_172 = arith.constant 0 : i32
    %cond3A_173 = arith.cmpi ne, %convert_element_type3A_171, %cond3A_172 : i32
    scf.if %cond3A_173 {
      %mul3A_174 = arith.constant 10000 : i32
      %mul3A_175 = arith.muli %arg0, %mul3A_174 : i32
      %add3A_176 = arith.constant 9984 : i32
      %add3A_177 = arith.addi %mul3A_175, %add3A_176 : i32
      "tpu.region"() ({
        %run_scoped3A = tpu.sem_alloc : memref<!tpu.dma_semaphore, #tpu.memory_space<semaphore_mem>>
        %dma_start3A_178 = arith.constant 0 : i32
        %dma_start3A_179 = tpu.memref_slice %arg6[%add3A_177, %dma_start3A_178] : memref<20000x128xf32, #tpu.memory_space<hbm>> -> memref<16x128xf32, #tpu.memory_space<hbm>>
        %dma_start3A_180 = arith.constant 9984 : i32
        %dma_start3A_181 = arith.constant 0 : i32
        %dma_start3A_182 = tpu.memref_slice %arg21[%dma_start3A_180, %dma_start3A_181] : memref<10000x128xf32, #tpu.memory_space<vmem_shared>> -> memref<16x128xf32, #tpu.memory_space<vmem_shared>>
        tpu.enqueue_dma source(%dma_start3A_182 : memref<16x128xf32, #tpu.memory_space<vmem_shared>>) target(%dma_start3A_179 : memref<16x128xf32, #tpu.memory_space<hbm>>) target_semaphore(%run_scoped3A : memref<!tpu.dma_semaphore, #tpu.memory_space<semaphore_mem>>)
        %dma_wait3A_183 = arith.constant 0 : i32
        %dma_wait3A_184 = tpu.memref_slice %arg6[%add3A_177, %dma_wait3A_183] : memref<20000x128xf32, #tpu.memory_space<hbm>> -> memref<16x128xf32, #tpu.memory_space<hbm>>
        %dma_wait3A_185 = arith.constant 9984 : i32
        %dma_wait3A_186 = arith.constant 0 : i32
        %dma_wait3A_187 = tpu.memref_slice %arg21[%dma_wait3A_185, %dma_wait3A_186] : memref<10000x128xf32, #tpu.memory_space<vmem_shared>> -> memref<16x128xf32, #tpu.memory_space<vmem_shared>>
        tpu.wait_dma2 semaphore(%run_scoped3A : memref<!tpu.dma_semaphore, #tpu.memory_space<semaphore_mem>>) src(%dma_wait3A_187 : memref<16x128xf32, #tpu.memory_space<vmem_shared>>) dst(%dma_wait3A_184 : memref<16x128xf32, #tpu.memory_space<hbm>>)
        tpu.yield
      }) : () -> ()
    } else {
    }
    return
  }
}

#map = affine_map<(d0, d1) -> (0, 0)>
#map1 = affine_map<(d0, d1) -> (0)>
module attributes {stable_mosaic.version = 14 : i64} {
  func.func @agg(%arg0: i32, %arg1: i32, %arg2: memref<10000x128xf32, #tpu.memory_space<hbm>>, %arg3: memref<10000x128xf32, #tpu.memory_space<hbm>>, %arg4: memref<320000xi32, #tpu.memory_space<hbm>>, %arg5: memref<625x128xf32, #tpu.memory_space<hbm>>, %arg6: memref<20000x128xf32, #tpu.memory_space<hbm>>, %arg7: memref<96xi32, #tpu.memory_space<vmem>>, %arg8: memref<96xi32, #tpu.memory_space<vmem>>, %arg9: memref<96xi32, #tpu.memory_space<vmem>>, %arg10: memref<96xi32, #tpu.memory_space<vmem>>, %arg11: memref<96xi32, #tpu.memory_space<vmem>>, %arg12: memref<96xi32, #tpu.memory_space<vmem>>, %arg13: memref<96xi32, #tpu.memory_space<vmem>>, %arg14: memref<96xi32, #tpu.memory_space<vmem>>, %arg15: memref<96x128xf32, #tpu.memory_space<vmem>>, %arg16: memref<96x128xf32, #tpu.memory_space<vmem>>, %arg17: memref<96x128xf32, #tpu.memory_space<vmem>>, %arg18: memref<96x128xf32, #tpu.memory_space<vmem>>, %arg19: memref<16xi32, #tpu.memory_space<vmem>>, %arg20: memref<16xi32, #tpu.memory_space<vmem>>, %arg21: memref<10000x128xf32, #tpu.memory_space<vmem_shared>>, %arg22: memref<!tpu.dma_semaphore, #tpu.memory_space<semaphore_mem>>, %arg23: memref<!tpu.dma_semaphore, #tpu.memory_space<semaphore_mem>>, %arg24: memref<!tpu.dma_semaphore, #tpu.memory_space<semaphore_mem>>, %arg25: memref<!tpu.dma_semaphore, #tpu.memory_space<semaphore_mem>>, %arg26: memref<!tpu.dma_semaphore, #tpu.memory_space<semaphore_mem>>, %arg27: memref<!tpu.dma_semaphore, #tpu.memory_space<semaphore_mem>>, %arg28: memref<!tpu.dma_semaphore, #tpu.memory_space<semaphore_mem>>, %arg29: memref<!tpu.dma_semaphore, #tpu.memory_space<semaphore_mem>>) attributes {dimension_semantics = [#tpu.dimension_semantics<core_parallel>, #tpu.dimension_semantics<subcore_parallel>], iteration_bounds = array<i64: 2, 16>, scalar_prefetch = 0 : i64, scratch_operands = 23 : i64, tpu.core_type = #tpu.core_type<sc_vector_subcore>, window_params = [{transform_indices = #map}, {transform_indices = #map}, {transform_indices = #map1}, {transform_indices = #map}, {transform_indices = #map}]} {
    %mul3A = arith.constant 10000 : i32
    %mul3A_0 = arith.muli %arg1, %mul3A : i32
    %add3A = arith.constant 0 : i32
    %add3A_1 = arith.addi %mul3A_0, %add3A : i32
    %dma_start3A = arith.constant 0 : i32
    %dma_start3A_2 = tpu.memref_slice %arg4[%dma_start3A] : memref<320000xi32, #tpu.memory_space<hbm>> -> memref<160000xi32, #tpu.memory_space<hbm>>
    %dma_start3A_3 = tpu.memref_slice %dma_start3A_2[%add3A_1] : memref<160000xi32, #tpu.memory_space<hbm>> -> memref<96xi32, #tpu.memory_space<hbm>>
    %dma_start3A_4 = arith.constant 0 : i32
    %dma_start3A_5 = tpu.memref_slice %arg4[%dma_start3A_4] : memref<320000xi32, #tpu.memory_space<hbm>> -> memref<160000xi32, #tpu.memory_space<hbm>>
    %dma_start3A_6 = tpu.memref_slice %dma_start3A_5[%add3A_1] : memref<160000xi32, #tpu.memory_space<hbm>> -> memref<96xi32, #tpu.memory_space<hbm>>
    tpu.enqueue_dma source(%dma_start3A_6 : memref<96xi32, #tpu.memory_space<hbm>>) target(%arg7 : memref<96xi32, #tpu.memory_space<vmem>>) target_semaphore(%arg26 : memref<!tpu.dma_semaphore, #tpu.memory_space<semaphore_mem>>)
    %add3A_7 = arith.constant 0 : i32
    %add3A_8 = arith.addi %mul3A_0, %add3A_7 : i32
    %dma_start3A_9 = arith.constant 160000 : i32
    %dma_start3A_10 = tpu.memref_slice %arg4[%dma_start3A_9] : memref<320000xi32, #tpu.memory_space<hbm>> -> memref<160000xi32, #tpu.memory_space<hbm>>
    %dma_start3A_11 = tpu.memref_slice %dma_start3A_10[%add3A_8] : memref<160000xi32, #tpu.memory_space<hbm>> -> memref<96xi32, #tpu.memory_space<hbm>>
    %dma_start3A_12 = arith.constant 160000 : i32
    %dma_start3A_13 = tpu.memref_slice %arg4[%dma_start3A_12] : memref<320000xi32, #tpu.memory_space<hbm>> -> memref<160000xi32, #tpu.memory_space<hbm>>
    %dma_start3A_14 = tpu.memref_slice %dma_start3A_13[%add3A_8] : memref<160000xi32, #tpu.memory_space<hbm>> -> memref<96xi32, #tpu.memory_space<hbm>>
    tpu.enqueue_dma source(%dma_start3A_14 : memref<96xi32, #tpu.memory_space<hbm>>) target(%arg11 : memref<96xi32, #tpu.memory_space<vmem>>) target_semaphore(%arg26 : memref<!tpu.dma_semaphore, #tpu.memory_space<semaphore_mem>>)
    %add3A_15 = arith.constant 96 : i32
    %add3A_16 = arith.addi %mul3A_0, %add3A_15 : i32
    %dma_start3A_17 = arith.constant 0 : i32
    %dma_start3A_18 = tpu.memref_slice %arg4[%dma_start3A_17] : memref<320000xi32, #tpu.memory_space<hbm>> -> memref<160000xi32, #tpu.memory_space<hbm>>
    %dma_start3A_19 = tpu.memref_slice %dma_start3A_18[%add3A_16] : memref<160000xi32, #tpu.memory_space<hbm>> -> memref<96xi32, #tpu.memory_space<hbm>>
    %dma_start3A_20 = arith.constant 0 : i32
    %dma_start3A_21 = tpu.memref_slice %arg4[%dma_start3A_20] : memref<320000xi32, #tpu.memory_space<hbm>> -> memref<160000xi32, #tpu.memory_space<hbm>>
    %dma_start3A_22 = tpu.memref_slice %dma_start3A_21[%add3A_16] : memref<160000xi32, #tpu.memory_space<hbm>> -> memref<96xi32, #tpu.memory_space<hbm>>
    tpu.enqueue_dma source(%dma_start3A_22 : memref<96xi32, #tpu.memory_space<hbm>>) target(%arg8 : memref<96xi32, #tpu.memory_space<vmem>>) target_semaphore(%arg27 : memref<!tpu.dma_semaphore, #tpu.memory_space<semaphore_mem>>)
    %add3A_23 = arith.constant 96 : i32
    %add3A_24 = arith.addi %mul3A_0, %add3A_23 : i32
    %dma_start3A_25 = arith.constant 160000 : i32
    %dma_start3A_26 = tpu.memref_slice %arg4[%dma_start3A_25] : memref<320000xi32, #tpu.memory_space<hbm>> -> memref<160000xi32, #tpu.memory_space<hbm>>
    %dma_start3A_27 = tpu.memref_slice %dma_start3A_26[%add3A_24] : memref<160000xi32, #tpu.memory_space<hbm>> -> memref<96xi32, #tpu.memory_space<hbm>>
    %dma_start3A_28 = arith.constant 160000 : i32
    %dma_start3A_29 = tpu.memref_slice %arg4[%dma_start3A_28] : memref<320000xi32, #tpu.memory_space<hbm>> -> memref<160000xi32, #tpu.memory_space<hbm>>
    %dma_start3A_30 = tpu.memref_slice %dma_start3A_29[%add3A_24] : memref<160000xi32, #tpu.memory_space<hbm>> -> memref<96xi32, #tpu.memory_space<hbm>>
    tpu.enqueue_dma source(%dma_start3A_30 : memref<96xi32, #tpu.memory_space<hbm>>) target(%arg12 : memref<96xi32, #tpu.memory_space<vmem>>) target_semaphore(%arg27 : memref<!tpu.dma_semaphore, #tpu.memory_space<semaphore_mem>>)
    %add3A_31 = arith.constant 192 : i32
    %add3A_32 = arith.addi %mul3A_0, %add3A_31 : i32
    %dma_start3A_33 = arith.constant 0 : i32
    %dma_start3A_34 = tpu.memref_slice %arg4[%dma_start3A_33] : memref<320000xi32, #tpu.memory_space<hbm>> -> memref<160000xi32, #tpu.memory_space<hbm>>
    %dma_start3A_35 = tpu.memref_slice %dma_start3A_34[%add3A_32] : memref<160000xi32, #tpu.memory_space<hbm>> -> memref<96xi32, #tpu.memory_space<hbm>>
    %dma_start3A_36 = arith.constant 0 : i32
    %dma_start3A_37 = tpu.memref_slice %arg4[%dma_start3A_36] : memref<320000xi32, #tpu.memory_space<hbm>> -> memref<160000xi32, #tpu.memory_space<hbm>>
    %dma_start3A_38 = tpu.memref_slice %dma_start3A_37[%add3A_32] : memref<160000xi32, #tpu.memory_space<hbm>> -> memref<96xi32, #tpu.memory_space<hbm>>
    tpu.enqueue_dma source(%dma_start3A_38 : memref<96xi32, #tpu.memory_space<hbm>>) target(%arg9 : memref<96xi32, #tpu.memory_space<vmem>>) target_semaphore(%arg28 : memref<!tpu.dma_semaphore, #tpu.memory_space<semaphore_mem>>)
    %add3A_39 = arith.constant 192 : i32
    %add3A_40 = arith.addi %mul3A_0, %add3A_39 : i32
    %dma_start3A_41 = arith.constant 160000 : i32
    %dma_start3A_42 = tpu.memref_slice %arg4[%dma_start3A_41] : memref<320000xi32, #tpu.memory_space<hbm>> -> memref<160000xi32, #tpu.memory_space<hbm>>
    %dma_start3A_43 = tpu.memref_slice %dma_start3A_42[%add3A_40] : memref<160000xi32, #tpu.memory_space<hbm>> -> memref<96xi32, #tpu.memory_space<hbm>>
    %dma_start3A_44 = arith.constant 160000 : i32
    %dma_start3A_45 = tpu.memref_slice %arg4[%dma_start3A_44] : memref<320000xi32, #tpu.memory_space<hbm>> -> memref<160000xi32, #tpu.memory_space<hbm>>
    %dma_start3A_46 = tpu.memref_slice %dma_start3A_45[%add3A_40] : memref<160000xi32, #tpu.memory_space<hbm>> -> memref<96xi32, #tpu.memory_space<hbm>>
    tpu.enqueue_dma source(%dma_start3A_46 : memref<96xi32, #tpu.memory_space<hbm>>) target(%arg13 : memref<96xi32, #tpu.memory_space<vmem>>) target_semaphore(%arg28 : memref<!tpu.dma_semaphore, #tpu.memory_space<semaphore_mem>>)
    %mul3A_47 = arith.constant 624 : i32
    %mul3A_48 = arith.muli %arg1, %mul3A_47 : i32
    "tpu.region"() ({
      %run_scoped3A = tpu.sem_alloc : memref<!tpu.dma_semaphore, #tpu.memory_space<semaphore_mem>>
      %dma_start3A_174 = arith.constant 0 : i32
      %dma_start3A_175 = tpu.memref_slice %arg21[%mul3A_48, %dma_start3A_174] : memref<10000x128xf32, #tpu.memory_space<vmem_shared>> -> memref<624x128xf32, #tpu.memory_space<vmem_shared>>
      %dma_start3A_176 = arith.constant 0 : i32
      %dma_start3A_177 = arith.constant 0 : i32
      %dma_start3A_178 = tpu.memref_slice %arg5[%dma_start3A_176, %dma_start3A_177] : memref<625x128xf32, #tpu.memory_space<hbm>> -> memref<624x128xf32, #tpu.memory_space<hbm>>
      tpu.enqueue_dma source(%dma_start3A_178 : memref<624x128xf32, #tpu.memory_space<hbm>>) target(%dma_start3A_175 : memref<624x128xf32, #tpu.memory_space<vmem_shared>>) target_semaphore(%run_scoped3A : memref<!tpu.dma_semaphore, #tpu.memory_space<semaphore_mem>>)
      %dma_wait3A_179 = arith.constant 0 : i32
      %dma_wait3A_180 = tpu.memref_slice %arg21[%mul3A_48, %dma_wait3A_179] : memref<10000x128xf32, #tpu.memory_space<vmem_shared>> -> memref<624x128xf32, #tpu.memory_space<vmem_shared>>
      %dma_wait3A_181 = arith.constant 0 : i32
      %dma_wait3A_182 = arith.constant 0 : i32
      %dma_wait3A_183 = tpu.memref_slice %arg5[%dma_wait3A_181, %dma_wait3A_182] : memref<625x128xf32, #tpu.memory_space<hbm>> -> memref<624x128xf32, #tpu.memory_space<hbm>>
      tpu.wait_dma2 semaphore(%run_scoped3A : memref<!tpu.dma_semaphore, #tpu.memory_space<semaphore_mem>>) src(%dma_wait3A_183 : memref<624x128xf32, #tpu.memory_space<hbm>>) dst(%dma_wait3A_180 : memref<624x128xf32, #tpu.memory_space<vmem_shared>>)
      tpu.yield
    }) : () -> ()
    %eq3A = arith.constant 15 : i32
    %eq3A_49 = arith.cmpi eq, %arg1, %eq3A : i32
    %convert_element_type3A = arith.extui %eq3A_49 : i1 to i32
    %cond3A = arith.constant 0 : i32
    %cond3A_50 = arith.cmpi ne, %convert_element_type3A, %cond3A : i32
    scf.if %cond3A_50 {
      "tpu.region"() ({
        %run_scoped3A = tpu.sem_alloc : memref<!tpu.dma_semaphore, #tpu.memory_space<semaphore_mem>>
        %dma_start3A_174 = arith.constant 9984 : i32
        %dma_start3A_175 = arith.constant 0 : i32
        %dma_start3A_176 = tpu.memref_slice %arg21[%dma_start3A_174, %dma_start3A_175] : memref<10000x128xf32, #tpu.memory_space<vmem_shared>> -> memref<16x128xf32, #tpu.memory_space<vmem_shared>>
        %dma_start3A_177 = arith.constant 0 : i32
        %dma_start3A_178 = arith.constant 0 : i32
        %dma_start3A_179 = tpu.memref_slice %arg5[%dma_start3A_177, %dma_start3A_178] : memref<625x128xf32, #tpu.memory_space<hbm>> -> memref<16x128xf32, #tpu.memory_space<hbm>>
        tpu.enqueue_dma source(%dma_start3A_179 : memref<16x128xf32, #tpu.memory_space<hbm>>) target(%dma_start3A_176 : memref<16x128xf32, #tpu.memory_space<vmem_shared>>) target_semaphore(%run_scoped3A : memref<!tpu.dma_semaphore, #tpu.memory_space<semaphore_mem>>)
        %dma_wait3A_180 = arith.constant 9984 : i32
        %dma_wait3A_181 = arith.constant 0 : i32
        %dma_wait3A_182 = tpu.memref_slice %arg21[%dma_wait3A_180, %dma_wait3A_181] : memref<10000x128xf32, #tpu.memory_space<vmem_shared>> -> memref<16x128xf32, #tpu.memory_space<vmem_shared>>
        %dma_wait3A_183 = arith.constant 0 : i32
        %dma_wait3A_184 = arith.constant 0 : i32
        %dma_wait3A_185 = tpu.memref_slice %arg5[%dma_wait3A_183, %dma_wait3A_184] : memref<625x128xf32, #tpu.memory_space<hbm>> -> memref<16x128xf32, #tpu.memory_space<hbm>>
        tpu.wait_dma2 semaphore(%run_scoped3A : memref<!tpu.dma_semaphore, #tpu.memory_space<semaphore_mem>>) src(%dma_wait3A_185 : memref<16x128xf32, #tpu.memory_space<hbm>>) dst(%dma_wait3A_182 : memref<16x128xf32, #tpu.memory_space<vmem_shared>>)
        tpu.yield
      }) : () -> ()
    } else {
    }
    %dma_wait3A = arith.constant 0 : i32
    %dma_wait3A_51 = tpu.memref_slice %arg4[%dma_wait3A] : memref<320000xi32, #tpu.memory_space<hbm>> -> memref<160000xi32, #tpu.memory_space<hbm>>
    %dma_wait3A_52 = arith.constant 0 : i32
    %dma_wait3A_53 = tpu.memref_slice %dma_wait3A_51[%dma_wait3A_52] : memref<160000xi32, #tpu.memory_space<hbm>> -> memref<96xi32, #tpu.memory_space<hbm>>
    %dma_wait3A_54 = arith.constant 0 : i32
    %dma_wait3A_55 = tpu.memref_slice %arg4[%dma_wait3A_54] : memref<320000xi32, #tpu.memory_space<hbm>> -> memref<160000xi32, #tpu.memory_space<hbm>>
    %dma_wait3A_56 = arith.constant 0 : i32
    %dma_wait3A_57 = tpu.memref_slice %dma_wait3A_55[%dma_wait3A_56] : memref<160000xi32, #tpu.memory_space<hbm>> -> memref<96xi32, #tpu.memory_space<hbm>>
    tpu.wait_dma2 semaphore(%arg26 : memref<!tpu.dma_semaphore, #tpu.memory_space<semaphore_mem>>) src(%dma_wait3A_57 : memref<96xi32, #tpu.memory_space<hbm>>) dst(%arg7 : memref<96xi32, #tpu.memory_space<vmem>>)
    %dma_wait3A_58 = arith.constant 160000 : i32
    %dma_wait3A_59 = tpu.memref_slice %arg4[%dma_wait3A_58] : memref<320000xi32, #tpu.memory_space<hbm>> -> memref<160000xi32, #tpu.memory_space<hbm>>
    %dma_wait3A_60 = arith.constant 0 : i32
    %dma_wait3A_61 = tpu.memref_slice %dma_wait3A_59[%dma_wait3A_60] : memref<160000xi32, #tpu.memory_space<hbm>> -> memref<96xi32, #tpu.memory_space<hbm>>
    %dma_wait3A_62 = arith.constant 160000 : i32
    %dma_wait3A_63 = tpu.memref_slice %arg4[%dma_wait3A_62] : memref<320000xi32, #tpu.memory_space<hbm>> -> memref<160000xi32, #tpu.memory_space<hbm>>
    %dma_wait3A_64 = arith.constant 0 : i32
    %dma_wait3A_65 = tpu.memref_slice %dma_wait3A_63[%dma_wait3A_64] : memref<160000xi32, #tpu.memory_space<hbm>> -> memref<96xi32, #tpu.memory_space<hbm>>
    tpu.wait_dma2 semaphore(%arg26 : memref<!tpu.dma_semaphore, #tpu.memory_space<semaphore_mem>>) src(%dma_wait3A_65 : memref<96xi32, #tpu.memory_space<hbm>>) dst(%arg11 : memref<96xi32, #tpu.memory_space<vmem>>)
    %eq3A_66 = arith.constant 0 : i32
    %eq3A_67 = arith.cmpi eq, %arg0, %eq3A_66 : i32
    %convert_element_type3A_68 = arith.extui %eq3A_67 : i1 to i32
    %cond3A_69 = arith.constant 0 : i32
    %cond3A_70 = arith.cmpi ne, %convert_element_type3A_68, %cond3A_69 : i32
    scf.if %cond3A_70 {
      %dma_start3A_174 = arith.constant 0 : i32
      %dma_start3A_175 = arith.constant 0 : i32
      %dma_start3A_176 = tpu.memref_slice %arg2[%dma_start3A_174, %dma_start3A_175] : memref<10000x128xf32, #tpu.memory_space<hbm>> -> memref<10000x128xf32, #tpu.memory_space<hbm>>
      tpu.enqueue_indirect_dma source(%dma_start3A_176 : memref<10000x128xf32, #tpu.memory_space<hbm>>) target(%arg15 : memref<96x128xf32, #tpu.memory_space<vmem>>) offsets(%arg7 : memref<96xi32, #tpu.memory_space<vmem>>) semaphore(%arg22 : memref<!tpu.dma_semaphore, #tpu.memory_space<semaphore_mem>>)
    } else {
    }
    %eq3A_71 = arith.constant 1 : i32
    %eq3A_72 = arith.cmpi eq, %arg0, %eq3A_71 : i32
    %convert_element_type3A_73 = arith.extui %eq3A_72 : i1 to i32
    %cond3A_74 = arith.constant 0 : i32
    %cond3A_75 = arith.cmpi ne, %convert_element_type3A_73, %cond3A_74 : i32
    scf.if %cond3A_75 {
      %dma_start3A_174 = arith.constant 0 : i32
      %dma_start3A_175 = arith.constant 0 : i32
      %dma_start3A_176 = tpu.memref_slice %arg3[%dma_start3A_174, %dma_start3A_175] : memref<10000x128xf32, #tpu.memory_space<hbm>> -> memref<10000x128xf32, #tpu.memory_space<hbm>>
      tpu.enqueue_indirect_dma source(%dma_start3A_176 : memref<10000x128xf32, #tpu.memory_space<hbm>>) target(%arg15 : memref<96x128xf32, #tpu.memory_space<vmem>>) offsets(%arg7 : memref<96xi32, #tpu.memory_space<vmem>>) semaphore(%arg22 : memref<!tpu.dma_semaphore, #tpu.memory_space<semaphore_mem>>)
    } else {
    }
    %dma_wait3A_76 = arith.constant 0 : i32
    %dma_wait3A_77 = tpu.memref_slice %arg4[%dma_wait3A_76] : memref<320000xi32, #tpu.memory_space<hbm>> -> memref<160000xi32, #tpu.memory_space<hbm>>
    %dma_wait3A_78 = arith.constant 0 : i32
    %dma_wait3A_79 = tpu.memref_slice %dma_wait3A_77[%dma_wait3A_78] : memref<160000xi32, #tpu.memory_space<hbm>> -> memref<96xi32, #tpu.memory_space<hbm>>
    %dma_wait3A_80 = arith.constant 0 : i32
    %dma_wait3A_81 = tpu.memref_slice %arg4[%dma_wait3A_80] : memref<320000xi32, #tpu.memory_space<hbm>> -> memref<160000xi32, #tpu.memory_space<hbm>>
    %dma_wait3A_82 = arith.constant 0 : i32
    %dma_wait3A_83 = tpu.memref_slice %dma_wait3A_81[%dma_wait3A_82] : memref<160000xi32, #tpu.memory_space<hbm>> -> memref<96xi32, #tpu.memory_space<hbm>>
    tpu.wait_dma2 semaphore(%arg27 : memref<!tpu.dma_semaphore, #tpu.memory_space<semaphore_mem>>) src(%dma_wait3A_83 : memref<96xi32, #tpu.memory_space<hbm>>) dst(%arg8 : memref<96xi32, #tpu.memory_space<vmem>>)
    %dma_wait3A_84 = arith.constant 160000 : i32
    %dma_wait3A_85 = tpu.memref_slice %arg4[%dma_wait3A_84] : memref<320000xi32, #tpu.memory_space<hbm>> -> memref<160000xi32, #tpu.memory_space<hbm>>
    %dma_wait3A_86 = arith.constant 0 : i32
    %dma_wait3A_87 = tpu.memref_slice %dma_wait3A_85[%dma_wait3A_86] : memref<160000xi32, #tpu.memory_space<hbm>> -> memref<96xi32, #tpu.memory_space<hbm>>
    %dma_wait3A_88 = arith.constant 160000 : i32
    %dma_wait3A_89 = tpu.memref_slice %arg4[%dma_wait3A_88] : memref<320000xi32, #tpu.memory_space<hbm>> -> memref<160000xi32, #tpu.memory_space<hbm>>
    %dma_wait3A_90 = arith.constant 0 : i32
    %dma_wait3A_91 = tpu.memref_slice %dma_wait3A_89[%dma_wait3A_90] : memref<160000xi32, #tpu.memory_space<hbm>> -> memref<96xi32, #tpu.memory_space<hbm>>
    tpu.wait_dma2 semaphore(%arg27 : memref<!tpu.dma_semaphore, #tpu.memory_space<semaphore_mem>>) src(%dma_wait3A_91 : memref<96xi32, #tpu.memory_space<hbm>>) dst(%arg12 : memref<96xi32, #tpu.memory_space<vmem>>)
    %eq3A_92 = arith.constant 0 : i32
    %eq3A_93 = arith.cmpi eq, %arg0, %eq3A_92 : i32
    %convert_element_type3A_94 = arith.extui %eq3A_93 : i1 to i32
    %cond3A_95 = arith.constant 0 : i32
    %cond3A_96 = arith.cmpi ne, %convert_element_type3A_94, %cond3A_95 : i32
    scf.if %cond3A_96 {
      %dma_start3A_174 = arith.constant 0 : i32
      %dma_start3A_175 = arith.constant 0 : i32
      %dma_start3A_176 = tpu.memref_slice %arg2[%dma_start3A_174, %dma_start3A_175] : memref<10000x128xf32, #tpu.memory_space<hbm>> -> memref<10000x128xf32, #tpu.memory_space<hbm>>
      tpu.enqueue_indirect_dma source(%dma_start3A_176 : memref<10000x128xf32, #tpu.memory_space<hbm>>) target(%arg16 : memref<96x128xf32, #tpu.memory_space<vmem>>) offsets(%arg8 : memref<96xi32, #tpu.memory_space<vmem>>) semaphore(%arg23 : memref<!tpu.dma_semaphore, #tpu.memory_space<semaphore_mem>>)
    } else {
    }
    %eq3A_97 = arith.constant 1 : i32
    %eq3A_98 = arith.cmpi eq, %arg0, %eq3A_97 : i32
    %convert_element_type3A_99 = arith.extui %eq3A_98 : i1 to i32
    %cond3A_100 = arith.constant 0 : i32
    %cond3A_101 = arith.cmpi ne, %convert_element_type3A_99, %cond3A_100 : i32
    scf.if %cond3A_101 {
      %dma_start3A_174 = arith.constant 0 : i32
      %dma_start3A_175 = arith.constant 0 : i32
      %dma_start3A_176 = tpu.memref_slice %arg3[%dma_start3A_174, %dma_start3A_175] : memref<10000x128xf32, #tpu.memory_space<hbm>> -> memref<10000x128xf32, #tpu.memory_space<hbm>>
      tpu.enqueue_indirect_dma source(%dma_start3A_176 : memref<10000x128xf32, #tpu.memory_space<hbm>>) target(%arg16 : memref<96x128xf32, #tpu.memory_space<vmem>>) offsets(%arg8 : memref<96xi32, #tpu.memory_space<vmem>>) semaphore(%arg23 : memref<!tpu.dma_semaphore, #tpu.memory_space<semaphore_mem>>)
    } else {
    }
    %dma_wait3A_102 = arith.constant 0 : i32
    %dma_wait3A_103 = tpu.memref_slice %arg4[%dma_wait3A_102] : memref<320000xi32, #tpu.memory_space<hbm>> -> memref<160000xi32, #tpu.memory_space<hbm>>
    %dma_wait3A_104 = arith.constant 0 : i32
    %dma_wait3A_105 = tpu.memref_slice %dma_wait3A_103[%dma_wait3A_104] : memref<160000xi32, #tpu.memory_space<hbm>> -> memref<96xi32, #tpu.memory_space<hbm>>
    %dma_wait3A_106 = arith.constant 0 : i32
    %dma_wait3A_107 = tpu.memref_slice %arg4[%dma_wait3A_106] : memref<320000xi32, #tpu.memory_space<hbm>> -> memref<160000xi32, #tpu.memory_space<hbm>>
    %dma_wait3A_108 = arith.constant 0 : i32
    %dma_wait3A_109 = tpu.memref_slice %dma_wait3A_107[%dma_wait3A_108] : memref<160000xi32, #tpu.memory_space<hbm>> -> memref<96xi32, #tpu.memory_space<hbm>>
    tpu.wait_dma2 semaphore(%arg28 : memref<!tpu.dma_semaphore, #tpu.memory_space<semaphore_mem>>) src(%dma_wait3A_109 : memref<96xi32, #tpu.memory_space<hbm>>) dst(%arg9 : memref<96xi32, #tpu.memory_space<vmem>>)
    %dma_wait3A_110 = arith.constant 160000 : i32
    %dma_wait3A_111 = tpu.memref_slice %arg4[%dma_wait3A_110] : memref<320000xi32, #tpu.memory_space<hbm>> -> memref<160000xi32, #tpu.memory_space<hbm>>
    %dma_wait3A_112 = arith.constant 0 : i32
    %dma_wait3A_113 = tpu.memref_slice %dma_wait3A_111[%dma_wait3A_112] : memref<160000xi32, #tpu.memory_space<hbm>> -> memref<96xi32, #tpu.memory_space<hbm>>
    %dma_wait3A_114 = arith.constant 160000 : i32
    %dma_wait3A_115 = tpu.memref_slice %arg4[%dma_wait3A_114] : memref<320000xi32, #tpu.memory_space<hbm>> -> memref<160000xi32, #tpu.memory_space<hbm>>
    %dma_wait3A_116 = arith.constant 0 : i32
    %dma_wait3A_117 = tpu.memref_slice %dma_wait3A_115[%dma_wait3A_116] : memref<160000xi32, #tpu.memory_space<hbm>> -> memref<96xi32, #tpu.memory_space<hbm>>
    tpu.wait_dma2 semaphore(%arg28 : memref<!tpu.dma_semaphore, #tpu.memory_space<semaphore_mem>>) src(%dma_wait3A_117 : memref<96xi32, #tpu.memory_space<hbm>>) dst(%arg13 : memref<96xi32, #tpu.memory_space<vmem>>)
    %eq3A_118 = arith.constant 0 : i32
    %eq3A_119 = arith.cmpi eq, %arg0, %eq3A_118 : i32
    %convert_element_type3A_120 = arith.extui %eq3A_119 : i1 to i32
    %cond3A_121 = arith.constant 0 : i32
    %cond3A_122 = arith.cmpi ne, %convert_element_type3A_120, %cond3A_121 : i32
    scf.if %cond3A_122 {
      %dma_start3A_174 = arith.constant 0 : i32
      %dma_start3A_175 = arith.constant 0 : i32
      %dma_start3A_176 = tpu.memref_slice %arg2[%dma_start3A_174, %dma_start3A_175] : memref<10000x128xf32, #tpu.memory_space<hbm>> -> memref<10000x128xf32, #tpu.memory_space<hbm>>
      tpu.enqueue_indirect_dma source(%dma_start3A_176 : memref<10000x128xf32, #tpu.memory_space<hbm>>) target(%arg17 : memref<96x128xf32, #tpu.memory_space<vmem>>) offsets(%arg9 : memref<96xi32, #tpu.memory_space<vmem>>) semaphore(%arg24 : memref<!tpu.dma_semaphore, #tpu.memory_space<semaphore_mem>>)
    } else {
    }
    %eq3A_123 = arith.constant 1 : i32
    %eq3A_124 = arith.cmpi eq, %arg0, %eq3A_123 : i32
    %convert_element_type3A_125 = arith.extui %eq3A_124 : i1 to i32
    %cond3A_126 = arith.constant 0 : i32
    %cond3A_127 = arith.cmpi ne, %convert_element_type3A_125, %cond3A_126 : i32
    scf.if %cond3A_127 {
      %dma_start3A_174 = arith.constant 0 : i32
      %dma_start3A_175 = arith.constant 0 : i32
      %dma_start3A_176 = tpu.memref_slice %arg3[%dma_start3A_174, %dma_start3A_175] : memref<10000x128xf32, #tpu.memory_space<hbm>> -> memref<10000x128xf32, #tpu.memory_space<hbm>>
      tpu.enqueue_indirect_dma source(%dma_start3A_176 : memref<10000x128xf32, #tpu.memory_space<hbm>>) target(%arg17 : memref<96x128xf32, #tpu.memory_space<vmem>>) offsets(%arg9 : memref<96xi32, #tpu.memory_space<vmem>>) semaphore(%arg24 : memref<!tpu.dma_semaphore, #tpu.memory_space<semaphore_mem>>)
    } else {
    }
    %add3A_128 = arith.constant 288 : i32
    %add3A_129 = arith.addi %mul3A_0, %add3A_128 : i32
    %dma_start3A_130 = arith.constant 0 : i32
    %dma_start3A_131 = tpu.memref_slice %arg4[%dma_start3A_130] : memref<320000xi32, #tpu.memory_space<hbm>> -> memref<160000xi32, #tpu.memory_space<hbm>>
    %dma_start3A_132 = tpu.memref_slice %dma_start3A_131[%add3A_129] : memref<160000xi32, #tpu.memory_space<hbm>> -> memref<96xi32, #tpu.memory_space<hbm>>
    %dma_start3A_133 = arith.constant 0 : i32
    %dma_start3A_134 = tpu.memref_slice %arg4[%dma_start3A_133] : memref<320000xi32, #tpu.memory_space<hbm>> -> memref<160000xi32, #tpu.memory_space<hbm>>
    %dma_start3A_135 = tpu.memref_slice %dma_start3A_134[%add3A_129] : memref<160000xi32, #tpu.memory_space<hbm>> -> memref<96xi32, #tpu.memory_space<hbm>>
    tpu.enqueue_dma source(%dma_start3A_135 : memref<96xi32, #tpu.memory_space<hbm>>) target(%arg10 : memref<96xi32, #tpu.memory_space<vmem>>) target_semaphore(%arg29 : memref<!tpu.dma_semaphore, #tpu.memory_space<semaphore_mem>>)
    %add3A_136 = arith.constant 288 : i32
    %add3A_137 = arith.addi %mul3A_0, %add3A_136 : i32
    %dma_start3A_138 = arith.constant 160000 : i32
    %dma_start3A_139 = tpu.memref_slice %arg4[%dma_start3A_138] : memref<320000xi32, #tpu.memory_space<hbm>> -> memref<160000xi32, #tpu.memory_space<hbm>>
    %dma_start3A_140 = tpu.memref_slice %dma_start3A_139[%add3A_137] : memref<160000xi32, #tpu.memory_space<hbm>> -> memref<96xi32, #tpu.memory_space<hbm>>
    %dma_start3A_141 = arith.constant 160000 : i32
    %dma_start3A_142 = tpu.memref_slice %arg4[%dma_start3A_141] : memref<320000xi32, #tpu.memory_space<hbm>> -> memref<160000xi32, #tpu.memory_space<hbm>>
    %dma_start3A_143 = tpu.memref_slice %dma_start3A_142[%add3A_137] : memref<160000xi32, #tpu.memory_space<hbm>> -> memref<96xi32, #tpu.memory_space<hbm>>
    tpu.enqueue_dma source(%dma_start3A_143 : memref<96xi32, #tpu.memory_space<hbm>>) target(%arg14 : memref<96xi32, #tpu.memory_space<vmem>>) target_semaphore(%arg29 : memref<!tpu.dma_semaphore, #tpu.memory_space<semaphore_mem>>)
    %barrier3A = arith.constant 0 : index
    tpu.barrier barrier_id(%barrier3A)
    %scan3A = arith.constant 0 : i32
    %scan3A_144 = arith.constant 0 : i32
    %scan3A_145 = arith.constant 26 : i32
    %scan3A_146 = arith.addi %scan3A_144, %scan3A_145 : i32
    %scan3A_147 = arith.constant 1 : i32
    scf.for %scan3A_174 = %scan3A_144 to %scan3A_146 step %scan3A_147  : i32 {
      %mul3A_175 = arith.constant 4 : i32
      %mul3A_176 = arith.muli %mul3A_175, %scan3A_174 : i32
      %add3A_177 = arith.constant 0 : i32
      %add3A_178 = arith.addi %mul3A_176, %add3A_177 : i32
      %dma_wait3A_179 = arith.constant 0 : i32
      %dma_wait3A_180 = arith.constant 0 : i32
      %dma_wait3A_181 = tpu.memref_slice %arg2[%dma_wait3A_179, %dma_wait3A_180] : memref<10000x128xf32, #tpu.memory_space<hbm>> -> memref<10000x128xf32, #tpu.memory_space<hbm>>
      tpu.wait_indirect_dma semaphore(%arg22 : memref<!tpu.dma_semaphore, #tpu.memory_space<semaphore_mem>>) src(%dma_wait3A_181 : memref<10000x128xf32, #tpu.memory_space<hbm>>) dst(%arg15 : memref<96x128xf32, #tpu.memory_space<vmem>>)
      %add3A_182 = arith.constant 3 : i32
      %add3A_183 = arith.addi %add3A_178, %add3A_182 : i32
      %lt3A = arith.constant 104 : i32
      %lt3A_184 = arith.cmpi slt, %add3A_183, %lt3A : i32
      %convert_element_type3A_185 = arith.extui %lt3A_184 : i1 to i32
      %cond3A_186 = arith.constant 0 : i32
      %cond3A_187 = arith.cmpi ne, %convert_element_type3A_185, %cond3A_186 : i32
      scf.if %cond3A_187 {
        %dma_wait3A_258 = arith.constant 0 : i32
        %dma_wait3A_259 = tpu.memref_slice %arg4[%dma_wait3A_258] : memref<320000xi32, #tpu.memory_space<hbm>> -> memref<160000xi32, #tpu.memory_space<hbm>>
        %dma_wait3A_260 = arith.constant 0 : i32
        %dma_wait3A_261 = tpu.memref_slice %dma_wait3A_259[%dma_wait3A_260] : memref<160000xi32, #tpu.memory_space<hbm>> -> memref<96xi32, #tpu.memory_space<hbm>>
        %dma_wait3A_262 = arith.constant 0 : i32
        %dma_wait3A_263 = tpu.memref_slice %arg4[%dma_wait3A_262] : memref<320000xi32, #tpu.memory_space<hbm>> -> memref<160000xi32, #tpu.memory_space<hbm>>
        %dma_wait3A_264 = arith.constant 0 : i32
        %dma_wait3A_265 = tpu.memref_slice %dma_wait3A_263[%dma_wait3A_264] : memref<160000xi32, #tpu.memory_space<hbm>> -> memref<96xi32, #tpu.memory_space<hbm>>
        tpu.wait_dma2 semaphore(%arg29 : memref<!tpu.dma_semaphore, #tpu.memory_space<semaphore_mem>>) src(%dma_wait3A_265 : memref<96xi32, #tpu.memory_space<hbm>>) dst(%arg10 : memref<96xi32, #tpu.memory_space<vmem>>)
        %dma_wait3A_266 = arith.constant 160000 : i32
        %dma_wait3A_267 = tpu.memref_slice %arg4[%dma_wait3A_266] : memref<320000xi32, #tpu.memory_space<hbm>> -> memref<160000xi32, #tpu.memory_space<hbm>>
        %dma_wait3A_268 = arith.constant 0 : i32
        %dma_wait3A_269 = tpu.memref_slice %dma_wait3A_267[%dma_wait3A_268] : memref<160000xi32, #tpu.memory_space<hbm>> -> memref<96xi32, #tpu.memory_space<hbm>>
        %dma_wait3A_270 = arith.constant 160000 : i32
        %dma_wait3A_271 = tpu.memref_slice %arg4[%dma_wait3A_270] : memref<320000xi32, #tpu.memory_space<hbm>> -> memref<160000xi32, #tpu.memory_space<hbm>>
        %dma_wait3A_272 = arith.constant 0 : i32
        %dma_wait3A_273 = tpu.memref_slice %dma_wait3A_271[%dma_wait3A_272] : memref<160000xi32, #tpu.memory_space<hbm>> -> memref<96xi32, #tpu.memory_space<hbm>>
        tpu.wait_dma2 semaphore(%arg29 : memref<!tpu.dma_semaphore, #tpu.memory_space<semaphore_mem>>) src(%dma_wait3A_273 : memref<96xi32, #tpu.memory_space<hbm>>) dst(%arg14 : memref<96xi32, #tpu.memory_space<vmem>>)
        %eq3A_274 = arith.constant 0 : i32
        %eq3A_275 = arith.cmpi eq, %arg0, %eq3A_274 : i32
        %convert_element_type3A_276 = arith.extui %eq3A_275 : i1 to i32
        %cond3A_277 = arith.constant 0 : i32
        %cond3A_278 = arith.cmpi ne, %convert_element_type3A_276, %cond3A_277 : i32
        scf.if %cond3A_278 {
          %dma_start3A_284 = arith.constant 0 : i32
          %dma_start3A_285 = arith.constant 0 : i32
          %dma_start3A_286 = tpu.memref_slice %arg2[%dma_start3A_284, %dma_start3A_285] : memref<10000x128xf32, #tpu.memory_space<hbm>> -> memref<10000x128xf32, #tpu.memory_space<hbm>>
          tpu.enqueue_indirect_dma source(%dma_start3A_286 : memref<10000x128xf32, #tpu.memory_space<hbm>>) target(%arg18 : memref<96x128xf32, #tpu.memory_space<vmem>>) offsets(%arg10 : memref<96xi32, #tpu.memory_space<vmem>>) semaphore(%arg25 : memref<!tpu.dma_semaphore, #tpu.memory_space<semaphore_mem>>)
        } else {
        }
        %eq3A_279 = arith.constant 1 : i32
        %eq3A_280 = arith.cmpi eq, %arg0, %eq3A_279 : i32
        %convert_element_type3A_281 = arith.extui %eq3A_280 : i1 to i32
        %cond3A_282 = arith.constant 0 : i32
        %cond3A_283 = arith.cmpi ne, %convert_element_type3A_281, %cond3A_282 : i32
        scf.if %cond3A_283 {
          %dma_start3A_284 = arith.constant 0 : i32
          %dma_start3A_285 = arith.constant 0 : i32
          %dma_start3A_286 = tpu.memref_slice %arg3[%dma_start3A_284, %dma_start3A_285] : memref<10000x128xf32, #tpu.memory_space<hbm>> -> memref<10000x128xf32, #tpu.memory_space<hbm>>
          tpu.enqueue_indirect_dma source(%dma_start3A_286 : memref<10000x128xf32, #tpu.memory_space<hbm>>) target(%arg18 : memref<96x128xf32, #tpu.memory_space<vmem>>) offsets(%arg10 : memref<96xi32, #tpu.memory_space<vmem>>) semaphore(%arg25 : memref<!tpu.dma_semaphore, #tpu.memory_space<semaphore_mem>>)
        } else {
        }
      } else {
      }
      "tpu.region"() ({
        %run_scoped3A = tpu.sem_alloc : memref<!tpu.dma_semaphore, #tpu.memory_space<semaphore_mem>>
        %dma_start3A_258 = arith.constant 0 : i32
        %dma_start3A_259 = arith.constant 0 : i32
        %dma_start3A_260 = tpu.memref_slice %arg21[%dma_start3A_258, %dma_start3A_259] : memref<10000x128xf32, #tpu.memory_space<vmem_shared>> -> memref<10000x128xf32, #tpu.memory_space<vmem_shared>>
        tpu.enqueue_indirect_dma source(%arg15 : memref<96x128xf32, #tpu.memory_space<vmem>>) target(%dma_start3A_260 : memref<10000x128xf32, #tpu.memory_space<vmem_shared>>) offsets(%arg11 : memref<96xi32, #tpu.memory_space<vmem>>) semaphore(%run_scoped3A : memref<!tpu.dma_semaphore, #tpu.memory_space<semaphore_mem>>) {add = true}
        %dma_wait3A_261 = arith.constant 0 : i32
        %dma_wait3A_262 = arith.constant 0 : i32
        %dma_wait3A_263 = tpu.memref_slice %arg21[%dma_wait3A_261, %dma_wait3A_262] : memref<10000x128xf32, #tpu.memory_space<vmem_shared>> -> memref<10000x128xf32, #tpu.memory_space<vmem_shared>>
        tpu.wait_indirect_dma semaphore(%run_scoped3A : memref<!tpu.dma_semaphore, #tpu.memory_space<semaphore_mem>>) src(%arg15 : memref<96x128xf32, #tpu.memory_space<vmem>>) dst(%dma_wait3A_263 : memref<10000x128xf32, #tpu.memory_space<vmem_shared>>)
        tpu.yield
      }) : () -> ()
      %add3A_188 = arith.constant 4 : i32
      %add3A_189 = arith.addi %add3A_178, %add3A_188 : i32
      %lt3A_190 = arith.constant 104 : i32
      %lt3A_191 = arith.cmpi slt, %add3A_189, %lt3A_190 : i32
      %convert_element_type3A_192 = arith.extui %lt3A_191 : i1 to i32
      %cond3A_193 = arith.constant 0 : i32
      %cond3A_194 = arith.cmpi ne, %convert_element_type3A_192, %cond3A_193 : i32
      scf.if %cond3A_194 {
        %add3A_258 = arith.constant 4 : i32
        %add3A_259 = arith.addi %add3A_178, %add3A_258 : i32
        %mul3A_260 = arith.constant 96 : i32
        %mul3A_261 = arith.muli %add3A_259, %mul3A_260 : i32
        %add3A_262 = arith.addi %mul3A_0, %mul3A_261 : i32
        %dma_start3A_263 = arith.constant 0 : i32
        %dma_start3A_264 = tpu.memref_slice %arg4[%dma_start3A_263] : memref<320000xi32, #tpu.memory_space<hbm>> -> memref<160000xi32, #tpu.memory_space<hbm>>
        %dma_start3A_265 = tpu.memref_slice %dma_start3A_264[%add3A_262] : memref<160000xi32, #tpu.memory_space<hbm>> -> memref<96xi32, #tpu.memory_space<hbm>>
        %dma_start3A_266 = arith.constant 0 : i32
        %dma_start3A_267 = tpu.memref_slice %arg4[%dma_start3A_266] : memref<320000xi32, #tpu.memory_space<hbm>> -> memref<160000xi32, #tpu.memory_space<hbm>>
        %dma_start3A_268 = tpu.memref_slice %dma_start3A_267[%add3A_262] : memref<160000xi32, #tpu.memory_space<hbm>> -> memref<96xi32, #tpu.memory_space<hbm>>
        tpu.enqueue_dma source(%dma_start3A_268 : memref<96xi32, #tpu.memory_space<hbm>>) target(%arg7 : memref<96xi32, #tpu.memory_space<vmem>>) target_semaphore(%arg26 : memref<!tpu.dma_semaphore, #tpu.memory_space<semaphore_mem>>)
        %mul3A_269 = arith.constant 96 : i32
        %mul3A_270 = arith.muli %add3A_259, %mul3A_269 : i32
        %add3A_271 = arith.addi %mul3A_0, %mul3A_270 : i32
        %dma_start3A_272 = arith.constant 160000 : i32
        %dma_start3A_273 = tpu.memref_slice %arg4[%dma_start3A_272] : memref<320000xi32, #tpu.memory_space<hbm>> -> memref<160000xi32, #tpu.memory_space<hbm>>
        %dma_start3A_274 = tpu.memref_slice %dma_start3A_273[%add3A_271] : memref<160000xi32, #tpu.memory_space<hbm>> -> memref<96xi32, #tpu.memory_space<hbm>>
        %dma_start3A_275 = arith.constant 160000 : i32
        %dma_start3A_276 = tpu.memref_slice %arg4[%dma_start3A_275] : memref<320000xi32, #tpu.memory_space<hbm>> -> memref<160000xi32, #tpu.memory_space<hbm>>
        %dma_start3A_277 = tpu.memref_slice %dma_start3A_276[%add3A_271] : memref<160000xi32, #tpu.memory_space<hbm>> -> memref<96xi32, #tpu.memory_space<hbm>>
        tpu.enqueue_dma source(%dma_start3A_277 : memref<96xi32, #tpu.memory_space<hbm>>) target(%arg11 : memref<96xi32, #tpu.memory_space<vmem>>) target_semaphore(%arg26 : memref<!tpu.dma_semaphore, #tpu.memory_space<semaphore_mem>>)
      } else {
      }
      %mul3A_195 = arith.constant 4 : i32
      %mul3A_196 = arith.muli %mul3A_195, %scan3A_174 : i32
      %add3A_197 = arith.constant 1 : i32
      %add3A_198 = arith.addi %mul3A_196, %add3A_197 : i32
      %dma_wait3A_199 = arith.constant 0 : i32
      %dma_wait3A_200 = arith.constant 0 : i32
      %dma_wait3A_201 = tpu.memref_slice %arg2[%dma_wait3A_199, %dma_wait3A_200] : memref<10000x128xf32, #tpu.memory_space<hbm>> -> memref<10000x128xf32, #tpu.memory_space<hbm>>
      tpu.wait_indirect_dma semaphore(%arg23 : memref<!tpu.dma_semaphore, #tpu.memory_space<semaphore_mem>>) src(%dma_wait3A_201 : memref<10000x128xf32, #tpu.memory_space<hbm>>) dst(%arg16 : memref<96x128xf32, #tpu.memory_space<vmem>>)
      %add3A_202 = arith.constant 3 : i32
      %add3A_203 = arith.addi %add3A_198, %add3A_202 : i32
      %lt3A_204 = arith.constant 104 : i32
      %lt3A_205 = arith.cmpi slt, %add3A_203, %lt3A_204 : i32
      %convert_element_type3A_206 = arith.extui %lt3A_205 : i1 to i32
      %cond3A_207 = arith.constant 0 : i32
      %cond3A_208 = arith.cmpi ne, %convert_element_type3A_206, %cond3A_207 : i32
      scf.if %cond3A_208 {
        %dma_wait3A_258 = arith.constant 0 : i32
        %dma_wait3A_259 = tpu.memref_slice %arg4[%dma_wait3A_258] : memref<320000xi32, #tpu.memory_space<hbm>> -> memref<160000xi32, #tpu.memory_space<hbm>>
        %dma_wait3A_260 = arith.constant 0 : i32
        %dma_wait3A_261 = tpu.memref_slice %dma_wait3A_259[%dma_wait3A_260] : memref<160000xi32, #tpu.memory_space<hbm>> -> memref<96xi32, #tpu.memory_space<hbm>>
        %dma_wait3A_262 = arith.constant 0 : i32
        %dma_wait3A_263 = tpu.memref_slice %arg4[%dma_wait3A_262] : memref<320000xi32, #tpu.memory_space<hbm>> -> memref<160000xi32, #tpu.memory_space<hbm>>
        %dma_wait3A_264 = arith.constant 0 : i32
        %dma_wait3A_265 = tpu.memref_slice %dma_wait3A_263[%dma_wait3A_264] : memref<160000xi32, #tpu.memory_space<hbm>> -> memref<96xi32, #tpu.memory_space<hbm>>
        tpu.wait_dma2 semaphore(%arg26 : memref<!tpu.dma_semaphore, #tpu.memory_space<semaphore_mem>>) src(%dma_wait3A_265 : memref<96xi32, #tpu.memory_space<hbm>>) dst(%arg7 : memref<96xi32, #tpu.memory_space<vmem>>)
        %dma_wait3A_266 = arith.constant 160000 : i32
        %dma_wait3A_267 = tpu.memref_slice %arg4[%dma_wait3A_266] : memref<320000xi32, #tpu.memory_space<hbm>> -> memref<160000xi32, #tpu.memory_space<hbm>>
        %dma_wait3A_268 = arith.constant 0 : i32
        %dma_wait3A_269 = tpu.memref_slice %dma_wait3A_267[%dma_wait3A_268] : memref<160000xi32, #tpu.memory_space<hbm>> -> memref<96xi32, #tpu.memory_space<hbm>>
        %dma_wait3A_270 = arith.constant 160000 : i32
        %dma_wait3A_271 = tpu.memref_slice %arg4[%dma_wait3A_270] : memref<320000xi32, #tpu.memory_space<hbm>> -> memref<160000xi32, #tpu.memory_space<hbm>>
        %dma_wait3A_272 = arith.constant 0 : i32
        %dma_wait3A_273 = tpu.memref_slice %dma_wait3A_271[%dma_wait3A_272] : memref<160000xi32, #tpu.memory_space<hbm>> -> memref<96xi32, #tpu.memory_space<hbm>>
        tpu.wait_dma2 semaphore(%arg26 : memref<!tpu.dma_semaphore, #tpu.memory_space<semaphore_mem>>) src(%dma_wait3A_273 : memref<96xi32, #tpu.memory_space<hbm>>) dst(%arg11 : memref<96xi32, #tpu.memory_space<vmem>>)
        %eq3A_274 = arith.constant 0 : i32
        %eq3A_275 = arith.cmpi eq, %arg0, %eq3A_274 : i32
        %convert_element_type3A_276 = arith.extui %eq3A_275 : i1 to i32
        %cond3A_277 = arith.constant 0 : i32
        %cond3A_278 = arith.cmpi ne, %convert_element_type3A_276, %cond3A_277 : i32
        scf.if %cond3A_278 {
          %dma_start3A_284 = arith.constant 0 : i32
          %dma_start3A_285 = arith.constant 0 : i32
          %dma_start3A_286 = tpu.memref_slice %arg2[%dma_start3A_284, %dma_start3A_285] : memref<10000x128xf32, #tpu.memory_space<hbm>> -> memref<10000x128xf32, #tpu.memory_space<hbm>>
          tpu.enqueue_indirect_dma source(%dma_start3A_286 : memref<10000x128xf32, #tpu.memory_space<hbm>>) target(%arg15 : memref<96x128xf32, #tpu.memory_space<vmem>>) offsets(%arg7 : memref<96xi32, #tpu.memory_space<vmem>>) semaphore(%arg22 : memref<!tpu.dma_semaphore, #tpu.memory_space<semaphore_mem>>)
        } else {
        }
        %eq3A_279 = arith.constant 1 : i32
        %eq3A_280 = arith.cmpi eq, %arg0, %eq3A_279 : i32
        %convert_element_type3A_281 = arith.extui %eq3A_280 : i1 to i32
        %cond3A_282 = arith.constant 0 : i32
        %cond3A_283 = arith.cmpi ne, %convert_element_type3A_281, %cond3A_282 : i32
        scf.if %cond3A_283 {
          %dma_start3A_284 = arith.constant 0 : i32
          %dma_start3A_285 = arith.constant 0 : i32
          %dma_start3A_286 = tpu.memref_slice %arg3[%dma_start3A_284, %dma_start3A_285] : memref<10000x128xf32, #tpu.memory_space<hbm>> -> memref<10000x128xf32, #tpu.memory_space<hbm>>
          tpu.enqueue_indirect_dma source(%dma_start3A_286 : memref<10000x128xf32, #tpu.memory_space<hbm>>) target(%arg15 : memref<96x128xf32, #tpu.memory_space<vmem>>) offsets(%arg7 : memref<96xi32, #tpu.memory_space<vmem>>) semaphore(%arg22 : memref<!tpu.dma_semaphore, #tpu.memory_space<semaphore_mem>>)
        } else {
        }
      } else {
      }
      "tpu.region"() ({
        %run_scoped3A = tpu.sem_alloc : memref<!tpu.dma_semaphore, #tpu.memory_space<semaphore_mem>>
        %dma_start3A_258 = arith.constant 0 : i32
        %dma_start3A_259 = arith.constant 0 : i32
        %dma_start3A_260 = tpu.memref_slice %arg21[%dma_start3A_258, %dma_start3A_259] : memref<10000x128xf32, #tpu.memory_space<vmem_shared>> -> memref<10000x128xf32, #tpu.memory_space<vmem_shared>>
        tpu.enqueue_indirect_dma source(%arg16 : memref<96x128xf32, #tpu.memory_space<vmem>>) target(%dma_start3A_260 : memref<10000x128xf32, #tpu.memory_space<vmem_shared>>) offsets(%arg12 : memref<96xi32, #tpu.memory_space<vmem>>) semaphore(%run_scoped3A : memref<!tpu.dma_semaphore, #tpu.memory_space<semaphore_mem>>) {add = true}
        %dma_wait3A_261 = arith.constant 0 : i32
        %dma_wait3A_262 = arith.constant 0 : i32
        %dma_wait3A_263 = tpu.memref_slice %arg21[%dma_wait3A_261, %dma_wait3A_262] : memref<10000x128xf32, #tpu.memory_space<vmem_shared>> -> memref<10000x128xf32, #tpu.memory_space<vmem_shared>>
        tpu.wait_indirect_dma semaphore(%run_scoped3A : memref<!tpu.dma_semaphore, #tpu.memory_space<semaphore_mem>>) src(%arg16 : memref<96x128xf32, #tpu.memory_space<vmem>>) dst(%dma_wait3A_263 : memref<10000x128xf32, #tpu.memory_space<vmem_shared>>)
        tpu.yield
      }) : () -> ()
      %add3A_209 = arith.constant 4 : i32
      %add3A_210 = arith.addi %add3A_198, %add3A_209 : i32
      %lt3A_211 = arith.constant 104 : i32
      %lt3A_212 = arith.cmpi slt, %add3A_210, %lt3A_211 : i32
      %convert_element_type3A_213 = arith.extui %lt3A_212 : i1 to i32
      %cond3A_214 = arith.constant 0 : i32
      %cond3A_215 = arith.cmpi ne, %convert_element_type3A_213, %cond3A_214 : i32
      scf.if %cond3A_215 {
        %add3A_258 = arith.constant 4 : i32
        %add3A_259 = arith.addi %add3A_198, %add3A_258 : i32
        %mul3A_260 = arith.constant 96 : i32
        %mul3A_261 = arith.muli %add3A_259, %mul3A_260 : i32
        %add3A_262 = arith.addi %mul3A_0, %mul3A_261 : i32
        %dma_start3A_263 = arith.constant 0 : i32
        %dma_start3A_264 = tpu.memref_slice %arg4[%dma_start3A_263] : memref<320000xi32, #tpu.memory_space<hbm>> -> memref<160000xi32, #tpu.memory_space<hbm>>
        %dma_start3A_265 = tpu.memref_slice %dma_start3A_264[%add3A_262] : memref<160000xi32, #tpu.memory_space<hbm>> -> memref<96xi32, #tpu.memory_space<hbm>>
        %dma_start3A_266 = arith.constant 0 : i32
        %dma_start3A_267 = tpu.memref_slice %arg4[%dma_start3A_266] : memref<320000xi32, #tpu.memory_space<hbm>> -> memref<160000xi32, #tpu.memory_space<hbm>>
        %dma_start3A_268 = tpu.memref_slice %dma_start3A_267[%add3A_262] : memref<160000xi32, #tpu.memory_space<hbm>> -> memref<96xi32, #tpu.memory_space<hbm>>
        tpu.enqueue_dma source(%dma_start3A_268 : memref<96xi32, #tpu.memory_space<hbm>>) target(%arg8 : memref<96xi32, #tpu.memory_space<vmem>>) target_semaphore(%arg27 : memref<!tpu.dma_semaphore, #tpu.memory_space<semaphore_mem>>)
        %mul3A_269 = arith.constant 96 : i32
        %mul3A_270 = arith.muli %add3A_259, %mul3A_269 : i32
        %add3A_271 = arith.addi %mul3A_0, %mul3A_270 : i32
        %dma_start3A_272 = arith.constant 160000 : i32
        %dma_start3A_273 = tpu.memref_slice %arg4[%dma_start3A_272] : memref<320000xi32, #tpu.memory_space<hbm>> -> memref<160000xi32, #tpu.memory_space<hbm>>
        %dma_start3A_274 = tpu.memref_slice %dma_start3A_273[%add3A_271] : memref<160000xi32, #tpu.memory_space<hbm>> -> memref<96xi32, #tpu.memory_space<hbm>>
        %dma_start3A_275 = arith.constant 160000 : i32
        %dma_start3A_276 = tpu.memref_slice %arg4[%dma_start3A_275] : memref<320000xi32, #tpu.memory_space<hbm>> -> memref<160000xi32, #tpu.memory_space<hbm>>
        %dma_start3A_277 = tpu.memref_slice %dma_start3A_276[%add3A_271] : memref<160000xi32, #tpu.memory_space<hbm>> -> memref<96xi32, #tpu.memory_space<hbm>>
        tpu.enqueue_dma source(%dma_start3A_277 : memref<96xi32, #tpu.memory_space<hbm>>) target(%arg12 : memref<96xi32, #tpu.memory_space<vmem>>) target_semaphore(%arg27 : memref<!tpu.dma_semaphore, #tpu.memory_space<semaphore_mem>>)
      } else {
      }
      %mul3A_216 = arith.constant 4 : i32
      %mul3A_217 = arith.muli %mul3A_216, %scan3A_174 : i32
      %add3A_218 = arith.constant 2 : i32
      %add3A_219 = arith.addi %mul3A_217, %add3A_218 : i32
      %dma_wait3A_220 = arith.constant 0 : i32
      %dma_wait3A_221 = arith.constant 0 : i32
      %dma_wait3A_222 = tpu.memref_slice %arg2[%dma_wait3A_220, %dma_wait3A_221] : memref<10000x128xf32, #tpu.memory_space<hbm>> -> memref<10000x128xf32, #tpu.memory_space<hbm>>
      tpu.wait_indirect_dma semaphore(%arg24 : memref<!tpu.dma_semaphore, #tpu.memory_space<semaphore_mem>>) src(%dma_wait3A_222 : memref<10000x128xf32, #tpu.memory_space<hbm>>) dst(%arg17 : memref<96x128xf32, #tpu.memory_space<vmem>>)
      %add3A_223 = arith.constant 3 : i32
      %add3A_224 = arith.addi %add3A_219, %add3A_223 : i32
      %lt3A_225 = arith.constant 104 : i32
      %lt3A_226 = arith.cmpi slt, %add3A_224, %lt3A_225 : i32
      %convert_element_type3A_227 = arith.extui %lt3A_226 : i1 to i32
      %cond3A_228 = arith.constant 0 : i32
      %cond3A_229 = arith.cmpi ne, %convert_element_type3A_227, %cond3A_228 : i32
      scf.if %cond3A_229 {
        %dma_wait3A_258 = arith.constant 0 : i32
        %dma_wait3A_259 = tpu.memref_slice %arg4[%dma_wait3A_258] : memref<320000xi32, #tpu.memory_space<hbm>> -> memref<160000xi32, #tpu.memory_space<hbm>>
        %dma_wait3A_260 = arith.constant 0 : i32
        %dma_wait3A_261 = tpu.memref_slice %dma_wait3A_259[%dma_wait3A_260] : memref<160000xi32, #tpu.memory_space<hbm>> -> memref<96xi32, #tpu.memory_space<hbm>>
        %dma_wait3A_262 = arith.constant 0 : i32
        %dma_wait3A_263 = tpu.memref_slice %arg4[%dma_wait3A_262] : memref<320000xi32, #tpu.memory_space<hbm>> -> memref<160000xi32, #tpu.memory_space<hbm>>
        %dma_wait3A_264 = arith.constant 0 : i32
        %dma_wait3A_265 = tpu.memref_slice %dma_wait3A_263[%dma_wait3A_264] : memref<160000xi32, #tpu.memory_space<hbm>> -> memref<96xi32, #tpu.memory_space<hbm>>
        tpu.wait_dma2 semaphore(%arg27 : memref<!tpu.dma_semaphore, #tpu.memory_space<semaphore_mem>>) src(%dma_wait3A_265 : memref<96xi32, #tpu.memory_space<hbm>>) dst(%arg8 : memref<96xi32, #tpu.memory_space<vmem>>)
        %dma_wait3A_266 = arith.constant 160000 : i32
        %dma_wait3A_267 = tpu.memref_slice %arg4[%dma_wait3A_266] : memref<320000xi32, #tpu.memory_space<hbm>> -> memref<160000xi32, #tpu.memory_space<hbm>>
        %dma_wait3A_268 = arith.constant 0 : i32
        %dma_wait3A_269 = tpu.memref_slice %dma_wait3A_267[%dma_wait3A_268] : memref<160000xi32, #tpu.memory_space<hbm>> -> memref<96xi32, #tpu.memory_space<hbm>>
        %dma_wait3A_270 = arith.constant 160000 : i32
        %dma_wait3A_271 = tpu.memref_slice %arg4[%dma_wait3A_270] : memref<320000xi32, #tpu.memory_space<hbm>> -> memref<160000xi32, #tpu.memory_space<hbm>>
        %dma_wait3A_272 = arith.constant 0 : i32
        %dma_wait3A_273 = tpu.memref_slice %dma_wait3A_271[%dma_wait3A_272] : memref<160000xi32, #tpu.memory_space<hbm>> -> memref<96xi32, #tpu.memory_space<hbm>>
        tpu.wait_dma2 semaphore(%arg27 : memref<!tpu.dma_semaphore, #tpu.memory_space<semaphore_mem>>) src(%dma_wait3A_273 : memref<96xi32, #tpu.memory_space<hbm>>) dst(%arg12 : memref<96xi32, #tpu.memory_space<vmem>>)
        %eq3A_274 = arith.constant 0 : i32
        %eq3A_275 = arith.cmpi eq, %arg0, %eq3A_274 : i32
        %convert_element_type3A_276 = arith.extui %eq3A_275 : i1 to i32
        %cond3A_277 = arith.constant 0 : i32
        %cond3A_278 = arith.cmpi ne, %convert_element_type3A_276, %cond3A_277 : i32
        scf.if %cond3A_278 {
          %dma_start3A_284 = arith.constant 0 : i32
          %dma_start3A_285 = arith.constant 0 : i32
          %dma_start3A_286 = tpu.memref_slice %arg2[%dma_start3A_284, %dma_start3A_285] : memref<10000x128xf32, #tpu.memory_space<hbm>> -> memref<10000x128xf32, #tpu.memory_space<hbm>>
          tpu.enqueue_indirect_dma source(%dma_start3A_286 : memref<10000x128xf32, #tpu.memory_space<hbm>>) target(%arg16 : memref<96x128xf32, #tpu.memory_space<vmem>>) offsets(%arg8 : memref<96xi32, #tpu.memory_space<vmem>>) semaphore(%arg23 : memref<!tpu.dma_semaphore, #tpu.memory_space<semaphore_mem>>)
        } else {
        }
        %eq3A_279 = arith.constant 1 : i32
        %eq3A_280 = arith.cmpi eq, %arg0, %eq3A_279 : i32
        %convert_element_type3A_281 = arith.extui %eq3A_280 : i1 to i32
        %cond3A_282 = arith.constant 0 : i32
        %cond3A_283 = arith.cmpi ne, %convert_element_type3A_281, %cond3A_282 : i32
        scf.if %cond3A_283 {
          %dma_start3A_284 = arith.constant 0 : i32
          %dma_start3A_285 = arith.constant 0 : i32
          %dma_start3A_286 = tpu.memref_slice %arg3[%dma_start3A_284, %dma_start3A_285] : memref<10000x128xf32, #tpu.memory_space<hbm>> -> memref<10000x128xf32, #tpu.memory_space<hbm>>
          tpu.enqueue_indirect_dma source(%dma_start3A_286 : memref<10000x128xf32, #tpu.memory_space<hbm>>) target(%arg16 : memref<96x128xf32, #tpu.memory_space<vmem>>) offsets(%arg8 : memref<96xi32, #tpu.memory_space<vmem>>) semaphore(%arg23 : memref<!tpu.dma_semaphore, #tpu.memory_space<semaphore_mem>>)
        } else {
        }
      } else {
      }
      "tpu.region"() ({
        %run_scoped3A = tpu.sem_alloc : memref<!tpu.dma_semaphore, #tpu.memory_space<semaphore_mem>>
        %dma_start3A_258 = arith.constant 0 : i32
        %dma_start3A_259 = arith.constant 0 : i32
        %dma_start3A_260 = tpu.memref_slice %arg21[%dma_start3A_258, %dma_start3A_259] : memref<10000x128xf32, #tpu.memory_space<vmem_shared>> -> memref<10000x128xf32, #tpu.memory_space<vmem_shared>>
        tpu.enqueue_indirect_dma source(%arg17 : memref<96x128xf32, #tpu.memory_space<vmem>>) target(%dma_start3A_260 : memref<10000x128xf32, #tpu.memory_space<vmem_shared>>) offsets(%arg13 : memref<96xi32, #tpu.memory_space<vmem>>) semaphore(%run_scoped3A : memref<!tpu.dma_semaphore, #tpu.memory_space<semaphore_mem>>) {add = true}
        %dma_wait3A_261 = arith.constant 0 : i32
        %dma_wait3A_262 = arith.constant 0 : i32
        %dma_wait3A_263 = tpu.memref_slice %arg21[%dma_wait3A_261, %dma_wait3A_262] : memref<10000x128xf32, #tpu.memory_space<vmem_shared>> -> memref<10000x128xf32, #tpu.memory_space<vmem_shared>>
        tpu.wait_indirect_dma semaphore(%run_scoped3A : memref<!tpu.dma_semaphore, #tpu.memory_space<semaphore_mem>>) src(%arg17 : memref<96x128xf32, #tpu.memory_space<vmem>>) dst(%dma_wait3A_263 : memref<10000x128xf32, #tpu.memory_space<vmem_shared>>)
        tpu.yield
      }) : () -> ()
      %add3A_230 = arith.constant 4 : i32
      %add3A_231 = arith.addi %add3A_219, %add3A_230 : i32
      %lt3A_232 = arith.constant 104 : i32
      %lt3A_233 = arith.cmpi slt, %add3A_231, %lt3A_232 : i32
      %convert_element_type3A_234 = arith.extui %lt3A_233 : i1 to i32
      %cond3A_235 = arith.constant 0 : i32
      %cond3A_236 = arith.cmpi ne, %convert_element_type3A_234, %cond3A_235 : i32
      scf.if %cond3A_236 {
        %add3A_258 = arith.constant 4 : i32
        %add3A_259 = arith.addi %add3A_219, %add3A_258 : i32
        %mul3A_260 = arith.constant 96 : i32
        %mul3A_261 = arith.muli %add3A_259, %mul3A_260 : i32
        %add3A_262 = arith.addi %mul3A_0, %mul3A_261 : i32
        %dma_start3A_263 = arith.constant 0 : i32
        %dma_start3A_264 = tpu.memref_slice %arg4[%dma_start3A_263] : memref<320000xi32, #tpu.memory_space<hbm>> -> memref<160000xi32, #tpu.memory_space<hbm>>
        %dma_start3A_265 = tpu.memref_slice %dma_start3A_264[%add3A_262] : memref<160000xi32, #tpu.memory_space<hbm>> -> memref<96xi32, #tpu.memory_space<hbm>>
        %dma_start3A_266 = arith.constant 0 : i32
        %dma_start3A_267 = tpu.memref_slice %arg4[%dma_start3A_266] : memref<320000xi32, #tpu.memory_space<hbm>> -> memref<160000xi32, #tpu.memory_space<hbm>>
        %dma_start3A_268 = tpu.memref_slice %dma_start3A_267[%add3A_262] : memref<160000xi32, #tpu.memory_space<hbm>> -> memref<96xi32, #tpu.memory_space<hbm>>
        tpu.enqueue_dma source(%dma_start3A_268 : memref<96xi32, #tpu.memory_space<hbm>>) target(%arg9 : memref<96xi32, #tpu.memory_space<vmem>>) target_semaphore(%arg28 : memref<!tpu.dma_semaphore, #tpu.memory_space<semaphore_mem>>)
        %mul3A_269 = arith.constant 96 : i32
        %mul3A_270 = arith.muli %add3A_259, %mul3A_269 : i32
        %add3A_271 = arith.addi %mul3A_0, %mul3A_270 : i32
        %dma_start3A_272 = arith.constant 160000 : i32
        %dma_start3A_273 = tpu.memref_slice %arg4[%dma_start3A_272] : memref<320000xi32, #tpu.memory_space<hbm>> -> memref<160000xi32, #tpu.memory_space<hbm>>
        %dma_start3A_274 = tpu.memref_slice %dma_start3A_273[%add3A_271] : memref<160000xi32, #tpu.memory_space<hbm>> -> memref<96xi32, #tpu.memory_space<hbm>>
        %dma_start3A_275 = arith.constant 160000 : i32
        %dma_start3A_276 = tpu.memref_slice %arg4[%dma_start3A_275] : memref<320000xi32, #tpu.memory_space<hbm>> -> memref<160000xi32, #tpu.memory_space<hbm>>
        %dma_start3A_277 = tpu.memref_slice %dma_start3A_276[%add3A_271] : memref<160000xi32, #tpu.memory_space<hbm>> -> memref<96xi32, #tpu.memory_space<hbm>>
        tpu.enqueue_dma source(%dma_start3A_277 : memref<96xi32, #tpu.memory_space<hbm>>) target(%arg13 : memref<96xi32, #tpu.memory_space<vmem>>) target_semaphore(%arg28 : memref<!tpu.dma_semaphore, #tpu.memory_space<semaphore_mem>>)
      } else {
      }
      %mul3A_237 = arith.constant 4 : i32
      %mul3A_238 = arith.muli %mul3A_237, %scan3A_174 : i32
      %add3A_239 = arith.constant 3 : i32
      %add3A_240 = arith.addi %mul3A_238, %add3A_239 : i32
      %dma_wait3A_241 = arith.constant 0 : i32
      %dma_wait3A_242 = arith.constant 0 : i32
      %dma_wait3A_243 = tpu.memref_slice %arg2[%dma_wait3A_241, %dma_wait3A_242] : memref<10000x128xf32, #tpu.memory_space<hbm>> -> memref<10000x128xf32, #tpu.memory_space<hbm>>
      tpu.wait_indirect_dma semaphore(%arg25 : memref<!tpu.dma_semaphore, #tpu.memory_space<semaphore_mem>>) src(%dma_wait3A_243 : memref<10000x128xf32, #tpu.memory_space<hbm>>) dst(%arg18 : memref<96x128xf32, #tpu.memory_space<vmem>>)
      %add3A_244 = arith.constant 3 : i32
      %add3A_245 = arith.addi %add3A_240, %add3A_244 : i32
      %lt3A_246 = arith.constant 104 : i32
      %lt3A_247 = arith.cmpi slt, %add3A_245, %lt3A_246 : i32
      %convert_element_type3A_248 = arith.extui %lt3A_247 : i1 to i32
      %cond3A_249 = arith.constant 0 : i32
      %cond3A_250 = arith.cmpi ne, %convert_element_type3A_248, %cond3A_249 : i32
      scf.if %cond3A_250 {
        %dma_wait3A_258 = arith.constant 0 : i32
        %dma_wait3A_259 = tpu.memref_slice %arg4[%dma_wait3A_258] : memref<320000xi32, #tpu.memory_space<hbm>> -> memref<160000xi32, #tpu.memory_space<hbm>>
        %dma_wait3A_260 = arith.constant 0 : i32
        %dma_wait3A_261 = tpu.memref_slice %dma_wait3A_259[%dma_wait3A_260] : memref<160000xi32, #tpu.memory_space<hbm>> -> memref<96xi32, #tpu.memory_space<hbm>>
        %dma_wait3A_262 = arith.constant 0 : i32
        %dma_wait3A_263 = tpu.memref_slice %arg4[%dma_wait3A_262] : memref<320000xi32, #tpu.memory_space<hbm>> -> memref<160000xi32, #tpu.memory_space<hbm>>
        %dma_wait3A_264 = arith.constant 0 : i32
        %dma_wait3A_265 = tpu.memref_slice %dma_wait3A_263[%dma_wait3A_264] : memref<160000xi32, #tpu.memory_space<hbm>> -> memref<96xi32, #tpu.memory_space<hbm>>
        tpu.wait_dma2 semaphore(%arg28 : memref<!tpu.dma_semaphore, #tpu.memory_space<semaphore_mem>>) src(%dma_wait3A_265 : memref<96xi32, #tpu.memory_space<hbm>>) dst(%arg9 : memref<96xi32, #tpu.memory_space<vmem>>)
        %dma_wait3A_266 = arith.constant 160000 : i32
        %dma_wait3A_267 = tpu.memref_slice %arg4[%dma_wait3A_266] : memref<320000xi32, #tpu.memory_space<hbm>> -> memref<160000xi32, #tpu.memory_space<hbm>>
        %dma_wait3A_268 = arith.constant 0 : i32
        %dma_wait3A_269 = tpu.memref_slice %dma_wait3A_267[%dma_wait3A_268] : memref<160000xi32, #tpu.memory_space<hbm>> -> memref<96xi32, #tpu.memory_space<hbm>>
        %dma_wait3A_270 = arith.constant 160000 : i32
        %dma_wait3A_271 = tpu.memref_slice %arg4[%dma_wait3A_270] : memref<320000xi32, #tpu.memory_space<hbm>> -> memref<160000xi32, #tpu.memory_space<hbm>>
        %dma_wait3A_272 = arith.constant 0 : i32
        %dma_wait3A_273 = tpu.memref_slice %dma_wait3A_271[%dma_wait3A_272] : memref<160000xi32, #tpu.memory_space<hbm>> -> memref<96xi32, #tpu.memory_space<hbm>>
        tpu.wait_dma2 semaphore(%arg28 : memref<!tpu.dma_semaphore, #tpu.memory_space<semaphore_mem>>) src(%dma_wait3A_273 : memref<96xi32, #tpu.memory_space<hbm>>) dst(%arg13 : memref<96xi32, #tpu.memory_space<vmem>>)
        %eq3A_274 = arith.constant 0 : i32
        %eq3A_275 = arith.cmpi eq, %arg0, %eq3A_274 : i32
        %convert_element_type3A_276 = arith.extui %eq3A_275 : i1 to i32
        %cond3A_277 = arith.constant 0 : i32
        %cond3A_278 = arith.cmpi ne, %convert_element_type3A_276, %cond3A_277 : i32
        scf.if %cond3A_278 {
          %dma_start3A_284 = arith.constant 0 : i32
          %dma_start3A_285 = arith.constant 0 : i32
          %dma_start3A_286 = tpu.memref_slice %arg2[%dma_start3A_284, %dma_start3A_285] : memref<10000x128xf32, #tpu.memory_space<hbm>> -> memref<10000x128xf32, #tpu.memory_space<hbm>>
          tpu.enqueue_indirect_dma source(%dma_start3A_286 : memref<10000x128xf32, #tpu.memory_space<hbm>>) target(%arg17 : memref<96x128xf32, #tpu.memory_space<vmem>>) offsets(%arg9 : memref<96xi32, #tpu.memory_space<vmem>>) semaphore(%arg24 : memref<!tpu.dma_semaphore, #tpu.memory_space<semaphore_mem>>)
        } else {
        }
        %eq3A_279 = arith.constant 1 : i32
        %eq3A_280 = arith.cmpi eq, %arg0, %eq3A_279 : i32
        %convert_element_type3A_281 = arith.extui %eq3A_280 : i1 to i32
        %cond3A_282 = arith.constant 0 : i32
        %cond3A_283 = arith.cmpi ne, %convert_element_type3A_281, %cond3A_282 : i32
        scf.if %cond3A_283 {
          %dma_start3A_284 = arith.constant 0 : i32
          %dma_start3A_285 = arith.constant 0 : i32
          %dma_start3A_286 = tpu.memref_slice %arg3[%dma_start3A_284, %dma_start3A_285] : memref<10000x128xf32, #tpu.memory_space<hbm>> -> memref<10000x128xf32, #tpu.memory_space<hbm>>
          tpu.enqueue_indirect_dma source(%dma_start3A_286 : memref<10000x128xf32, #tpu.memory_space<hbm>>) target(%arg17 : memref<96x128xf32, #tpu.memory_space<vmem>>) offsets(%arg9 : memref<96xi32, #tpu.memory_space<vmem>>) semaphore(%arg24 : memref<!tpu.dma_semaphore, #tpu.memory_space<semaphore_mem>>)
        } else {
        }
      } else {
      }
      "tpu.region"() ({
        %run_scoped3A = tpu.sem_alloc : memref<!tpu.dma_semaphore, #tpu.memory_space<semaphore_mem>>
        %dma_start3A_258 = arith.constant 0 : i32
        %dma_start3A_259 = arith.constant 0 : i32
        %dma_start3A_260 = tpu.memref_slice %arg21[%dma_start3A_258, %dma_start3A_259] : memref<10000x128xf32, #tpu.memory_space<vmem_shared>> -> memref<10000x128xf32, #tpu.memory_space<vmem_shared>>
        tpu.enqueue_indirect_dma source(%arg18 : memref<96x128xf32, #tpu.memory_space<vmem>>) target(%dma_start3A_260 : memref<10000x128xf32, #tpu.memory_space<vmem_shared>>) offsets(%arg14 : memref<96xi32, #tpu.memory_space<vmem>>) semaphore(%run_scoped3A : memref<!tpu.dma_semaphore, #tpu.memory_space<semaphore_mem>>) {add = true}
        %dma_wait3A_261 = arith.constant 0 : i32
        %dma_wait3A_262 = arith.constant 0 : i32
        %dma_wait3A_263 = tpu.memref_slice %arg21[%dma_wait3A_261, %dma_wait3A_262] : memref<10000x128xf32, #tpu.memory_space<vmem_shared>> -> memref<10000x128xf32, #tpu.memory_space<vmem_shared>>
        tpu.wait_indirect_dma semaphore(%run_scoped3A : memref<!tpu.dma_semaphore, #tpu.memory_space<semaphore_mem>>) src(%arg18 : memref<96x128xf32, #tpu.memory_space<vmem>>) dst(%dma_wait3A_263 : memref<10000x128xf32, #tpu.memory_space<vmem_shared>>)
        tpu.yield
      }) : () -> ()
      %add3A_251 = arith.constant 4 : i32
      %add3A_252 = arith.addi %add3A_240, %add3A_251 : i32
      %lt3A_253 = arith.constant 104 : i32
      %lt3A_254 = arith.cmpi slt, %add3A_252, %lt3A_253 : i32
      %convert_element_type3A_255 = arith.extui %lt3A_254 : i1 to i32
      %cond3A_256 = arith.constant 0 : i32
      %cond3A_257 = arith.cmpi ne, %convert_element_type3A_255, %cond3A_256 : i32
      scf.if %cond3A_257 {
        %add3A_258 = arith.constant 4 : i32
        %add3A_259 = arith.addi %add3A_240, %add3A_258 : i32
        %mul3A_260 = arith.constant 96 : i32
        %mul3A_261 = arith.muli %add3A_259, %mul3A_260 : i32
        %add3A_262 = arith.addi %mul3A_0, %mul3A_261 : i32
        %dma_start3A_263 = arith.constant 0 : i32
        %dma_start3A_264 = tpu.memref_slice %arg4[%dma_start3A_263] : memref<320000xi32, #tpu.memory_space<hbm>> -> memref<160000xi32, #tpu.memory_space<hbm>>
        %dma_start3A_265 = tpu.memref_slice %dma_start3A_264[%add3A_262] : memref<160000xi32, #tpu.memory_space<hbm>> -> memref<96xi32, #tpu.memory_space<hbm>>
        %dma_start3A_266 = arith.constant 0 : i32
        %dma_start3A_267 = tpu.memref_slice %arg4[%dma_start3A_266] : memref<320000xi32, #tpu.memory_space<hbm>> -> memref<160000xi32, #tpu.memory_space<hbm>>
        %dma_start3A_268 = tpu.memref_slice %dma_start3A_267[%add3A_262] : memref<160000xi32, #tpu.memory_space<hbm>> -> memref<96xi32, #tpu.memory_space<hbm>>
        tpu.enqueue_dma source(%dma_start3A_268 : memref<96xi32, #tpu.memory_space<hbm>>) target(%arg10 : memref<96xi32, #tpu.memory_space<vmem>>) target_semaphore(%arg29 : memref<!tpu.dma_semaphore, #tpu.memory_space<semaphore_mem>>)
        %mul3A_269 = arith.constant 96 : i32
        %mul3A_270 = arith.muli %add3A_259, %mul3A_269 : i32
        %add3A_271 = arith.addi %mul3A_0, %mul3A_270 : i32
        %dma_start3A_272 = arith.constant 160000 : i32
        %dma_start3A_273 = tpu.memref_slice %arg4[%dma_start3A_272] : memref<320000xi32, #tpu.memory_space<hbm>> -> memref<160000xi32, #tpu.memory_space<hbm>>
        %dma_start3A_274 = tpu.memref_slice %dma_start3A_273[%add3A_271] : memref<160000xi32, #tpu.memory_space<hbm>> -> memref<96xi32, #tpu.memory_space<hbm>>
        %dma_start3A_275 = arith.constant 160000 : i32
        %dma_start3A_276 = tpu.memref_slice %arg4[%dma_start3A_275] : memref<320000xi32, #tpu.memory_space<hbm>> -> memref<160000xi32, #tpu.memory_space<hbm>>
        %dma_start3A_277 = tpu.memref_slice %dma_start3A_276[%add3A_271] : memref<160000xi32, #tpu.memory_space<hbm>> -> memref<96xi32, #tpu.memory_space<hbm>>
        tpu.enqueue_dma source(%dma_start3A_277 : memref<96xi32, #tpu.memory_space<hbm>>) target(%arg14 : memref<96xi32, #tpu.memory_space<vmem>>) target_semaphore(%arg29 : memref<!tpu.dma_semaphore, #tpu.memory_space<semaphore_mem>>)
      } else {
      }
    }
    %scan3A_148 = arith.constant 26 : i32
    %add3A_149 = arith.constant 9984 : i32
    %add3A_150 = arith.addi %mul3A_0, %add3A_149 : i32
    "tpu.region"() ({
      %run_scoped3A = tpu.sem_alloc : memref<!tpu.dma_semaphore, #tpu.memory_space<semaphore_mem>>
      %dma_start3A_174 = arith.constant 0 : i32
      %dma_start3A_175 = tpu.memref_slice %arg19[%dma_start3A_174] : memref<16xi32, #tpu.memory_space<vmem>> -> memref<16xi32, #tpu.memory_space<vmem>>
      %dma_start3A_176 = arith.constant 0 : i32
      %dma_start3A_177 = tpu.memref_slice %arg4[%dma_start3A_176] : memref<320000xi32, #tpu.memory_space<hbm>> -> memref<160000xi32, #tpu.memory_space<hbm>>
      %dma_start3A_178 = tpu.memref_slice %dma_start3A_177[%add3A_150] : memref<160000xi32, #tpu.memory_space<hbm>> -> memref<16xi32, #tpu.memory_space<hbm>>
      %dma_start3A_179 = arith.constant 0 : i32
      %dma_start3A_180 = tpu.memref_slice %arg19[%dma_start3A_179] : memref<16xi32, #tpu.memory_space<vmem>> -> memref<16xi32, #tpu.memory_space<vmem>>
      %dma_start3A_181 = arith.constant 0 : i32
      %dma_start3A_182 = tpu.memref_slice %arg4[%dma_start3A_181] : memref<320000xi32, #tpu.memory_space<hbm>> -> memref<160000xi32, #tpu.memory_space<hbm>>
      %dma_start3A_183 = tpu.memref_slice %dma_start3A_182[%add3A_150] : memref<160000xi32, #tpu.memory_space<hbm>> -> memref<16xi32, #tpu.memory_space<hbm>>
      tpu.enqueue_dma source(%dma_start3A_183 : memref<16xi32, #tpu.memory_space<hbm>>) target(%dma_start3A_180 : memref<16xi32, #tpu.memory_space<vmem>>) target_semaphore(%run_scoped3A : memref<!tpu.dma_semaphore, #tpu.memory_space<semaphore_mem>>)
      %dma_wait3A_184 = arith.constant 0 : i32
      %dma_wait3A_185 = tpu.memref_slice %arg19[%dma_wait3A_184] : memref<16xi32, #tpu.memory_space<vmem>> -> memref<16xi32, #tpu.memory_space<vmem>>
      %dma_wait3A_186 = arith.constant 0 : i32
      %dma_wait3A_187 = tpu.memref_slice %arg4[%dma_wait3A_186] : memref<320000xi32, #tpu.memory_space<hbm>> -> memref<160000xi32, #tpu.memory_space<hbm>>
      %dma_wait3A_188 = tpu.memref_slice %dma_wait3A_187[%add3A_150] : memref<160000xi32, #tpu.memory_space<hbm>> -> memref<16xi32, #tpu.memory_space<hbm>>
      %dma_wait3A_189 = arith.constant 0 : i32
      %dma_wait3A_190 = tpu.memref_slice %arg19[%dma_wait3A_189] : memref<16xi32, #tpu.memory_space<vmem>> -> memref<16xi32, #tpu.memory_space<vmem>>
      %dma_wait3A_191 = arith.constant 0 : i32
      %dma_wait3A_192 = tpu.memref_slice %arg4[%dma_wait3A_191] : memref<320000xi32, #tpu.memory_space<hbm>> -> memref<160000xi32, #tpu.memory_space<hbm>>
      %dma_wait3A_193 = tpu.memref_slice %dma_wait3A_192[%add3A_150] : memref<160000xi32, #tpu.memory_space<hbm>> -> memref<16xi32, #tpu.memory_space<hbm>>
      tpu.wait_dma2 semaphore(%run_scoped3A : memref<!tpu.dma_semaphore, #tpu.memory_space<semaphore_mem>>) src(%dma_wait3A_193 : memref<16xi32, #tpu.memory_space<hbm>>) dst(%dma_wait3A_190 : memref<16xi32, #tpu.memory_space<vmem>>)
      tpu.yield
    }) : () -> ()
    "tpu.region"() ({
      %run_scoped3A = tpu.sem_alloc : memref<!tpu.dma_semaphore, #tpu.memory_space<semaphore_mem>>
      %dma_start3A_174 = arith.constant 0 : i32
      %dma_start3A_175 = tpu.memref_slice %arg20[%dma_start3A_174] : memref<16xi32, #tpu.memory_space<vmem>> -> memref<16xi32, #tpu.memory_space<vmem>>
      %dma_start3A_176 = arith.constant 160000 : i32
      %dma_start3A_177 = tpu.memref_slice %arg4[%dma_start3A_176] : memref<320000xi32, #tpu.memory_space<hbm>> -> memref<160000xi32, #tpu.memory_space<hbm>>
      %dma_start3A_178 = tpu.memref_slice %dma_start3A_177[%add3A_150] : memref<160000xi32, #tpu.memory_space<hbm>> -> memref<16xi32, #tpu.memory_space<hbm>>
      %dma_start3A_179 = arith.constant 0 : i32
      %dma_start3A_180 = tpu.memref_slice %arg20[%dma_start3A_179] : memref<16xi32, #tpu.memory_space<vmem>> -> memref<16xi32, #tpu.memory_space<vmem>>
      %dma_start3A_181 = arith.constant 160000 : i32
      %dma_start3A_182 = tpu.memref_slice %arg4[%dma_start3A_181] : memref<320000xi32, #tpu.memory_space<hbm>> -> memref<160000xi32, #tpu.memory_space<hbm>>
      %dma_start3A_183 = tpu.memref_slice %dma_start3A_182[%add3A_150] : memref<160000xi32, #tpu.memory_space<hbm>> -> memref<16xi32, #tpu.memory_space<hbm>>
      tpu.enqueue_dma source(%dma_start3A_183 : memref<16xi32, #tpu.memory_space<hbm>>) target(%dma_start3A_180 : memref<16xi32, #tpu.memory_space<vmem>>) target_semaphore(%run_scoped3A : memref<!tpu.dma_semaphore, #tpu.memory_space<semaphore_mem>>)
      %dma_wait3A_184 = arith.constant 0 : i32
      %dma_wait3A_185 = tpu.memref_slice %arg20[%dma_wait3A_184] : memref<16xi32, #tpu.memory_space<vmem>> -> memref<16xi32, #tpu.memory_space<vmem>>
      %dma_wait3A_186 = arith.constant 160000 : i32
      %dma_wait3A_187 = tpu.memref_slice %arg4[%dma_wait3A_186] : memref<320000xi32, #tpu.memory_space<hbm>> -> memref<160000xi32, #tpu.memory_space<hbm>>
      %dma_wait3A_188 = tpu.memref_slice %dma_wait3A_187[%add3A_150] : memref<160000xi32, #tpu.memory_space<hbm>> -> memref<16xi32, #tpu.memory_space<hbm>>
      %dma_wait3A_189 = arith.constant 0 : i32
      %dma_wait3A_190 = tpu.memref_slice %arg20[%dma_wait3A_189] : memref<16xi32, #tpu.memory_space<vmem>> -> memref<16xi32, #tpu.memory_space<vmem>>
      %dma_wait3A_191 = arith.constant 160000 : i32
      %dma_wait3A_192 = tpu.memref_slice %arg4[%dma_wait3A_191] : memref<320000xi32, #tpu.memory_space<hbm>> -> memref<160000xi32, #tpu.memory_space<hbm>>
      %dma_wait3A_193 = tpu.memref_slice %dma_wait3A_192[%add3A_150] : memref<160000xi32, #tpu.memory_space<hbm>> -> memref<16xi32, #tpu.memory_space<hbm>>
      tpu.wait_dma2 semaphore(%run_scoped3A : memref<!tpu.dma_semaphore, #tpu.memory_space<semaphore_mem>>) src(%dma_wait3A_193 : memref<16xi32, #tpu.memory_space<hbm>>) dst(%dma_wait3A_190 : memref<16xi32, #tpu.memory_space<vmem>>)
      tpu.yield
    }) : () -> ()
    %eq3A_151 = arith.constant 0 : i32
    %eq3A_152 = arith.cmpi eq, %arg0, %eq3A_151 : i32
    %convert_element_type3A_153 = arith.extui %eq3A_152 : i1 to i32
    %cond3A_154 = arith.constant 0 : i32
    %cond3A_155 = arith.cmpi ne, %convert_element_type3A_153, %cond3A_154 : i32
    scf.if %cond3A_155 {
      %dma_start3A_174 = arith.constant 0 : i32
      %dma_start3A_175 = arith.constant 0 : i32
      %dma_start3A_176 = tpu.memref_slice %arg15[%dma_start3A_174, %dma_start3A_175] : memref<96x128xf32, #tpu.memory_space<vmem>> -> memref<16x128xf32, #tpu.memory_space<vmem>>
      %dma_start3A_177 = arith.constant 0 : i32
      %dma_start3A_178 = arith.constant 0 : i32
      %dma_start3A_179 = tpu.memref_slice %arg2[%dma_start3A_177, %dma_start3A_178] : memref<10000x128xf32, #tpu.memory_space<hbm>> -> memref<10000x128xf32, #tpu.memory_space<hbm>>
      tpu.enqueue_indirect_dma source(%dma_start3A_179 : memref<10000x128xf32, #tpu.memory_space<hbm>>) target(%dma_start3A_176 : memref<16x128xf32, #tpu.memory_space<vmem>>) offsets(%arg19 : memref<16xi32, #tpu.memory_space<vmem>>) semaphore(%arg22 : memref<!tpu.dma_semaphore, #tpu.memory_space<semaphore_mem>>)
      %dma_wait3A_180 = arith.constant 0 : i32
      %dma_wait3A_181 = arith.constant 0 : i32
      %dma_wait3A_182 = tpu.memref_slice %arg15[%dma_wait3A_180, %dma_wait3A_181] : memref<96x128xf32, #tpu.memory_space<vmem>> -> memref<16x128xf32, #tpu.memory_space<vmem>>
      %dma_wait3A_183 = arith.constant 0 : i32
      %dma_wait3A_184 = arith.constant 0 : i32
      %dma_wait3A_185 = tpu.memref_slice %arg2[%dma_wait3A_183, %dma_wait3A_184] : memref<10000x128xf32, #tpu.memory_space<hbm>> -> memref<10000x128xf32, #tpu.memory_space<hbm>>
      tpu.wait_indirect_dma semaphore(%arg22 : memref<!tpu.dma_semaphore, #tpu.memory_space<semaphore_mem>>) src(%dma_wait3A_185 : memref<10000x128xf32, #tpu.memory_space<hbm>>) dst(%dma_wait3A_182 : memref<16x128xf32, #tpu.memory_space<vmem>>)
    } else {
    }
    %eq3A_156 = arith.constant 1 : i32
    %eq3A_157 = arith.cmpi eq, %arg0, %eq3A_156 : i32
    %convert_element_type3A_158 = arith.extui %eq3A_157 : i1 to i32
    %cond3A_159 = arith.constant 0 : i32
    %cond3A_160 = arith.cmpi ne, %convert_element_type3A_158, %cond3A_159 : i32
    scf.if %cond3A_160 {
      %dma_start3A_174 = arith.constant 0 : i32
      %dma_start3A_175 = arith.constant 0 : i32
      %dma_start3A_176 = tpu.memref_slice %arg15[%dma_start3A_174, %dma_start3A_175] : memref<96x128xf32, #tpu.memory_space<vmem>> -> memref<16x128xf32, #tpu.memory_space<vmem>>
      %dma_start3A_177 = arith.constant 0 : i32
      %dma_start3A_178 = arith.constant 0 : i32
      %dma_start3A_179 = tpu.memref_slice %arg3[%dma_start3A_177, %dma_start3A_178] : memref<10000x128xf32, #tpu.memory_space<hbm>> -> memref<10000x128xf32, #tpu.memory_space<hbm>>
      tpu.enqueue_indirect_dma source(%dma_start3A_179 : memref<10000x128xf32, #tpu.memory_space<hbm>>) target(%dma_start3A_176 : memref<16x128xf32, #tpu.memory_space<vmem>>) offsets(%arg19 : memref<16xi32, #tpu.memory_space<vmem>>) semaphore(%arg23 : memref<!tpu.dma_semaphore, #tpu.memory_space<semaphore_mem>>)
      %dma_wait3A_180 = arith.constant 0 : i32
      %dma_wait3A_181 = arith.constant 0 : i32
      %dma_wait3A_182 = tpu.memref_slice %arg15[%dma_wait3A_180, %dma_wait3A_181] : memref<96x128xf32, #tpu.memory_space<vmem>> -> memref<16x128xf32, #tpu.memory_space<vmem>>
      %dma_wait3A_183 = arith.constant 0 : i32
      %dma_wait3A_184 = arith.constant 0 : i32
      %dma_wait3A_185 = tpu.memref_slice %arg3[%dma_wait3A_183, %dma_wait3A_184] : memref<10000x128xf32, #tpu.memory_space<hbm>> -> memref<10000x128xf32, #tpu.memory_space<hbm>>
      tpu.wait_indirect_dma semaphore(%arg23 : memref<!tpu.dma_semaphore, #tpu.memory_space<semaphore_mem>>) src(%dma_wait3A_185 : memref<10000x128xf32, #tpu.memory_space<hbm>>) dst(%dma_wait3A_182 : memref<16x128xf32, #tpu.memory_space<vmem>>)
    } else {
    }
    "tpu.region"() ({
      %run_scoped3A = tpu.sem_alloc : memref<!tpu.dma_semaphore, #tpu.memory_space<semaphore_mem>>
      %dma_start3A_174 = arith.constant 0 : i32
      %dma_start3A_175 = arith.constant 0 : i32
      %dma_start3A_176 = tpu.memref_slice %arg15[%dma_start3A_174, %dma_start3A_175] : memref<96x128xf32, #tpu.memory_space<vmem>> -> memref<16x128xf32, #tpu.memory_space<vmem>>
      %dma_start3A_177 = arith.constant 0 : i32
      %dma_start3A_178 = arith.constant 0 : i32
      %dma_start3A_179 = tpu.memref_slice %arg21[%dma_start3A_177, %dma_start3A_178] : memref<10000x128xf32, #tpu.memory_space<vmem_shared>> -> memref<10000x128xf32, #tpu.memory_space<vmem_shared>>
      tpu.enqueue_indirect_dma source(%dma_start3A_176 : memref<16x128xf32, #tpu.memory_space<vmem>>) target(%dma_start3A_179 : memref<10000x128xf32, #tpu.memory_space<vmem_shared>>) offsets(%arg20 : memref<16xi32, #tpu.memory_space<vmem>>) semaphore(%run_scoped3A : memref<!tpu.dma_semaphore, #tpu.memory_space<semaphore_mem>>) {add = true}
      %dma_wait3A_180 = arith.constant 0 : i32
      %dma_wait3A_181 = arith.constant 0 : i32
      %dma_wait3A_182 = tpu.memref_slice %arg15[%dma_wait3A_180, %dma_wait3A_181] : memref<96x128xf32, #tpu.memory_space<vmem>> -> memref<16x128xf32, #tpu.memory_space<vmem>>
      %dma_wait3A_183 = arith.constant 0 : i32
      %dma_wait3A_184 = arith.constant 0 : i32
      %dma_wait3A_185 = tpu.memref_slice %arg21[%dma_wait3A_183, %dma_wait3A_184] : memref<10000x128xf32, #tpu.memory_space<vmem_shared>> -> memref<10000x128xf32, #tpu.memory_space<vmem_shared>>
      tpu.wait_indirect_dma semaphore(%run_scoped3A : memref<!tpu.dma_semaphore, #tpu.memory_space<semaphore_mem>>) src(%dma_wait3A_182 : memref<16x128xf32, #tpu.memory_space<vmem>>) dst(%dma_wait3A_185 : memref<10000x128xf32, #tpu.memory_space<vmem_shared>>)
      tpu.yield
    }) : () -> ()
    %barrier3A_161 = arith.constant 0 : index
    tpu.barrier barrier_id(%barrier3A_161)
    %mul3A_162 = arith.constant 624 : i32
    %mul3A_163 = arith.muli %arg1, %mul3A_162 : i32
    %mul3A_164 = arith.constant 10000 : i32
    %mul3A_165 = arith.muli %arg0, %mul3A_164 : i32
    %mul3A_166 = arith.constant 624 : i32
    %mul3A_167 = arith.muli %arg1, %mul3A_166 : i32
    %add3A_168 = arith.addi %mul3A_165, %mul3A_167 : i32
    "tpu.region"() ({
      %run_scoped3A = tpu.sem_alloc : memref<!tpu.dma_semaphore, #tpu.memory_space<semaphore_mem>>
      %dma_start3A_174 = arith.constant 0 : i32
      %dma_start3A_175 = tpu.memref_slice %arg6[%add3A_168, %dma_start3A_174] : memref<20000x128xf32, #tpu.memory_space<hbm>> -> memref<624x128xf32, #tpu.memory_space<hbm>>
      %dma_start3A_176 = arith.constant 0 : i32
      %dma_start3A_177 = tpu.memref_slice %arg21[%mul3A_163, %dma_start3A_176] : memref<10000x128xf32, #tpu.memory_space<vmem_shared>> -> memref<624x128xf32, #tpu.memory_space<vmem_shared>>
      tpu.enqueue_dma source(%dma_start3A_177 : memref<624x128xf32, #tpu.memory_space<vmem_shared>>) target(%dma_start3A_175 : memref<624x128xf32, #tpu.memory_space<hbm>>) target_semaphore(%run_scoped3A : memref<!tpu.dma_semaphore, #tpu.memory_space<semaphore_mem>>)
      %dma_wait3A_178 = arith.constant 0 : i32
      %dma_wait3A_179 = tpu.memref_slice %arg6[%add3A_168, %dma_wait3A_178] : memref<20000x128xf32, #tpu.memory_space<hbm>> -> memref<624x128xf32, #tpu.memory_space<hbm>>
      %dma_wait3A_180 = arith.constant 0 : i32
      %dma_wait3A_181 = tpu.memref_slice %arg21[%mul3A_163, %dma_wait3A_180] : memref<10000x128xf32, #tpu.memory_space<vmem_shared>> -> memref<624x128xf32, #tpu.memory_space<vmem_shared>>
      tpu.wait_dma2 semaphore(%run_scoped3A : memref<!tpu.dma_semaphore, #tpu.memory_space<semaphore_mem>>) src(%dma_wait3A_181 : memref<624x128xf32, #tpu.memory_space<vmem_shared>>) dst(%dma_wait3A_179 : memref<624x128xf32, #tpu.memory_space<hbm>>)
      tpu.yield
    }) : () -> ()
    %eq3A_169 = arith.constant 15 : i32
    %eq3A_170 = arith.cmpi eq, %arg1, %eq3A_169 : i32
    %convert_element_type3A_171 = arith.extui %eq3A_170 : i1 to i32
    %cond3A_172 = arith.constant 0 : i32
    %cond3A_173 = arith.cmpi ne, %convert_element_type3A_171, %cond3A_172 : i32
    scf.if %cond3A_173 {
      %mul3A_174 = arith.constant 10000 : i32
      %mul3A_175 = arith.muli %arg0, %mul3A_174 : i32
      %add3A_176 = arith.constant 9984 : i32
      %add3A_177 = arith.addi %mul3A_175, %add3A_176 : i32
      "tpu.region"() ({
        %run_scoped3A = tpu.sem_alloc : memref<!tpu.dma_semaphore, #tpu.memory_space<semaphore_mem>>
        %dma_start3A_178 = arith.constant 0 : i32
        %dma_start3A_179 = tpu.memref_slice %arg6[%add3A_177, %dma_start3A_178] : memref<20000x128xf32, #tpu.memory_space<hbm>> -> memref<16x128xf32, #tpu.memory_space<hbm>>
        %dma_start3A_180 = arith.constant 9984 : i32
        %dma_start3A_181 = arith.constant 0 : i32
        %dma_start3A_182 = tpu.memref_slice %arg21[%dma_start3A_180, %dma_start3A_181] : memref<10000x128xf32, #tpu.memory_space<vmem_shared>> -> memref<16x128xf32, #tpu.memory_space<vmem_shared>>
        tpu.enqueue_dma source(%dma_start3A_182 : memref<16x128xf32, #tpu.memory_space<vmem_shared>>) target(%dma_start3A_179 : memref<16x128xf32, #tpu.memory_space<hbm>>) target_semaphore(%run_scoped3A : memref<!tpu.dma_semaphore, #tpu.memory_space<semaphore_mem>>)
        %dma_wait3A_183 = arith.constant 0 : i32
        %dma_wait3A_184 = tpu.memref_slice %arg6[%add3A_177, %dma_wait3A_183] : memref<20000x128xf32, #tpu.memory_space<hbm>> -> memref<16x128xf32, #tpu.memory_space<hbm>>
        %dma_wait3A_185 = arith.constant 9984 : i32
        %dma_wait3A_186 = arith.constant 0 : i32
        %dma_wait3A_187 = tpu.memref_slice %arg21[%dma_wait3A_185, %dma_wait3A_186] : memref<10000x128xf32, #tpu.memory_space<vmem_shared>> -> memref<16x128xf32, #tpu.memory_space<vmem_shared>>
        tpu.wait_dma2 semaphore(%run_scoped3A : memref<!tpu.dma_semaphore, #tpu.memory_space<semaphore_mem>>) src(%dma_wait3A_187 : memref<16x128xf32, #tpu.memory_space<vmem_shared>>) dst(%dma_wait3A_184 : memref<16x128xf32, #tpu.memory_space<hbm>>)
        tpu.yield
      }) : () -> ()
    } else {
    }
    return
  }
}

module attributes {stable_mosaic.version = 14 : i64} {
  func.func @_mlp_bn_body(%arg0: memref<10000x128xf32, #tpu.memory_space<vmem>>, %arg1: memref<10000x128xf32, #tpu.memory_space<vmem>>, %arg2: memref<20000x128xf32, #tpu.memory_space<vmem>>, %arg3: memref<1x1xf32, #tpu.memory_space<vmem>>, %arg4: memref<256x512xf32, #tpu.memory_space<vmem>>, %arg5: memref<1x512xf32, #tpu.memory_space<vmem>>, %arg6: memref<512x256xf32, #tpu.memory_space<vmem>>, %arg7: memref<1x256xf32, #tpu.memory_space<vmem>>, %arg8: memref<1x256xf32, #tpu.memory_space<vmem>>, %arg9: memref<1x256xf32, #tpu.memory_space<vmem>>, %arg10: memref<10000x128xf32, #tpu.memory_space<vmem>>, %arg11: memref<10000x128xf32, #tpu.memory_space<vmem>>) attributes {dimension_semantics = [], scalar_prefetch = 0 : i64, scratch_operands = 0 : i64, tpu.core_type = #tpu.core_type<tc>} {
    %get3A = arith.constant 0 : index
    %get3A_0 = arith.constant 0 : index
    %get3A_1 = vector.load %arg0[%get3A, %get3A_0] : memref<10000x128xf32, #tpu.memory_space<vmem>>, vector<10000x128xf32>
    %get3A_2 = arith.constant 0 : index
    %get3A_3 = arith.constant 0 : index
    %get3A_4 = vector.load %arg1[%get3A_2, %get3A_3] : memref<10000x128xf32, #tpu.memory_space<vmem>>, vector<10000x128xf32>
    %concatenate3A = tpu.concatenate %get3A_1, %get3A_4 in 1 : vector<10000x128xf32>, vector<10000x128xf32> -> vector<10000x256xf32>
    %get3A_5 = arith.constant 0 : index
    %get3A_6 = arith.constant 0 : index
    %get3A_7 = vector.load %arg2[%get3A_5, %get3A_6] : memref<20000x128xf32, #tpu.memory_space<vmem>>, vector<10000x128xf32>
    %get3A_8 = arith.constant 10000 : index
    %get3A_9 = arith.constant 0 : index
    %get3A_10 = vector.load %arg2[%get3A_8, %get3A_9] : memref<20000x128xf32, #tpu.memory_space<vmem>>, vector<10000x128xf32>
    %concatenate3A_11 = tpu.concatenate %get3A_7, %get3A_10 in 1 : vector<10000x128xf32>, vector<10000x128xf32> -> vector<10000x256xf32>
    %get3A_12 = arith.constant 0 : index
    %get3A_13 = arith.constant 0 : index
    %get3A_14 = vector.load %arg3[%get3A_12, %get3A_13] : memref<1x1xf32, #tpu.memory_space<vmem>>, vector<1x1xf32>
    %get3A_15 = vector.extract %get3A_14[0, 0] : f32 from vector<1x1xf32>
    %add3A = arith.constant 1.000000e+00 : f32
    %add3A_16 = arith.addf %add3A, %get3A_15 : f32
    %mul3A = vector.broadcast %add3A_16 : f32 to vector<10000x256xf32>
    %mul3A_17 = arith.mulf %mul3A, %concatenate3A : vector<10000x256xf32>
    %add3A_18 = arith.addf %mul3A_17, %concatenate3A_11 : vector<10000x256xf32>
    %get3A_19 = arith.constant 0 : index
    %get3A_20 = arith.constant 0 : index
    %get3A_21 = vector.load %arg4[%get3A_19, %get3A_20] : memref<256x512xf32, #tpu.memory_space<vmem>>, vector<256x512xf32>
    %dot_general3A = arith.constant dense<0.000000e+00> : vector<10000x512xf32>
    %dot_general3A_22 = tpu.matmul %add3A_18, %get3A_21, %dot_general3A {dimension_numbers = #tpu.dot_dimension_numbers<[1], [0], [0], [1], [0, 0, 1, 1], [], []>, transpose_lhs_hint = false} : vector<10000x256xf32>, vector<256x512xf32>, vector<10000x512xf32> -> vector<10000x512xf32>
    %get3A_23 = arith.constant 0 : index
    %get3A_24 = arith.constant 0 : index
    %get3A_25 = vector.load %arg5[%get3A_23, %get3A_24] : memref<1x512xf32, #tpu.memory_space<vmem>>, vector<1x512xf32>
    %add3A_26 = vector.broadcast %get3A_25 : vector<1x512xf32> to vector<10000x512xf32>
    %add3A_27 = arith.addf %dot_general3A_22, %add3A_26 : vector<10000x512xf32>
    %max3A = arith.constant 0.000000e+00 : f32
    %max3A_28 = vector.broadcast %max3A : f32 to vector<10000x512xf32>
    %max3A_29 = arith.maximumf %add3A_27, %max3A_28 : vector<10000x512xf32>
    %get3A_30 = arith.constant 0 : index
    %get3A_31 = arith.constant 0 : index
    %get3A_32 = vector.load %arg6[%get3A_30, %get3A_31] : memref<512x256xf32, #tpu.memory_space<vmem>>, vector<512x256xf32>
    %dot_general3A_33 = arith.constant dense<0.000000e+00> : vector<10000x256xf32>
    %dot_general3A_34 = tpu.matmul %max3A_29, %get3A_32, %dot_general3A_33 {dimension_numbers = #tpu.dot_dimension_numbers<[1], [0], [0], [1], [0, 0, 1, 1], [], []>, transpose_lhs_hint = false} : vector<10000x512xf32>, vector<512x256xf32>, vector<10000x256xf32> -> vector<10000x256xf32>
    %get3A_35 = arith.constant 0 : index
    %get3A_36 = arith.constant 0 : index
    %get3A_37 = vector.load %arg7[%get3A_35, %get3A_36] : memref<1x256xf32, #tpu.memory_space<vmem>>, vector<1x256xf32>
    %add3A_38 = vector.broadcast %get3A_37 : vector<1x256xf32> to vector<10000x256xf32>
    %add3A_39 = arith.addf %dot_general3A_34, %add3A_38 : vector<10000x256xf32>
    %reduce_sum3A = arith.constant dense<0.000000e+00> : vector<256xf32>
    %reduce_sum3A_40 = vector.multi_reduction <add>, %add3A_39, %reduce_sum3A [0] : vector<10000x256xf32> to vector<256xf32>
    %broadcast_in_dim3A = vector.shape_cast %reduce_sum3A_40 : vector<256xf32> to vector<1x256xf32>
    %div3A = arith.constant 1.000000e+04 : f32
    %div3A_41 = vector.broadcast %div3A : f32 to vector<1x256xf32>
    %div3A_42 = arith.divf %broadcast_in_dim3A, %div3A_41 : vector<1x256xf32>
    %sub3A = vector.broadcast %div3A_42 : vector<1x256xf32> to vector<10000x256xf32>
    %sub3A_43 = arith.subf %add3A_39, %sub3A : vector<10000x256xf32>
    %square3A = arith.mulf %sub3A_43, %sub3A_43 : vector<10000x256xf32>
    %reduce_sum3A_44 = arith.constant dense<0.000000e+00> : vector<256xf32>
    %reduce_sum3A_45 = vector.multi_reduction <add>, %square3A, %reduce_sum3A_44 [0] : vector<10000x256xf32> to vector<256xf32>
    %broadcast_in_dim3A_46 = vector.shape_cast %reduce_sum3A_45 : vector<256xf32> to vector<1x256xf32>
    %div3A_47 = arith.constant 1.000000e+04 : f32
    %div3A_48 = vector.broadcast %div3A_47 : f32 to vector<1x256xf32>
    %div3A_49 = arith.divf %broadcast_in_dim3A_46, %div3A_48 : vector<1x256xf32>
    %get3A_50 = arith.constant 0 : index
    %get3A_51 = arith.constant 0 : index
    %get3A_52 = vector.load %arg8[%get3A_50, %get3A_51] : memref<1x256xf32, #tpu.memory_space<vmem>>, vector<1x256xf32>
    %sub3A_53 = vector.broadcast %div3A_42 : vector<1x256xf32> to vector<10000x256xf32>
    %sub3A_54 = arith.subf %add3A_39, %sub3A_53 : vector<10000x256xf32>
    %mul3A_55 = vector.broadcast %get3A_52 : vector<1x256xf32> to vector<10000x256xf32>
    %mul3A_56 = arith.mulf %mul3A_55, %sub3A_54 : vector<10000x256xf32>
    %add3A_57 = arith.constant 9.99999974E-6 : f32
    %add3A_58 = vector.broadcast %add3A_57 : f32 to vector<1x256xf32>
    %add3A_59 = arith.addf %div3A_49, %add3A_58 : vector<1x256xf32>
    %rsqrt3A = math.rsqrt %add3A_59 : vector<1x256xf32>
    %mul3A_60 = vector.broadcast %rsqrt3A : vector<1x256xf32> to vector<10000x256xf32>
    %mul3A_61 = arith.mulf %mul3A_56, %mul3A_60 : vector<10000x256xf32>
    %get3A_62 = arith.constant 0 : index
    %get3A_63 = arith.constant 0 : index
    %get3A_64 = vector.load %arg9[%get3A_62, %get3A_63] : memref<1x256xf32, #tpu.memory_space<vmem>>, vector<1x256xf32>
    %add3A_65 = vector.broadcast %get3A_64 : vector<1x256xf32> to vector<10000x256xf32>
    %add3A_66 = arith.addf %mul3A_61, %add3A_65 : vector<10000x256xf32>
    %max3A_67 = arith.constant 0.000000e+00 : f32
    %max3A_68 = vector.broadcast %max3A_67 : f32 to vector<10000x256xf32>
    %max3A_69 = arith.maximumf %add3A_66, %max3A_68 : vector<10000x256xf32>
    %slice3A = vector.extract_strided_slice %max3A_69 {offsets = [0, 0], sizes = [10000, 128], strides = [1, 1]} : vector<10000x256xf32> to vector<10000x128xf32>
    %swap3A = arith.constant 0 : index
    %swap3A_70 = arith.constant 0 : index
    %swap3A_71 = vector.load %arg10[%swap3A, %swap3A_70] : memref<10000x128xf32, #tpu.memory_space<vmem>>, vector<10000x128xf32>
    tpu.vector_store %arg10[%swap3A, %swap3A_70], %slice3A {strides = array<i32>} : memref<10000x128xf32, #tpu.memory_space<vmem>>, vector<10000x128xf32>,
    %slice3A_72 = vector.extract_strided_slice %max3A_69 {offsets = [0, 128], sizes = [10000, 128], strides = [1, 1]} : vector<10000x256xf32> to vector<10000x128xf32>
    %swap3A_73 = arith.constant 0 : index
    %swap3A_74 = arith.constant 0 : index
    %swap3A_75 = vector.load %arg11[%swap3A_73, %swap3A_74] : memref<10000x128xf32, #tpu.memory_space<vmem>>, vector<10000x128xf32>
    tpu.vector_store %arg11[%swap3A_73, %swap3A_74], %slice3A_72 {strides = array<i32>} : memref<10000x128xf32, #tpu.memory_space<vmem>>, vector<10000x128xf32>,
    return
  }
}

module attributes {stable_mosaic.version = 14 : i64} {
  func.func @_enc_body(%arg0: memref<10000x256xf32, #tpu.memory_space<vmem>>, %arg1: memref<256x256xf32, #tpu.memory_space<vmem>>, %arg2: memref<1x256xf32, #tpu.memory_space<vmem>>, %arg3: memref<10000x128xf32, #tpu.memory_space<vmem>>, %arg4: memref<10000x128xf32, #tpu.memory_space<vmem>>) attributes {dimension_semantics = [], scalar_prefetch = 0 : i64, scratch_operands = 0 : i64, tpu.core_type = #tpu.core_type<tc>} {
    %get3A = arith.constant 0 : index
    %get3A_0 = arith.constant 0 : index
    %get3A_1 = vector.load %arg0[%get3A, %get3A_0] : memref<10000x256xf32, #tpu.memory_space<vmem>>, vector<10000x256xf32>
    %get3A_2 = arith.constant 0 : index
    %get3A_3 = arith.constant 0 : index
    %get3A_4 = vector.load %arg1[%get3A_2, %get3A_3] : memref<256x256xf32, #tpu.memory_space<vmem>>, vector<256x256xf32>
    %dot_general3A = arith.constant dense<0.000000e+00> : vector<10000x256xf32>
    %dot_general3A_5 = tpu.matmul %get3A_1, %get3A_4, %dot_general3A {dimension_numbers = #tpu.dot_dimension_numbers<[1], [0], [0], [1], [0, 0, 1, 1], [], []>, transpose_lhs_hint = false} : vector<10000x256xf32>, vector<256x256xf32>, vector<10000x256xf32> -> vector<10000x256xf32>
    %get3A_6 = arith.constant 0 : index
    %get3A_7 = arith.constant 0 : index
    %get3A_8 = vector.load %arg2[%get3A_6, %get3A_7] : memref<1x256xf32, #tpu.memory_space<vmem>>, vector<1x256xf32>
    %add3A = vector.broadcast %get3A_8 : vector<1x256xf32> to vector<10000x256xf32>
    %add3A_9 = arith.addf %dot_general3A_5, %add3A : vector<10000x256xf32>
    %slice3A = vector.extract_strided_slice %add3A_9 {offsets = [0, 0], sizes = [10000, 128], strides = [1, 1]} : vector<10000x256xf32> to vector<10000x128xf32>
    %swap3A = arith.constant 0 : index
    %swap3A_10 = arith.constant 0 : index
    %swap3A_11 = vector.load %arg3[%swap3A, %swap3A_10] : memref<10000x128xf32, #tpu.memory_space<vmem>>, vector<10000x128xf32>
    tpu.vector_store %arg3[%swap3A, %swap3A_10], %slice3A {strides = array<i32>} : memref<10000x128xf32, #tpu.memory_space<vmem>>, vector<10000x128xf32>,
    %slice3A_12 = vector.extract_strided_slice %add3A_9 {offsets = [0, 128], sizes = [10000, 128], strides = [1, 1]} : vector<10000x256xf32> to vector<10000x128xf32>
    %swap3A_13 = arith.constant 0 : index
    %swap3A_14 = arith.constant 0 : index
    %swap3A_15 = vector.load %arg4[%swap3A_13, %swap3A_14] : memref<10000x128xf32, #tpu.memory_space<vmem>>, vector<10000x128xf32>
    tpu.vector_store %arg4[%swap3A_13, %swap3A_14], %slice3A_12 {strides = array<i32>} : memref<10000x128xf32, #tpu.memory_space<vmem>>, vector<10000x128xf32>,
    return
  }
}

module attributes {stable_mosaic.version = 14 : i64} {
  func.func @_mlp_bn_pool_body(%arg0: memref<10000x128xf32, #tpu.memory_space<vmem>>, %arg1: memref<10000x128xf32, #tpu.memory_space<vmem>>, %arg2: memref<20000x128xf32, #tpu.memory_space<vmem>>, %arg3: memref<1x1xf32, #tpu.memory_space<vmem>>, %arg4: memref<256x512xf32, #tpu.memory_space<vmem>>, %arg5: memref<1x512xf32, #tpu.memory_space<vmem>>, %arg6: memref<512x256xf32, #tpu.memory_space<vmem>>, %arg7: memref<1x256xf32, #tpu.memory_space<vmem>>, %arg8: memref<1x256xf32, #tpu.memory_space<vmem>>, %arg9: memref<1x256xf32, #tpu.memory_space<vmem>>, %arg10: memref<1x10000xi32, #tpu.memory_space<vmem>>, %arg11: memref<128x256xf32, #tpu.memory_space<vmem>>, %arg12: memref<128x256xf32, #tpu.memory_space<vmem>>) attributes {dimension_semantics = [], scalar_prefetch = 0 : i64, scratch_operands = 0 : i64, tpu.core_type = #tpu.core_type<tc>} {
    %get3A = arith.constant 0 : index
    %get3A_0 = arith.constant 0 : index
    %get3A_1 = vector.load %arg0[%get3A, %get3A_0] : memref<10000x128xf32, #tpu.memory_space<vmem>>, vector<10000x128xf32>
    %get3A_2 = arith.constant 0 : index
    %get3A_3 = arith.constant 0 : index
    %get3A_4 = vector.load %arg1[%get3A_2, %get3A_3] : memref<10000x128xf32, #tpu.memory_space<vmem>>, vector<10000x128xf32>
    %concatenate3A = tpu.concatenate %get3A_1, %get3A_4 in 1 : vector<10000x128xf32>, vector<10000x128xf32> -> vector<10000x256xf32>
    %get3A_5 = arith.constant 0 : index
    %get3A_6 = arith.constant 0 : index
    %get3A_7 = vector.load %arg2[%get3A_5, %get3A_6] : memref<20000x128xf32, #tpu.memory_space<vmem>>, vector<10000x128xf32>
    %get3A_8 = arith.constant 10000 : index
    %get3A_9 = arith.constant 0 : index
    %get3A_10 = vector.load %arg2[%get3A_8, %get3A_9] : memref<20000x128xf32, #tpu.memory_space<vmem>>, vector<10000x128xf32>
    %concatenate3A_11 = tpu.concatenate %get3A_7, %get3A_10 in 1 : vector<10000x128xf32>, vector<10000x128xf32> -> vector<10000x256xf32>
    %get3A_12 = arith.constant 0 : index
    %get3A_13 = arith.constant 0 : index
    %get3A_14 = vector.load %arg3[%get3A_12, %get3A_13] : memref<1x1xf32, #tpu.memory_space<vmem>>, vector<1x1xf32>
    %get3A_15 = vector.extract %get3A_14[0, 0] : f32 from vector<1x1xf32>
    %add3A = arith.constant 1.000000e+00 : f32
    %add3A_16 = arith.addf %add3A, %get3A_15 : f32
    %mul3A = vector.broadcast %add3A_16 : f32 to vector<10000x256xf32>
    %mul3A_17 = arith.mulf %mul3A, %concatenate3A : vector<10000x256xf32>
    %add3A_18 = arith.addf %mul3A_17, %concatenate3A_11 : vector<10000x256xf32>
    %get3A_19 = arith.constant 0 : index
    %get3A_20 = arith.constant 0 : index
    %get3A_21 = vector.load %arg4[%get3A_19, %get3A_20] : memref<256x512xf32, #tpu.memory_space<vmem>>, vector<256x512xf32>
    %dot_general3A = arith.constant dense<0.000000e+00> : vector<10000x512xf32>
    %dot_general3A_22 = tpu.matmul %add3A_18, %get3A_21, %dot_general3A {dimension_numbers = #tpu.dot_dimension_numbers<[1], [0], [0], [1], [0, 0, 1, 1], [], []>, transpose_lhs_hint = false} : vector<10000x256xf32>, vector<256x512xf32>, vector<10000x512xf32> -> vector<10000x512xf32>
    %get3A_23 = arith.constant 0 : index
    %get3A_24 = arith.constant 0 : index
    %get3A_25 = vector.load %arg5[%get3A_23, %get3A_24] : memref<1x512xf32, #tpu.memory_space<vmem>>, vector<1x512xf32>
    %add3A_26 = vector.broadcast %get3A_25 : vector<1x512xf32> to vector<10000x512xf32>
    %add3A_27 = arith.addf %dot_general3A_22, %add3A_26 : vector<10000x512xf32>
    %max3A = arith.constant 0.000000e+00 : f32
    %max3A_28 = vector.broadcast %max3A : f32 to vector<10000x512xf32>
    %max3A_29 = arith.maximumf %add3A_27, %max3A_28 : vector<10000x512xf32>
    %get3A_30 = arith.constant 0 : index
    %get3A_31 = arith.constant 0 : index
    %get3A_32 = vector.load %arg6[%get3A_30, %get3A_31] : memref<512x256xf32, #tpu.memory_space<vmem>>, vector<512x256xf32>
    %dot_general3A_33 = arith.constant dense<0.000000e+00> : vector<10000x256xf32>
    %dot_general3A_34 = tpu.matmul %max3A_29, %get3A_32, %dot_general3A_33 {dimension_numbers = #tpu.dot_dimension_numbers<[1], [0], [0], [1], [0, 0, 1, 1], [], []>, transpose_lhs_hint = false} : vector<10000x512xf32>, vector<512x256xf32>, vector<10000x256xf32> -> vector<10000x256xf32>
    %get3A_35 = arith.constant 0 : index
    %get3A_36 = arith.constant 0 : index
    %get3A_37 = vector.load %arg7[%get3A_35, %get3A_36] : memref<1x256xf32, #tpu.memory_space<vmem>>, vector<1x256xf32>
    %add3A_38 = vector.broadcast %get3A_37 : vector<1x256xf32> to vector<10000x256xf32>
    %add3A_39 = arith.addf %dot_general3A_34, %add3A_38 : vector<10000x256xf32>
    %reduce_sum3A = arith.constant dense<0.000000e+00> : vector<256xf32>
    %reduce_sum3A_40 = vector.multi_reduction <add>, %add3A_39, %reduce_sum3A [0] : vector<10000x256xf32> to vector<256xf32>
    %broadcast_in_dim3A = vector.shape_cast %reduce_sum3A_40 : vector<256xf32> to vector<1x256xf32>
    %div3A = arith.constant 1.000000e+04 : f32
    %div3A_41 = vector.broadcast %div3A : f32 to vector<1x256xf32>
    %div3A_42 = arith.divf %broadcast_in_dim3A, %div3A_41 : vector<1x256xf32>
    %sub3A = vector.broadcast %div3A_42 : vector<1x256xf32> to vector<10000x256xf32>
    %sub3A_43 = arith.subf %add3A_39, %sub3A : vector<10000x256xf32>
    %square3A = arith.mulf %sub3A_43, %sub3A_43 : vector<10000x256xf32>
    %reduce_sum3A_44 = arith.constant dense<0.000000e+00> : vector<256xf32>
    %reduce_sum3A_45 = vector.multi_reduction <add>, %square3A, %reduce_sum3A_44 [0] : vector<10000x256xf32> to vector<256xf32>
    %broadcast_in_dim3A_46 = vector.shape_cast %reduce_sum3A_45 : vector<256xf32> to vector<1x256xf32>
    %div3A_47 = arith.constant 1.000000e+04 : f32
    %div3A_48 = vector.broadcast %div3A_47 : f32 to vector<1x256xf32>
    %div3A_49 = arith.divf %broadcast_in_dim3A_46, %div3A_48 : vector<1x256xf32>
    %get3A_50 = arith.constant 0 : index
    %get3A_51 = arith.constant 0 : index
    %get3A_52 = vector.load %arg8[%get3A_50, %get3A_51] : memref<1x256xf32, #tpu.memory_space<vmem>>, vector<1x256xf32>
    %sub3A_53 = vector.broadcast %div3A_42 : vector<1x256xf32> to vector<10000x256xf32>
    %sub3A_54 = arith.subf %add3A_39, %sub3A_53 : vector<10000x256xf32>
    %mul3A_55 = vector.broadcast %get3A_52 : vector<1x256xf32> to vector<10000x256xf32>
    %mul3A_56 = arith.mulf %mul3A_55, %sub3A_54 : vector<10000x256xf32>
    %add3A_57 = arith.constant 9.99999974E-6 : f32
    %add3A_58 = vector.broadcast %add3A_57 : f32 to vector<1x256xf32>
    %add3A_59 = arith.addf %div3A_49, %add3A_58 : vector<1x256xf32>
    %rsqrt3A = math.rsqrt %add3A_59 : vector<1x256xf32>
    %mul3A_60 = vector.broadcast %rsqrt3A : vector<1x256xf32> to vector<10000x256xf32>
    %mul3A_61 = arith.mulf %mul3A_56, %mul3A_60 : vector<10000x256xf32>
    %get3A_62 = arith.constant 0 : index
    %get3A_63 = arith.constant 0 : index
    %get3A_64 = vector.load %arg9[%get3A_62, %get3A_63] : memref<1x256xf32, #tpu.memory_space<vmem>>, vector<1x256xf32>
    %add3A_65 = vector.broadcast %get3A_64 : vector<1x256xf32> to vector<10000x256xf32>
    %add3A_66 = arith.addf %mul3A_61, %add3A_65 : vector<10000x256xf32>
    %iota3A = tpu.iota {dimensions = array<i32: 0>} : vector<128x10000xi32>
    %get3A_67 = arith.constant 0 : index
    %get3A_68 = arith.constant 0 : index
    %get3A_69 = vector.load %arg10[%get3A_67, %get3A_68] : memref<1x10000xi32, #tpu.memory_space<vmem>>, vector<1x10000xi32>
    %eq3A = vector.broadcast %get3A_69 : vector<1x10000xi32> to vector<128x10000xi32>
    %eq3A_70 = arith.cmpi eq, %eq3A, %iota3A : vector<128x10000xi32>
    %convert_element_type3A = arith.extui %eq3A_70 : vector<128x10000xi1> to vector<128x10000xi32>
    %convert_element_type3A_71 = arith.sitofp %convert_element_type3A : vector<128x10000xi32> to vector<128x10000xf32>
    %dot_general3A_72 = arith.constant dense<0.000000e+00> : vector<128x256xf32>
    %dot_general3A_73 = tpu.matmul %convert_element_type3A_71, %add3A_66, %dot_general3A_72 {dimension_numbers = #tpu.dot_dimension_numbers<[1], [0], [0], [1], [0, 0, 1, 1], [], []>, transpose_lhs_hint = false} : vector<128x10000xf32>, vector<10000x256xf32>, vector<128x256xf32> -> vector<128x256xf32>
    %swap3A = arith.constant 0 : index
    %swap3A_74 = arith.constant 0 : index
    %swap3A_75 = vector.load %arg11[%swap3A, %swap3A_74] : memref<128x256xf32, #tpu.memory_space<vmem>>, vector<128x256xf32>
    tpu.vector_store %arg11[%swap3A, %swap3A_74], %dot_general3A_73 {strides = array<i32>} : memref<128x256xf32, #tpu.memory_space<vmem>>, vector<128x256xf32>,
    %dot_general3A_76 = arith.constant dense<0.000000e+00> : vector<128x256xf32>
    %dot_general3A_77 = tpu.matmul %convert_element_type3A_71, %concatenate3A, %dot_general3A_76 {dimension_numbers = #tpu.dot_dimension_numbers<[1], [0], [0], [1], [0, 0, 1, 1], [], []>, transpose_lhs_hint = false} : vector<128x10000xf32>, vector<10000x256xf32>, vector<128x256xf32> -> vector<128x256xf32>
    %swap3A_78 = arith.constant 0 : index
    %swap3A_79 = arith.constant 0 : index
    %swap3A_80 = vector.load %arg12[%swap3A_78, %swap3A_79] : memref<128x256xf32, #tpu.memory_space<vmem>>, vector<128x256xf32>
    tpu.vector_store %arg12[%swap3A_78, %swap3A_79], %dot_general3A_77 {strides = array<i32>} : memref<128x256xf32, #tpu.memory_space<vmem>>, vector<128x256xf32>,
    return
  }
}

</mosaic_0001>

<sc_bundles>
// kernel: kernel.10.cloned.1.call-start
scs
__scs_entry_jumppad:
0x0: {  	(pc) =	sbr.rel $0x88, $3  }
0x1: {  	(tag) =	ssettag $0x0;
	lr =	simm.s32 $0x1  }
0x2: {  	[smem:$0x3F8E] =	sst lr;
	_ =	strace $0xD0000000  }
0x3: {  	_ = 	snop  }
0x4: {  	_ = 	snop  }
0x5: {  	_ = 	snop  }
0x6: {  	_ = 	snop  }
0x7: {  	_ = 	snop  }
__scs_overlays_trampoline_lowered:
0x8: {  	[smem:$0x3F9D] =	sst s0  }
0x9: {  	[smem:$0x3F9E] =	sst s1  }
0xa: {  	[smem:$0x3F9F] =	sst s2  }
0xb: {  	[smem:$0x3FA0] =	sst s3  }
0xc: {  	[smem:$0x3FA1] =	sst s4  }
0xd: {  	[smem:$0x3FA2] =	sst s5  }
0xe: {  	[smem:$0x3FA3] =	sst s6  }
0xf: {  	[smem:$0x3FA4] =	sst s7  }
0x10: {  	[smem:$0x3FA5] =	sst s8  }
0x11: {  	[smem:$0x3FA6] =	sst s9;
	s0 =	simm.s32 @!p0 $0x0  }
0x12: {  	s1 =	sld [smem:$0x3F8C];
	s0 =	simm.s32 @p0 $0x1  }
0x13: {  	[smem:$0x3FA7] =	sst s0;
	s0 =	simm.s32 @!p1 $0x0  }
0x14: {  	s2 =	sld [smem:$0x3F8B];
	s0 =	simm.s32 @p1 $0x1  }
0x15: {  	[smem:$0x3FA8] =	sst s0;
	s0 =	simm.s32 @!p2 $0x0  }
0x16: {  	s3 =	sld [smem:$0x3FDB];
	s0 =	simm.s32 @p2 $0x1  }
0x17: {  	s4 =	simm.s32 $0x1BF5;
	[smem:$0x3FAA] =	sst s0  }
0x18: {  	s0 =	sld [smem:$0x3F8D];
	_ =	swait.ge [sflag:s4], $0x0  }
0x19: {  	s7 =	sld [smem:$0x3F8E]  }
0x1a: {  	s8 =	sadd.s32 $0xFFFFE003, lr  }
0x1b: {  	s9 =	sadd.s32 $0xFFFFFEF7, lr;
	s5 =	simm.s32 $0xFFFFFFFF;
	p2 =	slt.u32 s8, $0xFFFFF086  }
0x1c: {  	p1 =	slt.u32 s9, $0xF7A;
	s5 =	simm.s32 @!p2 $0x0  }
0x1d: {  	s5 =	simm.s32 @p1 $0x1;
	p0 =	seq.s32 s7, s2  }
0x1e: {  	s7 =	smul.u32 @!p0 $0xF7A, s2;
	p2 =	seq.s32 @!p0 s5, $0x0  }
0x1f: {  	s9 =	smul.u32 $0xF7A, s1;
	s8 =	simm.s32 @!p0 $0x1BF5;
	p2 =	por !p2, p0  }
0x20: {  	[sflag:s8] =	ssyncset.s32 @!p0 $0xFFFFF086;
	s6 =	sadd.s32 @!p0 s3, s7;
	s7 =	simm.s32 @!p0 $0x108  }
0x21: {  	s3 =	sadd.s32 s3, s9;
	s6 =	sadd.s32 @!p0 $0x88, s6;
	s7 =	simm.s32 @p2 $0x1082  }
0x22: {  	[simem:s7], [sflag:s8] =	dma.local @!p0 [hbm:s6], $0xF7A  }
0x23: {  	s9 =	sor.u32 $0xD0000000, s2;
	s6 =	simm.s32 $0x108;
	_ =	swait.ge @!p0 [sflag:s8], $0x0  }
0x24: {  	s3 =	sadd.s32 $0x88, s3;
	s6 =	simm.s32 @!p1 $0x1082;
	[sflag:s4] =	ssyncset.s32 $0xFFFFF086  }
0x25: {  	[simem:s6], [sflag:s4] =	dma.local [hbm:s3], $0xF7A  }
0x26: {  	[smem:$0x3F8E] =	sst s1;
	(tag) =	ssettag s2;
	_ =	strace s9  }
0x27: {  	s1 =	sld [smem:$0x3F9E]  }
0x28: {  	s2 =	sld [smem:$0x3F9F]  }
0x29: {  	s4 =	sld [smem:$0x3FA1]  }
0x2a: {  	p0 =	seq.s32 s5, $0x0;
	s5 =	sld [smem:$0x3FA2]  }
0x2b: {  	s6 =	sld [smem:$0x3FA3]  }
0x2c: {  	s7 =	sld [smem:$0x3FA4]  }
0x2d: {  	s3 =	simm.s32 $0x108;
	s8 =	sld [smem:$0x3FA5]  }
0x2e: {  	s3 =	simm.s32 @!p0 $0x1082;
	s9 =	sld [smem:$0x3FA6]  }
0x2f: {  	lr =	sadd.s32 s0, s3;
	s0 =	sld [smem:$0x3F9D]  }
0x30: {  	s3 =	sld [smem:$0x3FA0]  }
0x31: {  	[smem:$0x3FA9] =	sst s10  }
0x32: {  	s10 =	sld [smem:$0x3FA7];
	_ =	sdelay $0x3  }
0x33: {  	p0 =	seq.s32 s10, $0x1;
	s10 =	sld [smem:$0x3FA9];
	_ =	sdelay $0x3  }
0x34: {  	[smem:$0x3FA9] =	sst s10  }
0x35: {  	s10 =	sld [smem:$0x3FA8];
	_ =	sdelay $0x3  }
0x36: {  	p1 =	seq.s32 s10, $0x1;
	s10 =	sld [smem:$0x3FA9];
	_ =	sdelay $0x3  }
0x37: {  	[smem:$0x3FA9] =	sst s10  }
0x38: {  	s10 =	sld [smem:$0x3FAA]  }
0x39: {  	_ = 	snop;
	(pc) =	sbr.ind lr, $3  }
0x3a: {  	_ = 	snop  }
0x3b: {  	_ = 	snop  }
0x3c: {  	p2 =	seq.s32 s10, $0x1;
	s10 =	sld [smem:$0x3FA9]  }
0x3d: {  	_ =	shalt  }
0x3e: {  	_ =	shalt  }
0x3f: {  	_ =	shalt  }
0x40: {  	_ =	shalt  }
0x41: {  	_ =	shalt  }
0x42: {  	_ =	shalt  }
0x43: {  	_ =	shalt  }
0x44: {  	_ =	shalt  }
0x45: {  	_ =	shalt  }
0x46: {  	_ =	shalt  }
0x47: {  	_ =	shalt  }
0x48: {  	_ =	shalt  }
0x49: {  	_ =	shalt  }
0x4a: {  	_ =	shalt  }
0x4b: {  	_ =	shalt  }
0x4c: {  	_ =	shalt  }
0x4d: {  	_ =	shalt  }
0x4e: {  	_ =	shalt  }
0x4f: {  	_ =	shalt  }
0x50: {  	_ =	shalt  }
0x51: {  	_ =	shalt  }
0x52: {  	_ =	shalt  }
0x53: {  	_ =	shalt  }
0x54: {  	_ =	shalt  }
0x55: {  	_ =	shalt  }
0x56: {  	_ =	shalt  }
0x57: {  	_ =	shalt  }
0x58: {  	_ =	shalt  }
0x59: {  	_ =	shalt  }
0x5a: {  	_ =	shalt  }
0x5b: {  	_ =	shalt  }
0x5c: {  	_ =	shalt  }
0x5d: {  	_ =	shalt  }
0x5e: {  	_ =	shalt  }
0x5f: {  	_ =	shalt  }
0x60: {  	_ =	shalt  }
0x61: {  	_ =	shalt  }
0x62: {  	_ =	shalt  }
0x63: {  	_ =	shalt  }
0x64: {  	_ =	shalt  }
0x65: {  	_ =	shalt  }
0x66: {  	_ =	shalt  }
0x67: {  	_ =	shalt  }
0x68: {  	_ =	shalt  }
0x69: {  	_ =	shalt  }
0x6a: {  	_ =	shalt  }
0x6b: {  	_ =	shalt  }
0x6c: {  	_ =	shalt  }
0x6d: {  	_ =	shalt  }
0x6e: {  	_ =	shalt  }
0x6f: {  	_ =	shalt  }
0x70: {  	_ =	shalt  }
0x71: {  	_ =	shalt  }
0x72: {  	_ =	shalt  }
0x73: {  	_ =	shalt  }
0x74: {  	_ =	shalt  }
0x75: {  	_ =	shalt  }
0x76: {  	_ =	shalt  }
0x77: {  	_ =	shalt  }
0x78: {  	_ =	shalt  }
0x79: {  	_ =	shalt  }
0x7a: {  	_ =	shalt  }
0x7b: {  	_ =	shalt  }
0x7c: {  	_ =	shalt  }
0x7d: {  	_ =	shalt  }
0x7e: {  	_ =	shalt  }
0x7f: {  	_ =	shalt  }
0x80: {  	_ =	shalt  }
0x81: {  	_ =	shalt  }
0x82: {  	_ =	shalt  }
0x83: {  	_ =	shalt  }
0x84: {  	_ =	shalt  }
0x85: {  	_ =	shalt  }
0x86: {  	_ =	shalt  }
0x87: {  	_ =	shalt  }
.Lfunc_end0:
.L_simem_size_0:
called_computation.1_lowered:
.L_overlay_start_0:
0x88: {  	s2 =	sld [smem:$0x3FD9]  }
0x89: {  	s3 =	sld [smem:$0x3FFE];
	_ =	sdelay $0x1  }
0x8a: {  	s1 =	srdreg.scid  }
0x8b: {  	s0 =	sand.u32 $0x1, s1  }
0x8c: {  	s16 =	sshll.u32 s0, $0xA;
	s2 =	sadd.s32 s3, s2  }
0x8d: {  	s2 =	sadd.s32 s2, s16  }
0x8e: {  	[smem:$0x3FB5] =	sst s2  }
0x8f: {  	_ = 	snop  }
0x90: {  	(tm) =	ssettm $0x1  }
0x91: {  	s17 =	sld [smem:$0x3FFB];
	_ =	sdelay $0x3  }
0x92: {  	_ =	strace s17  }
0x93: {  	s2 =	sld [smem:$0x3FFC];
	_ =	sdelay $0x3  }
0x94: {  	_ =	strace s2  }
0x95: {  	s2 =	sld [smem:$0x3FFD];
	_ =	sdelay $0x3  }
0x96: {  	_ =	strace s2  }
0x97: {  	_ =	strace $0x8FFFFFFF  }
0x98: {  	s18 =	sld [smem:$0x3FDB];
	_ =	sdelay $0x1  }
0x99: {  	s19 =	simm.s32 $_scs_section_size  }
0x9a: {  	s4 =	simm.s32 $_size__tile_overlayer_lowered;
	s5 =	simm.s32 $_tile_overlayer_lowered  }
0x9b: {  	s22 =	simm.s32 $0x1BFF;
	s21 =	sshll.u32 s5, $0x1;
	s2 =	sadd.s32 s19, s18  }
0x9c: {  	s6 =	simm.s32 $0x0;
	s20 =	sshll.u32 s4, $0x1;
	s4 =	sadd.s32 s21, s2  }
0x9d: {  	[timem:s6], [sflag:s22] =	dma.local [hbm:s4], s20  }
0x9e: {  	_ =	swait.ge [sflag:s22], s20  }
0x9f: {  	s3 =	ssub.s32 $0x0, s20;
	[sflag:s22] =	ssyncset.done $0x0  }
0xa0: {  	[sflag:s22] =	ssyncadd.s32 s3;
	_ =	sdelay $0x1  }
0xa1: {  	s23 =	simm.s32 $0x1B8B  }
0xa2: {  	_ =	swait.ge [sflag:s23], $0x1  }
0xa3: {  	[sflag:s23] =	ssyncset.done $0x0  }
0xa4: {  	s25 =	simm.s32 $0x1B8E;
	s24 =	sld [smem:$0x3FFE];
	[sflag:s23] =	ssyncadd.s32 $0xFFFFFFFF  }
0xa5: {  	s26 =	simm.s32 $execute0_lowered;
	[smem:$0x3FD2] =	sst s25  }
0xa6: {  	s4 =	sshll.u32 s26, $0x1;
	_ =	strace $0x80000049;
	[dreg:$0x1] =	wrdreg $0xFFFFFFFF  }
0xa7: {  	s28 =	simm.s32 $_size_execute0_lowered;
	s2 =	sadd.s32 s2, s4;
	[dreg:$0x0] =	wrdreg $0x0  }
0xa8: {  	s4 =	sshll.u32 s28, $0x1;
	[dreg:$0x2] =	wrdreg s2  }
0xa9: {  	[dreg:$0x3] =	wrdreg s4  }
0xaa: {  	[dreg:$0x4] =	wrdreg $0xC0  }
0xab: {  	_ =	task [dreg:s6], $0x5FFFF  }
0xac: {  	[dreg:$0x1] =	wrdreg $0xFFFFFFFF  }
0xad: {  	[dreg:$0x0] =	wrdreg $0x60  }
0xae: {  	[dreg:$0x2] =	wrdreg s24  }
0xaf: {  	[dreg:$0x3] =	wrdreg $0xC5000  }
0xb0: {  	[dreg:$0x4] =	wrdreg $0x9  }
0xb1: {  	_ =	task.clear_ibuf [dreg:s6], $0x5FFFF;
	_ =	strace $0x90000049  }
0xb2: {  	s29 =	simm.s32 $0x9;
	_ =	strace $0x8000004B  }
0xb3: {  	_ =	swait.ge [sflag:s29], $0x1  }
0xb4: {  	[sflag:s29] =	ssyncadd.s32 $0xFFFFFFFF  }
0xb5: {  	_ =	strace $0x9000004B  }
0xb6: {  	_ =	sfence  }
0xb7: {  	s30 =	sld [smem:$0x0];
	_ =	sdelay $0x2  }
0xb8: {  	s31 =	sshll.u32 s1, $0xD;
	s1 =	sshrl.u32 s1, $0x2  }
0xb9: {  	s3 =	sand.u32 $0x4000, s31;
	s1 =	sadd.s32 s1, s30  }
0xba: {  	s0 =	sor.u32 s3, s0;
	s1 =	sshll.u32 s1, $0x11  }
0xbb: {  	s0 =	sor.u32 s1, s0  }
0xbc: {  	s0 =	sadd.s32 $0x8F2B, s0  }
0xbd: {  	[sflag:s0] =	ssyncadd.remote.s32 $0x1  }
0xbe: {  	_ =	sfence.sel $0xFFFF  }
0xbf: {  	[dreg:$0x0] =	wrdreg $0xFFFFFFFF;
	(pc) =	sbr.abs _section_cstart, $3  }
0xc0: {  	[dreg:$0x1] =	wrdreg $0xFFFFFFFF  }
0xc1: {  	_ =	task.clear_ibuf [dreg:s6], $0x2FFFF;
	_ =	strace $0x9FFFFFFF  }
0xc2: {  	(tm) =	ssettm $0x7FFFFFFF  }
0xc3: {  	_ =	shalt  }
tec
execute0_lowered:
.L_overlay_start_1:
0x0: {  	(tag) =	ssettag $0x1  }
0x1: {  	s0 =	rddreg [dreg:$0x0]  }
0x2: {  	s1 =	rddreg [dreg:$0x1];
	s2 =	simm.s32 $0x0  }
0x3: {  	s3 =	srdreg.scid;
	s14 =	stileid.u32;
	s28 =	simm.s32 $0x200  }
0x4: {  	s30 =	simm.s32 $0x280;
	[smem:$0x7FF] =	sst s2;
	s4 =	sadd.s32 $0xDC00, s0  }
0x5: {  	s5 =	sadd.s32 $0x34E00, s0;
	s6 =	sand.u32 $0x1, s3;
	s24 =	smul.u32 $0x2710, s14  }
0x6: {  	s7 =	sadd.s32 $0x3E00, s0;
	s8 =	sadd.s32 $0x5C000, s0;
	s11 =	smul.u32 $0x4E000, s14  }
0x7: {  	s9 =	sadd.s32 $0x5E800, s0;
	s0 =	sadd.s32 $0x8C20, s0;
	s17 =	smul.u32 $0x2700, s14  }
0x8: {  	s18 =	sshll.u32 s14, $0x6;
	_ =	strace $0x8000004A;
	[dreg:$0x3] =	wrdreg s8  }
0x9: {  	s25 =	ssub.s32 $0x2, s6;
	s20 =	smul.u32 $0x27100, s6;
	p0 =	seq.s32 s6, $0x0  }
0xa: {  	s21 =	smul.u32 $0x138800, s6;
	p1 =	sne.s32 s6, $0x0;
	s10 =	sshrl.u32 s25, $0x1  }
0xb: {  	s3 =	sshrl.u32 s24, $0x3;
	s16 =	sshrl.u32 s11, $0x2;
	s24 =	smul.u32 $0x4E2, s14  }
0xc: {  	s8 =	ssub.s32 s25, s10;
	s26 =	sadd.s32 s7, s3;
	s29 =	sadd.s32 s3, s0  }
0xd: {  	s31 =	sadd.s32 $0xC, s3;
	s13 =	sadd.s32 $0x18, s3;
	[dreg:$0x4] =	wrdreg s26  }
0xe: {  	s19 =	sadd.s32 $0x24, s3;
	[dreg:$0x5] =	wrdreg s29;
	s12 =	sadd.s32 s7, s31  }
0xf: {  	s3 =	sadd.s32 $0x4E0, s3;
	s10 =	sadd.s32 s31, s0;
	[dreg:$0x6] =	wrdreg s12  }
0x10: {  	s22 =	sadd.s32 s17, s20;
	s15 =	sadd.s32 s7, s13;
	[dreg:$0x7] =	wrdreg s10  }
0x11: {  	s23 =	sshrl.u32 s21, $0x3;
	s25 =	sadd.s32 s7, s3;
	[dreg:$0x8] =	wrdreg s15  }
0x12: {  	s17 =	simm.s32 $0x380;
	s3 =	sadd.s32 s3, s0;
	[dreg:$0xe] =	wrdreg s25  }
0x13: {  	s20 =	simm.s32 $0x9400;
	s29 =	smax.u32 s8, $0x1;
	[dreg:$0xf] =	wrdreg s3  }
0x14: {  	s31 =	sadd.s32 $0x138000, s1;
	s10 =	sadd.s32 s13, s0;
	[dreg:$0x11] =	wrdreg s29  }
0x15: {  	s15 =	sor.u32 $0x1C09, s18;
	s13 =	sadd.s32 s7, s19;
	[dreg:$0x12] =	wrdreg s31  }
0x16: {  	s3 =	simm.s32 $0x9;
	s12 =	simm.s32 $0x3400;
	[dreg:$0x9] =	wrdreg s10  }
0x17: {  	s18 =	simm.s32 $0x1;
	s10 =	sadd.s32 s16, s1;
	[dreg:$0xb] =	wrdreg s13  }
0x18: {  	s25 =	simm.s32 $0x0;
	[dreg:$0xa] =	wrdreg s10;
	s10 =	sadd.s32 s19, s0  }
0x19: {  	s16 =	simm.s32 $0x180;
	s19 =	simm.s32 $0x8;
	[dreg:$0xc] =	wrdreg s10  }
.Ltmp0:
0x1a: {  	s10 =	sadd.s32 s9, s22;
	s9 =	sadd.s32 s9, s23;
	(pc) =	sbr.rel .LBB2_1-.Ltmp0, $4  }
0x1b: {  	s22 =	sadd.s32 s24, s0;
	s23 =	sadd.s32 s24, s7;
	s24 =	smov.u32 s5  }
0x1c: {  	s0 =	simm.s32 $0x300;
	[dreg:$0xd] =	wrdreg s10;
	s26 =	sadd.s32 $0x27000, s9  }
0x1d: {  	s24 =	smov.u32 @p0 s4;
	p0 =	sne.s32 s14, $0xF;
	s9 =	simm.s32 $0x60  }
0x1e: {  	s10 =	simm.s32 $0x400;
	s14 =	simm.s32 $0x6400;
	[dreg:$0x10] =	wrdreg s26  }
.LBB2_4:
0x1f: {  	s7 =	rddreg [dreg:$0xe];
	s8 =	simm.s32 $0xC400  }
0x20: {  	[tilespmem:s8], [sflag:$0x9] =	stream.linear.gather [hbm4b:s7+s2], $0x10, $0x38;
	[tilespmem:$0x1FD80] =	vst v63  }
0x21: {  	_ =	swait.ge [sflag:s3], $0x10  }
0x22: {  	[sflag:s3] =	ssyncset.done $0x0  }
0x23: {  	s13 =	simm.s32 $0xC480;
	s11 =	rddreg [dreg:$0xf];
	[sflag:s3] =	ssyncadd.s32 $0xFFFFFFF0  }
0x24: {  	[tilespmem:s13], [sflag:$0x9] =	stream.linear.gather [hbm4b:s11+s2], $0x10, $0x38;
	[tilespmem:$0x1FD80] =	vst v63  }
0x25: {  	_ =	swait.ge [sflag:s3], $0x10  }
0x26: {  	s7 =	simm.s32 @p1 $0x10;
	[sflag:s3] =	ssyncset.done $0x0  }
0x27: {  	s8 =	simm.s32 @p1 $0xC400;
	s11 =	simm.s32 @p1 $0x400;
	[sflag:s3] =	ssyncadd.s32 $0xFFFFFFF0  }
0x28: {  	[tilespmem:s11], [sflag:$0x2] =	stream.indirect.gather @p1 [hbm4b:s5+s7], $0x80, s8, s7, $0xb8;
	[tilespmem:$0x1FD80] =	vst v63  }
0x29: {  	s7 =	simm.s32 @!p1 $0x10;
	s8 =	simm.s32 @!p1 $0xC400;
	s11 =	simm.s32 @!p1 $0x400  }
0x2a: {  	[tilespmem:s11], [sflag:$0x1] =	stream.indirect.gather @!p1 [hbm4b:s4+s7], $0x80, s8, s7, $0xb8;
	[tilespmem:$0x1FD80] =	vst v63  }
0x2b: {  	s7 =	simm.s32 @!p1 $0x1  }
0x2c: {  	s7 =	simm.s32 @p1 $0x2  }
0x2d: {  	_ =	swait.ge [sflag:s7], $0x800  }
0x2e: {  	[sflag:s7] =	ssyncset.done $0x0  }
0x2f: {  	s21 =	simm.s32 $0x10;
	[sflag:s7] =	ssyncadd.s32 $0xFFFFF800  }
0x30: {  	[spmem:s1] =	stream.indirect.scatter.add.f32 [tilespmem:s10], [sflag:$0x9], $0x80, s13, s21, $0xb8;
	[tilespmem:$0x1FD80] =	vst v63  }
0x31: {  	_ =	swait.ge [sflag:s3], $0x800  }
0x32: {  	[sflag:s3] =	ssyncset.done $0x0  }
0x33: {  	[sflag:s3] =	ssyncadd.s32 $0xFFFFF800  }
0x34: {  	[bflag:$0x0] =	sbarrier.arrive $0xFFFF  }
0x35: {  	s26 =	rddreg [dreg:$0xd]  }
0x36: {  	s29 =	rddreg [dreg:$0x13]  }
0x37: {  	[hbm:s26], [sflag:s15] =	dma.local [spmem:s29], $0x2700  }
0x38: {  	_ =	swait.ge [sflag:s3], $0x2700  }
0x39: {  	[sflag:s3] =	ssyncset.done $0x0;
	s7 =	rddreg [dreg:$0x10]  }
0x3a: {  	s8 =	rddreg [dreg:$0x14];
	[sflag:s3] =	ssyncadd.s32 $0xFFFFD900  }
0x3b: {  	[hbm:s7], [sflag:s15] =	dma.local @!p0 [spmem:s8], $0x100  }
0x3c: {  	s7 =	simm.s32 @!p0 $0x9  }
0x3d: {  	_ =	swait.ge @!p0 [sflag:s7], $0x100  }
0x3e: {  	s25 =	sadd.s32 $0x1, s25;
	s31 =	rddreg [dreg:$0x11]  }
0x3f: {  	p2 =	sne.s32 s25, s31  }
.Ltmp1:
0x40: {  	_ = 	snop;
	(pc) =	sbr.rel @!p2 .LBB2_5-.Ltmp1, $3  }
0x41: {  	_ =	sdelay $0x1  }
0x42: {  	[sflag:s7] =	ssyncset.done @!p0 $0x0  }
0x43: {  	[sflag:s7] =	ssyncadd.s32 @!p0 $0xFFFFFF00  }
.LBB2_1:
0x44: {  	s7 =	rddreg [dreg:$0x4]  }
0x45: {  	s21 =	rddreg [dreg:$0x5]  }
0x46: {  	s26 =	rddreg [dreg:$0x6]  }
0x47: {  	[tilespmem:s2], [sflag:$0x5] =	stream.linear.gather [hbm4b:s7+s2], $0x60, $0x38;
	[tilespmem:$0x1FD80] =	vst v63  }
0x48: {  	s29 =	rddreg [dreg:$0x7]  }
0x49: {  	[tilespmem:s28], [sflag:$0x5] =	stream.linear.gather [hbm4b:s21+s2], $0x60, $0x38;
	[tilespmem:$0x1FD80] =	vst v63  }
0x4a: {  	s11 =	simm.s32 $0x80;
	s8 =	rddreg [dreg:$0x8]  }
0x4b: {  	[tilespmem:s11], [sflag:$0x6] =	stream.linear.gather [hbm4b:s26+s2], $0x60, $0x38;
	[tilespmem:$0x1FD80] =	vst v63  }
0x4c: {  	s7 =	rddreg [dreg:$0x3]  }
0x4d: {  	[tilespmem:s30], [sflag:$0x6] =	stream.linear.gather [hbm4b:s29+s2], $0x60, $0x38;
	[tilespmem:$0x1FD80] =	vst v63  }
0x4e: {  	s13 =	simm.s32 $0x100;
	s26 =	rddreg [dreg:$0xa]  }
0x4f: {  	[tilespmem:s13], [sflag:$0x7] =	stream.linear.gather [hbm4b:s8+s2], $0x60, $0x38;
	[tilespmem:$0x1FD80] =	vst v63  }
0x50: {  	s21 =	rddreg [dreg:$0x9];
	s8 =	sshrl.u32 s26, $0x3  }
0x51: {  	[dreg:$0x13] =	wrdreg s8  }
0x52: {  	[tilespmem:s0], [sflag:$0x7] =	stream.linear.gather [hbm4b:s21+s2], $0x60, $0x38;
	[tilespmem:$0x1FD80] =	vst v63  }
0x53: {  	[spmem:s8], [sflag:s15] =	dma.local [hbm:s7], $0x2700  }
0x54: {  	_ =	swait.ge [sflag:s3], $0x2700  }
0x55: {  	s8 =	rddreg [dreg:$0x12]  }
0x56: {  	[sflag:s3] =	ssyncset.done $0x0;
	s8 =	sshrl.u32 @!p0 s8, $0x3  }
0x57: {  	[sflag:s3] =	ssyncadd.s32 $0xFFFFD900;
	[dreg:$0x14] =	wrdreg s8  }
0x58: {  	[spmem:s8], [sflag:s15] =	dma.local @!p0 [hbm:s7], $0x100  }
0x59: {  	s7 =	simm.s32 @!p0 $0x9  }
0x5a: {  	_ =	swait.ge @!p0 [sflag:s7], $0x100  }
0x5b: {  	[sflag:s7] =	ssyncset.done @!p0 $0x0  }
0x5c: {  	s29 =	simm.s32 $0x5;
	[sflag:s7] =	ssyncadd.s32 @!p0 $0xFFFFFF00  }
0x5d: {  	_ =	swait.ge [sflag:s29], $0x60  }
0x5e: {  	[sflag:s29] =	ssyncset.done $0x0  }
0x5f: {  	[sflag:s29] =	ssyncadd.s32 $0xFFFFFFA0  }
0x60: {  	_ =	swait.ge [sflag:s29], $0x60  }
0x61: {  	[sflag:s29] =	ssyncset.done $0x0  }
0x62: {  	s8 =	simm.s32 $0x6;
	[sflag:s29] =	ssyncadd.s32 $0xFFFFFFA0  }
0x63: {  	[tilespmem:s10], [sflag:$0x1] =	stream.indirect.gather [hbm4b:s24+s9], $0x80, s2, s9, $0xb8;
	[tilespmem:$0x1FD80] =	vst v63  }
0x64: {  	_ =	swait.ge [sflag:s8], $0x60  }
0x65: {  	[sflag:s8] =	ssyncset.done $0x0  }
0x66: {  	[sflag:s8] =	ssyncadd.s32 $0xFFFFFFA0  }
0x67: {  	_ =	swait.ge [sflag:s8], $0x60  }
0x68: {  	[sflag:s8] =	ssyncset.done $0x0  }
0x69: {  	s21 =	simm.s32 $0x7;
	[sflag:s8] =	ssyncadd.s32 $0xFFFFFFA0  }
0x6a: {  	[tilespmem:s12], [sflag:$0x2] =	stream.indirect.gather [hbm4b:s24+s9], $0x80, s11, s9, $0xb8;
	[tilespmem:$0x1FD80] =	vst v63  }
0x6b: {  	_ =	swait.ge [sflag:s21], $0x60  }
0x6c: {  	[sflag:s21] =	ssyncset.done $0x0  }
0x6d: {  	[sflag:s21] =	ssyncadd.s32 $0xFFFFFFA0  }
0x6e: {  	_ =	swait.ge [sflag:s21], $0x60  }
0x6f: {  	[sflag:s21] =	ssyncset.done $0x0  }
0x70: {  	[sflag:s21] =	ssyncadd.s32 $0xFFFFFFA0  }
0x71: {  	[tilespmem:s14], [sflag:$0x3] =	stream.indirect.gather [hbm4b:s24+s9], $0x80, s13, s9, $0xb8;
	[tilespmem:$0x1FD80] =	vst v63  }
0x72: {  	s26 =	rddreg [dreg:$0xb]  }
0x73: {  	[tilespmem:s16], [sflag:$0x8] =	stream.linear.gather [hbm4b:s26+s2], $0x60, $0x38;
	[tilespmem:$0x1FD80] =	vst v63  }
0x74: {  	s29 =	rddreg [dreg:$0xc]  }
0x75: {  	[tilespmem:s17], [sflag:$0x8] =	stream.linear.gather [hbm4b:s29+s2], $0x60, $0x38;
	[tilespmem:$0x1FD80] =	vst v63  }
0x76: {  	s31 =	simm.s32 $0x0;
	[bflag:$0x0] =	sbarrier.arrive $0xFFFF  }
.LBB2_2:
0x77: {  	_ =	swait.ge [sflag:s18], $0x3000  }
0x78: {  	[sflag:s18] =	ssyncset.done $0x0  }
0x79: {  	[sflag:s18] =	ssyncadd.s32 $0xFFFFD000  }
0x7a: {  	_ =	swait.ge [sflag:s19], $0x60  }
0x7b: {  	[sflag:s19] =	ssyncset.done $0x0  }
0x7c: {  	[sflag:s19] =	ssyncadd.s32 $0xFFFFFFA0  }
0x7d: {  	_ =	swait.ge [sflag:s19], $0x60  }
0x7e: {  	[sflag:s19] =	ssyncset.done $0x0  }
0x7f: {  	[sflag:s19] =	ssyncadd.s32 $0xFFFFFFA0  }
0x80: {  	[tilespmem:s20], [sflag:$0x4] =	stream.indirect.gather [hbm4b:s24+s9], $0x80, s16, s9, $0xb8;
	[tilespmem:$0x1FD80] =	vst v63  }
0x81: {  	_ = 	snop  }
0x82: {  	[spmem:s1] =	stream.indirect.scatter.add.f32 [tilespmem:s10], [sflag:$0x9], $0x80, s28, s9, $0xb8;
	[tilespmem:$0x1FD80] =	vst v63  }
0x83: {  	_ =	swait.ge [sflag:s3], $0x3000  }
0x84: {  	p2 =	seq.s32 s31, $0x4B0;
	[sflag:s3] =	ssyncset.done $0x0  }
0x85: {  	s8 =	simm.s32 @p2 $0x2;
	[sflag:s3] =	ssyncadd.s32 $0xFFFFD000  }
0x86: {  	_ =	swait.ge @p2 [sflag:s8], $0x3000  }
0x87: {  	s7 =	sadd.s32 @!p2 s31, s23;
	[sflag:s8] =	ssyncset.done @p2 $0x0  }
0x88: {  	s21 =	simm.s32 @!p2 $0x0;
	[sflag:s8] =	ssyncadd.s32 @p2 $0xFFFFD000;
	s8 =	sadd.s32 @!p2 $0x30, s7  }
0x89: {  	[tilespmem:s21], [sflag:$0x5] =	stream.linear.gather @!p2 [hbm4b:s8+s21], $0x60, $0x38;
	[tilespmem:$0x1FD80] =	vst v63  }
0x8a: {  	s8 =	sadd.s32 @!p2 s31, s22  }
0x8b: {  	s13 =	simm.s32 @!p2 $0x200;
	s11 =	sadd.s32 @!p2 $0x30, s8  }
0x8c: {  	[tilespmem:s13], [sflag:$0x5] =	stream.linear.gather @!p2 [hbm4b:s11+s21], $0x60, $0x38;
	[tilespmem:$0x1FD80] =	vst v63  }
0x8d: {  	s11 =	simm.s32 @!p2 $0x2  }
0x8e: {  	_ =	swait.ge @!p2 [sflag:s11], $0x3000  }
0x8f: {  	[sflag:s11] =	ssyncset.done @!p2 $0x0  }
0x90: {  	[sflag:s11] =	ssyncadd.s32 @!p2 $0xFFFFD000;
	s11 =	simm.s32 @!p2 $0x5  }
0x91: {  	_ =	swait.ge @!p2 [sflag:s11], $0x60  }
0x92: {  	[sflag:s11] =	ssyncset.done @!p2 $0x0  }
0x93: {  	p4 =	sne.s32 @!p2 s6, $0x0;
	[sflag:s11] =	ssyncadd.s32 @!p2 $0xFFFFFFA0  }
0x94: {  	p3 =	por !p4, p2;
	_ =	swait.ge @!p2 [sflag:s11], $0x60  }
0x95: {  	p4 =	por p4, p2;
	s29 =	simm.s32 @!p3 $0x400;
	[sflag:s11] =	ssyncset.done @!p2 $0x0  }
0x96: {  	s13 =	simm.s32 @!p3 $0x0;
	[sflag:s11] =	ssyncadd.s32 @!p2 $0xFFFFFFA0;
	s11 =	simm.s32 @!p3 $0x60  }
0x97: {  	[tilespmem:s29], [sflag:$0x1] =	stream.indirect.gather @!p3 [hbm4b:s5+s11], $0x80, s13, s11, $0xb8;
	[tilespmem:$0x1FD80] =	vst v63  }
0x98: {  	s26 =	simm.s32 @!p4 $0x400;
	s13 =	simm.s32 @!p4 $0x60;
	s29 =	simm.s32 @!p4 $0x0  }
0x99: {  	[tilespmem:s26], [sflag:$0x1] =	stream.indirect.gather @!p4 [hbm4b:s4+s13], $0x80, s29, s13, $0xb8;
	[tilespmem:$0x1FD80] =	vst v63  }
0x9a: {  	_ = 	snop  }
0x9b: {  	[spmem:s1] =	stream.indirect.scatter.add.f32 [tilespmem:s12], [sflag:$0x9], $0x80, s30, s9, $0xb8;
	[tilespmem:$0x1FD80] =	vst v63  }
0x9c: {  	_ =	swait.ge [sflag:s3], $0x3000  }
0x9d: {  	[sflag:s3] =	ssyncset.done $0x0  }
0x9e: {  	s26 =	simm.s32 @p2 $0x3;
	[sflag:s3] =	ssyncadd.s32 $0xFFFFD000  }
0x9f: {  	_ =	swait.ge @p2 [sflag:s26], $0x3000  }
0xa0: {  	[sflag:s26] =	ssyncset.done @p2 $0x0  }
0xa1: {  	s29 =	simm.s32 @!p2 $0x80;
	[sflag:s26] =	ssyncadd.s32 @p2 $0xFFFFD000;
	s26 =	sadd.s32 @!p2 $0x3C, s7  }
0xa2: {  	[tilespmem:s29], [sflag:$0x6] =	stream.linear.gather @!p2 [hbm4b:s26+s21], $0x60, $0x38;
	[tilespmem:$0x1FD80] =	vst v63  }
0xa3: {  	s26 =	sadd.s32 @!p2 $0x3C, s8;
	s29 =	simm.s32 @!p2 $0x280  }
0xa4: {  	[tilespmem:s29], [sflag:$0x6] =	stream.linear.gather @!p2 [hbm4b:s26+s21], $0x60, $0x38;
	[tilespmem:$0x1FD80] =	vst v63  }
0xa5: {  	s26 =	simm.s32 @!p2 $0x3  }
0xa6: {  	_ =	swait.ge @!p2 [sflag:s26], $0x3000  }
0xa7: {  	[sflag:s26] =	ssyncset.done @!p2 $0x0  }
0xa8: {  	[sflag:s26] =	ssyncadd.s32 @!p2 $0xFFFFD000;
	s26 =	simm.s32 @!p2 $0x6  }
0xa9: {  	_ =	swait.ge @!p2 [sflag:s26], $0x60  }
0xaa: {  	[sflag:s26] =	ssyncset.done @!p2 $0x0  }
0xab: {  	[sflag:s26] =	ssyncadd.s32 @!p2 $0xFFFFFFA0  }
0xac: {  	_ =	swait.ge @!p2 [sflag:s26], $0x60  }
0xad: {  	[sflag:s26] =	ssyncset.done @!p2 $0x0  }
0xae: {  	s29 =	simm.s32 @!p3 $0x3400;
	[sflag:s26] =	ssyncadd.s32 @!p2 $0xFFFFFFA0;
	s26 =	simm.s32 @!p3 $0x80  }
0xaf: {  	[tilespmem:s29], [sflag:$0x2] =	stream.indirect.gather @!p3 [hbm4b:s5+s11], $0x80, s26, s11, $0xb8;
	[tilespmem:$0x1FD80] =	vst v63  }
0xb0: {  	s26 =	simm.s32 @!p4 $0x80;
	s29 =	simm.s32 @!p4 $0x3400  }
0xb1: {  	[tilespmem:s29], [sflag:$0x2] =	stream.indirect.gather @!p4 [hbm4b:s4+s13], $0x80, s26, s13, $0xb8;
	[tilespmem:$0x1FD80] =	vst v63  }
0xb2: {  	_ = 	snop  }
0xb3: {  	[spmem:s1] =	stream.indirect.scatter.add.f32 [tilespmem:s14], [sflag:$0x9], $0x80, s0, s9, $0xb8;
	[tilespmem:$0x1FD80] =	vst v63  }
0xb4: {  	_ =	swait.ge [sflag:s3], $0x3000  }
0xb5: {  	[sflag:s3] =	ssyncset.done $0x0  }
0xb6: {  	s26 =	simm.s32 @p2 $0x4;
	[sflag:s3] =	ssyncadd.s32 $0xFFFFD000  }
0xb7: {  	_ =	swait.ge @p2 [sflag:s26], $0x3000  }
0xb8: {  	[sflag:s26] =	ssyncset.done @p2 $0x0  }
0xb9: {  	s7 =	sadd.s32 @!p2 $0x48, s7;
	[sflag:s26] =	ssyncadd.s32 @p2 $0xFFFFD000;
	s26 =	simm.s32 @!p2 $0x100  }
0xba: {  	[tilespmem:s26], [sflag:$0x7] =	stream.linear.gather @!p2 [hbm4b:s7+s21], $0x60, $0x38;
	[tilespmem:$0x1FD80] =	vst v63  }
0xbb: {  	s7 =	sadd.s32 @!p2 $0x48, s8;
	s8 =	simm.s32 @!p2 $0x300  }
0xbc: {  	[tilespmem:s8], [sflag:$0x7] =	stream.linear.gather @!p2 [hbm4b:s7+s21], $0x60, $0x38;
	[tilespmem:$0x1FD80] =	vst v63  }
0xbd: {  	s7 =	simm.s32 @!p2 $0x4  }
0xbe: {  	_ =	swait.ge @!p2 [sflag:s7], $0x3000  }
0xbf: {  	[sflag:s7] =	ssyncset.done @!p2 $0x0  }
0xc0: {  	[sflag:s7] =	ssyncadd.s32 @!p2 $0xFFFFD000;
	s7 =	simm.s32 @!p2 $0x7  }
0xc1: {  	_ =	swait.ge @!p2 [sflag:s7], $0x60  }
0xc2: {  	[sflag:s7] =	ssyncset.done @!p2 $0x0  }
0xc3: {  	[sflag:s7] =	ssyncadd.s32 @!p2 $0xFFFFFFA0  }
0xc4: {  	_ =	swait.ge @!p2 [sflag:s7], $0x60  }
0xc5: {  	[sflag:s7] =	ssyncset.done @!p2 $0x0  }
0xc6: {  	s8 =	simm.s32 @!p3 $0x6400;
	[sflag:s7] =	ssyncadd.s32 @!p2 $0xFFFFFFA0;
	s7 =	simm.s32 @!p3 $0x100  }
0xc7: {  	[tilespmem:s8], [sflag:$0x3] =	stream.indirect.gather @!p3 [hbm4b:s5+s11], $0x80, s7, s11, $0xb8;
	[tilespmem:$0x1FD80] =	vst v63  }
0xc8: {  	s7 =	simm.s32 @!p4 $0x100;
	s8 =	simm.s32 @!p4 $0x6400  }
0xc9: {  	[tilespmem:s8], [sflag:$0x3] =	stream.indirect.gather @!p4 [hbm4b:s4+s13], $0x80, s7, s13, $0xb8;
	[tilespmem:$0x1FD80] =	vst v63  }
.Ltmp2:
0xca: {  	_ = 	snop;
	(pc) =	sbr.rel @p2 .LBB2_4-.Ltmp2, $4  }
0xcb: {  	[spmem:s1] =	stream.indirect.scatter.add.f32 [tilespmem:s20], [sflag:$0x9], $0x80, s17, s9, $0xb8;
	[tilespmem:$0x1FD80] =	vst v63  }
0xcc: {  	_ =	swait.ge [sflag:s3], $0x3000  }
0xcd: {  	[sflag:s3] =	ssyncset.done $0x0  }
0xce: {  	[sflag:s3] =	ssyncadd.s32 $0xFFFFD000  }
.Ltmp3:
0xcf: {  	s7 =	sadd.s32 s31, s23;
	(pc) =	sbr.rel .LBB2_2-.Ltmp3, $4  }
0xd0: {  	s29 =	sadd.s32 s31, s22;
	s7 =	sadd.s32 $0x54, s7  }
0xd1: {  	[tilespmem:s16], [sflag:$0x8] =	stream.linear.gather [hbm4b:s7+s2], $0x60, $0x38;
	[tilespmem:$0x1FD80] =	vst v63  }
0xd2: {  	s31 =	sadd.s32 $0x30, s31;
	s7 =	sadd.s32 $0x54, s29  }
0xd3: {  	[tilespmem:s17], [sflag:$0x8] =	stream.linear.gather [hbm4b:s7+s2], $0x60, $0x38;
	[tilespmem:$0x1FD80] =	vst v63  }
.LBB2_5:
0xd4: {  	_ =	sfence.sel $0x180000  }
0xd5: {  	[bflag:$0x0] =	sbarrier.arrive $0xFFFF  }
0xd6: {  	_ =	strace $0x9000004A  }
0xd7: {  	s0 =	stileid.u32;
	[bflag:$0x2] =	sbarrier.arrive $0xFFFF  }
0xd8: {  	p0 =	sne.s32 s0, $0x0;
	s0 =	rddreg [dreg:$0x2]  }
0xd9: {  	s0 =	sadd.s32 @!p0 $0x100000, s0  }
0xda: {  	[sflag:s0] =	ssyncadd.tile.s32 @!p0 $0x1;
	_ =	shalt  }
.Lfunc_end2:
_tile_overlayer_lowered:
.L_overlay_start_2:
0xdb: {  	(tag) =	ssettag $0x2  }
0xdc: {  	s0 =	rddreg [dreg:$0x0];
	s2 =	stileid.u32  }
0xdd: {  	s1 =	rddreg [dreg:$0x1];
	p0 =	sne.s32 s2, $0x0  }
0xde: {  	s3 =	rddreg [dreg:$0x2];
	[bflag:$0x3] =	sbarrier.arrive $0xFFFF;
	s2 =	simm.s32 @!p0 $0x1C09  }
0xdf: {  	[timem:s3], [sflag:s2] =	dma.local @!p0 [hbm:s0], s1  }
0xe0: {  	s0 =	simm.s32 @!p0 $0x9  }
0xe1: {  	_ =	swait.ge @!p0 [sflag:s0], s1  }
0xe2: {  	s1 =	ssub.s32 @!p0 $0x0, s1;
	[sflag:s0] =	ssyncset.done @!p0 $0x0  }
0xe3: {  	[sflag:s0] =	ssyncadd.s32 @!p0 s1  }
0xe4: {  	[bflag:$0x3] =	sbarrier.arrive $0xFFFF  }
0xe5: {  	_ =	shalt  }

// kernel: kernel.7.cloned.1.call-start
scs
__scs_entry_jumppad:
0x0: {  	(pc) =	sbr.rel $0x88, $3  }
0x1: {  	(tag) =	ssettag $0x0;
	lr =	simm.s32 $0x1  }
0x2: {  	[smem:$0x3F8E] =	sst lr;
	_ =	strace $0xD0000000  }
0x3: {  	_ = 	snop  }
0x4: {  	_ = 	snop  }
0x5: {  	_ = 	snop  }
0x6: {  	_ = 	snop  }
0x7: {  	_ = 	snop  }
__scs_overlays_trampoline_lowered:
0x8: {  	[smem:$0x3F9D] =	sst s0  }
0x9: {  	[smem:$0x3F9E] =	sst s1  }
0xa: {  	[smem:$0x3F9F] =	sst s2  }
0xb: {  	[smem:$0x3FA0] =	sst s3  }
0xc: {  	[smem:$0x3FA1] =	sst s4  }
0xd: {  	[smem:$0x3FA2] =	sst s5  }
0xe: {  	[smem:$0x3FA3] =	sst s6  }
0xf: {  	[smem:$0x3FA4] =	sst s7  }
0x10: {  	[smem:$0x3FA5] =	sst s8  }
0x11: {  	[smem:$0x3FA6] =	sst s9;
	s0 =	simm.s32 @!p0 $0x0  }
0x12: {  	s1 =	sld [smem:$0x3F8C];
	s0 =	simm.s32 @p0 $0x1  }
0x13: {  	[smem:$0x3FA7] =	sst s0;
	s0 =	simm.s32 @!p1 $0x0  }
0x14: {  	s2 =	sld [smem:$0x3F8B];
	s0 =	simm.s32 @p1 $0x1  }
0x15: {  	[smem:$0x3FA8] =	sst s0;
	s0 =	simm.s32 @!p2 $0x0  }
0x16: {  	s3 =	sld [smem:$0x3FDB];
	s0 =	simm.s32 @p2 $0x1  }
0x17: {  	s4 =	simm.s32 $0x1BF5;
	[smem:$0x3FAA] =	sst s0  }
0x18: {  	s0 =	sld [smem:$0x3F8D];
	_ =	swait.ge [sflag:s4], $0x0  }
0x19: {  	s7 =	sld [smem:$0x3F8E]  }
0x1a: {  	s8 =	sadd.s32 $0xFFFFE003, lr  }
0x1b: {  	s9 =	sadd.s32 $0xFFFFFEF7, lr;
	s5 =	simm.s32 $0xFFFFFFFF;
	p2 =	slt.u32 s8, $0xFFFFF086  }
0x1c: {  	p1 =	slt.u32 s9, $0xF7A;
	s5 =	simm.s32 @!p2 $0x0  }
0x1d: {  	s5 =	simm.s32 @p1 $0x1;
	p0 =	seq.s32 s7, s2  }
0x1e: {  	s7 =	smul.u32 @!p0 $0xF7A, s2;
	p2 =	seq.s32 @!p0 s5, $0x0  }
0x1f: {  	s9 =	smul.u32 $0xF7A, s1;
	s8 =	simm.s32 @!p0 $0x1BF5;
	p2 =	por !p2, p0  }
0x20: {  	[sflag:s8] =	ssyncset.s32 @!p0 $0xFFFFF086;
	s6 =	sadd.s32 @!p0 s3, s7;
	s7 =	simm.s32 @!p0 $0x108  }
0x21: {  	s3 =	sadd.s32 s3, s9;
	s6 =	sadd.s32 @!p0 $0x88, s6;
	s7 =	simm.s32 @p2 $0x1082  }
0x22: {  	[simem:s7], [sflag:s8] =	dma.local @!p0 [hbm:s6], $0xF7A  }
0x23: {  	s9 =	sor.u32 $0xD0000000, s2;
	s6 =	simm.s32 $0x108;
	_ =	swait.ge @!p0 [sflag:s8], $0x0  }
0x24: {  	s3 =	sadd.s32 $0x88, s3;
	s6 =	simm.s32 @!p1 $0x1082;
	[sflag:s4] =	ssyncset.s32 $0xFFFFF086  }
0x25: {  	[simem:s6], [sflag:s4] =	dma.local [hbm:s3], $0xF7A  }
0x26: {  	[smem:$0x3F8E] =	sst s1;
	(tag) =	ssettag s2;
	_ =	strace s9  }
0x27: {  	s1 =	sld [smem:$0x3F9E]  }
0x28: {  	s2 =	sld [smem:$0x3F9F]  }
0x29: {  	s4 =	sld [smem:$0x3FA1]  }
0x2a: {  	p0 =	seq.s32 s5, $0x0;
	s5 =	sld [smem:$0x3FA2]  }
0x2b: {  	s6 =	sld [smem:$0x3FA3]  }
0x2c: {  	s7 =	sld [smem:$0x3FA4]  }
0x2d: {  	s3 =	simm.s32 $0x108;
	s8 =	sld [smem:$0x3FA5]  }
0x2e: {  	s3 =	simm.s32 @!p0 $0x1082;
	s9 =	sld [smem:$0x3FA6]  }
0x2f: {  	lr =	sadd.s32 s0, s3;
	s0 =	sld [smem:$0x3F9D]  }
0x30: {  	s3 =	sld [smem:$0x3FA0]  }
0x31: {  	[smem:$0x3FA9] =	sst s10  }
0x32: {  	s10 =	sld [smem:$0x3FA7];
	_ =	sdelay $0x3  }
0x33: {  	p0 =	seq.s32 s10, $0x1;
	s10 =	sld [smem:$0x3FA9];
	_ =	sdelay $0x3  }
0x34: {  	[smem:$0x3FA9] =	sst s10  }
0x35: {  	s10 =	sld [smem:$0x3FA8];
	_ =	sdelay $0x3  }
0x36: {  	p1 =	seq.s32 s10, $0x1;
	s10 =	sld [smem:$0x3FA9];
	_ =	sdelay $0x3  }
0x37: {  	[smem:$0x3FA9] =	sst s10  }
0x38: {  	s10 =	sld [smem:$0x3FAA]  }
0x39: {  	_ = 	snop;
	(pc) =	sbr.ind lr, $3  }
0x3a: {  	_ = 	snop  }
0x3b: {  	_ = 	snop  }
0x3c: {  	p2 =	seq.s32 s10, $0x1;
	s10 =	sld [smem:$0x3FA9]  }
0x3d: {  	_ =	shalt  }
0x3e: {  	_ =	shalt  }
0x3f: {  	_ =	shalt  }
0x40: {  	_ =	shalt  }
0x41: {  	_ =	shalt  }
0x42: {  	_ =	shalt  }
0x43: {  	_ =	shalt  }
0x44: {  	_ =	shalt  }
0x45: {  	_ =	shalt  }
0x46: {  	_ =	shalt  }
0x47: {  	_ =	shalt  }
0x48: {  	_ =	shalt  }
0x49: {  	_ =	shalt  }
0x4a: {  	_ =	shalt  }
0x4b: {  	_ =	shalt  }
0x4c: {  	_ =	shalt  }
0x4d: {  	_ =	shalt  }
0x4e: {  	_ =	shalt  }
0x4f: {  	_ =	shalt  }
0x50: {  	_ =	shalt  }
0x51: {  	_ =	shalt  }
0x52: {  	_ =	shalt  }
0x53: {  	_ =	shalt  }
0x54: {  	_ =	shalt  }
0x55: {  	_ =	shalt  }
0x56: {  	_ =	shalt  }
0x57: {  	_ =	shalt  }
0x58: {  	_ =	shalt  }
0x59: {  	_ =	shalt  }
0x5a: {  	_ =	shalt  }
0x5b: {  	_ =	shalt  }
0x5c: {  	_ =	shalt  }
0x5d: {  	_ =	shalt  }
0x5e: {  	_ =	shalt  }
0x5f: {  	_ =	shalt  }
0x60: {  	_ =	shalt  }
0x61: {  	_ =	shalt  }
0x62: {  	_ =	shalt  }
0x63: {  	_ =	shalt  }
0x64: {  	_ =	shalt  }
0x65: {  	_ =	shalt  }
0x66: {  	_ =	shalt  }
0x67: {  	_ =	shalt  }
0x68: {  	_ =	shalt  }
0x69: {  	_ =	shalt  }
0x6a: {  	_ =	shalt  }
0x6b: {  	_ =	shalt  }
0x6c: {  	_ =	shalt  }
0x6d: {  	_ =	shalt  }
0x6e: {  	_ =	shalt  }
0x6f: {  	_ =	shalt  }
0x70: {  	_ =	shalt  }
0x71: {  	_ =	shalt  }
0x72: {  	_ =	shalt  }
0x73: {  	_ =	shalt  }
0x74: {  	_ =	shalt  }
0x75: {  	_ =	shalt  }
0x76: {  	_ =	shalt  }
0x77: {  	_ =	shalt  }
0x78: {  	_ =	shalt  }
0x79: {  	_ =	shalt  }
0x7a: {  	_ =	shalt  }
0x7b: {  	_ =	shalt  }
0x7c: {  	_ =	shalt  }
0x7d: {  	_ =	shalt  }
0x7e: {  	_ =	shalt  }
0x7f: {  	_ =	shalt  }
0x80: {  	_ =	shalt  }
0x81: {  	_ =	shalt  }
0x82: {  	_ =	shalt  }
0x83: {  	_ =	shalt  }
0x84: {  	_ =	shalt  }
0x85: {  	_ =	shalt  }
0x86: {  	_ =	shalt  }
0x87: {  	_ =	shalt  }
.Lfunc_end0:
.L_simem_size_0:
called_computation_lowered:
.L_overlay_start_0:
0x88: {  	s2 =	sld [smem:$0x3FD9]  }
0x89: {  	s3 =	sld [smem:$0x3FFE];
	_ =	sdelay $0x1  }
0x8a: {  	s1 =	srdreg.scid  }
0x8b: {  	s0 =	sand.u32 $0x1, s1  }
0x8c: {  	s16 =	sshll.u32 s0, $0xA;
	s2 =	sadd.s32 s3, s2  }
0x8d: {  	s2 =	sadd.s32 s2, s16  }
0x8e: {  	[smem:$0x3FB5] =	sst s2  }
0x8f: {  	_ = 	snop  }
0x90: {  	(tm) =	ssettm $0x1  }
0x91: {  	s17 =	sld [smem:$0x3FFB];
	_ =	sdelay $0x3  }
0x92: {  	_ =	strace s17  }
0x93: {  	s2 =	sld [smem:$0x3FFC];
	_ =	sdelay $0x3  }
0x94: {  	_ =	strace s2  }
0x95: {  	s2 =	sld [smem:$0x3FFD];
	_ =	sdelay $0x3  }
0x96: {  	_ =	strace s2  }
0x97: {  	_ =	strace $0x8FFFFFFF  }
0x98: {  	s18 =	sld [smem:$0x3FDB];
	_ =	sdelay $0x1  }
0x99: {  	s19 =	simm.s32 $_scs_section_size  }
0x9a: {  	s4 =	simm.s32 $_size__tile_overlayer_lowered;
	s5 =	simm.s32 $_tile_overlayer_lowered  }
0x9b: {  	s22 =	simm.s32 $0x1BFF;
	s21 =	sshll.u32 s5, $0x1;
	s2 =	sadd.s32 s19, s18  }
0x9c: {  	s6 =	simm.s32 $0x0;
	s20 =	sshll.u32 s4, $0x1;
	s4 =	sadd.s32 s21, s2  }
0x9d: {  	[timem:s6], [sflag:s22] =	dma.local [hbm:s4], s20  }
0x9e: {  	_ =	swait.ge [sflag:s22], s20  }
0x9f: {  	s3 =	ssub.s32 $0x0, s20;
	[sflag:s22] =	ssyncset.done $0x0  }
0xa0: {  	[sflag:s22] =	ssyncadd.s32 s3;
	_ =	sdelay $0x1  }
0xa1: {  	s23 =	simm.s32 $0x1B8B  }
0xa2: {  	_ =	swait.ge [sflag:s23], $0x1  }
0xa3: {  	[sflag:s23] =	ssyncset.done $0x0  }
0xa4: {  	s25 =	simm.s32 $0x1B8E;
	s24 =	sld [smem:$0x3FFE];
	[sflag:s23] =	ssyncadd.s32 $0xFFFFFFFF  }
0xa5: {  	s26 =	simm.s32 $execute0_lowered;
	[smem:$0x3FD2] =	sst s25  }
0xa6: {  	s4 =	sshll.u32 s26, $0x1;
	_ =	strace $0x80000046;
	[dreg:$0x1] =	wrdreg $0xFFFFFFFF  }
0xa7: {  	s28 =	simm.s32 $_size_execute0_lowered;
	s2 =	sadd.s32 s2, s4;
	[dreg:$0x0] =	wrdreg $0x0  }
0xa8: {  	s4 =	sshll.u32 s28, $0x1;
	[dreg:$0x2] =	wrdreg s2  }
0xa9: {  	[dreg:$0x3] =	wrdreg s4  }
0xaa: {  	[dreg:$0x4] =	wrdreg $0xC0  }
0xab: {  	_ =	task [dreg:s6], $0x5FFFF  }
0xac: {  	[dreg:$0x1] =	wrdreg $0xFFFFFFFF  }
0xad: {  	[dreg:$0x0] =	wrdreg $0x60  }
0xae: {  	[dreg:$0x2] =	wrdreg s24  }
0xaf: {  	[dreg:$0x3] =	wrdreg $0xC5000  }
0xb0: {  	[dreg:$0x4] =	wrdreg $0x9  }
0xb1: {  	_ =	task.clear_ibuf [dreg:s6], $0x5FFFF;
	_ =	strace $0x90000046  }
0xb2: {  	s29 =	simm.s32 $0x9;
	_ =	strace $0x80000048  }
0xb3: {  	_ =	swait.ge [sflag:s29], $0x1  }
0xb4: {  	[sflag:s29] =	ssyncadd.s32 $0xFFFFFFFF  }
0xb5: {  	_ =	strace $0x90000048  }
0xb6: {  	_ =	sfence  }
0xb7: {  	s30 =	sld [smem:$0x0];
	_ =	sdelay $0x2  }
0xb8: {  	s31 =	sshll.u32 s1, $0xD;
	s1 =	sshrl.u32 s1, $0x2  }
0xb9: {  	s3 =	sand.u32 $0x4000, s31;
	s1 =	sadd.s32 s1, s30  }
0xba: {  	s0 =	sor.u32 s3, s0;
	s1 =	sshll.u32 s1, $0x11  }
0xbb: {  	s0 =	sor.u32 s1, s0  }
0xbc: {  	s0 =	sadd.s32 $0x8F2B, s0  }
0xbd: {  	[sflag:s0] =	ssyncadd.remote.s32 $0x1  }
0xbe: {  	_ =	sfence.sel $0xFFFF  }
0xbf: {  	[dreg:$0x0] =	wrdreg $0xFFFFFFFF;
	(pc) =	sbr.abs _section_cstart, $3  }
0xc0: {  	[dreg:$0x1] =	wrdreg $0xFFFFFFFF  }
0xc1: {  	_ =	task.clear_ibuf [dreg:s6], $0x2FFFF;
	_ =	strace $0x9FFFFFFF  }
0xc2: {  	(tm) =	ssettm $0x7FFFFFFF  }
0xc3: {  	_ =	shalt  }
tec
execute0_lowered:
.L_overlay_start_1:
0x0: {  	(tag) =	ssettag $0x1  }
0x1: {  	s0 =	rddreg [dreg:$0x0]  }
0x2: {  	s1 =	rddreg [dreg:$0x1];
	s2 =	simm.s32 $0x0  }
0x3: {  	s3 =	srdreg.scid;
	s14 =	stileid.u32;
	s28 =	simm.s32 $0x200  }
0x4: {  	s30 =	simm.s32 $0x280;
	[smem:$0x7FF] =	sst s2;
	s4 =	sadd.s32 $0xDC00, s0  }
0x5: {  	s5 =	sadd.s32 $0x34E00, s0;
	s6 =	sand.u32 $0x1, s3;
	s24 =	smul.u32 $0x2710, s14  }
0x6: {  	s7 =	sadd.s32 $0x3E00, s0;
	s8 =	sadd.s32 $0x5C000, s0;
	s11 =	smul.u32 $0x4E000, s14  }
0x7: {  	s9 =	sadd.s32 $0x5E800, s0;
	s0 =	sadd.s32 $0x8C20, s0;
	s17 =	smul.u32 $0x2700, s14  }
0x8: {  	s18 =	sshll.u32 s14, $0x6;
	_ =	strace $0x80000047;
	[dreg:$0x3] =	wrdreg s8  }
0x9: {  	s25 =	ssub.s32 $0x2, s6;
	s20 =	smul.u32 $0x27100, s6;
	p0 =	seq.s32 s6, $0x0  }
0xa: {  	s21 =	smul.u32 $0x138800, s6;
	p1 =	sne.s32 s6, $0x0;
	s10 =	sshrl.u32 s25, $0x1  }
0xb: {  	s3 =	sshrl.u32 s24, $0x3;
	s16 =	sshrl.u32 s11, $0x2;
	s24 =	smul.u32 $0x4E2, s14  }
0xc: {  	s8 =	ssub.s32 s25, s10;
	s26 =	sadd.s32 s7, s3;
	s29 =	sadd.s32 s3, s0  }
0xd: {  	s31 =	sadd.s32 $0xC, s3;
	s13 =	sadd.s32 $0x18, s3;
	[dreg:$0x4] =	wrdreg s26  }
0xe: {  	s19 =	sadd.s32 $0x24, s3;
	[dreg:$0x5] =	wrdreg s29;
	s12 =	sadd.s32 s7, s31  }
0xf: {  	s3 =	sadd.s32 $0x4E0, s3;
	s10 =	sadd.s32 s31, s0;
	[dreg:$0x6] =	wrdreg s12  }
0x10: {  	s22 =	sadd.s32 s17, s20;
	s15 =	sadd.s32 s7, s13;
	[dreg:$0x7] =	wrdreg s10  }
0x11: {  	s23 =	sshrl.u32 s21, $0x3;
	s25 =	sadd.s32 s7, s3;
	[dreg:$0x8] =	wrdreg s15  }
0x12: {  	s17 =	simm.s32 $0x380;
	s3 =	sadd.s32 s3, s0;
	[dreg:$0xe] =	wrdreg s25  }
0x13: {  	s20 =	simm.s32 $0x9400;
	s29 =	smax.u32 s8, $0x1;
	[dreg:$0xf] =	wrdreg s3  }
0x14: {  	s31 =	sadd.s32 $0x138000, s1;
	s10 =	sadd.s32 s13, s0;
	[dreg:$0x11] =	wrdreg s29  }
0x15: {  	s15 =	sor.u32 $0x1C09, s18;
	s13 =	sadd.s32 s7, s19;
	[dreg:$0x12] =	wrdreg s31  }
0x16: {  	s3 =	simm.s32 $0x9;
	s12 =	simm.s32 $0x3400;
	[dreg:$0x9] =	wrdreg s10  }
0x17: {  	s18 =	simm.s32 $0x1;
	s10 =	sadd.s32 s16, s1;
	[dreg:$0xb] =	wrdreg s13  }
0x18: {  	s25 =	simm.s32 $0x0;
	[dreg:$0xa] =	wrdreg s10;
	s10 =	sadd.s32 s19, s0  }
0x19: {  	s16 =	simm.s32 $0x180;
	s19 =	simm.s32 $0x8;
	[dreg:$0xc] =	wrdreg s10  }
.Ltmp0:
0x1a: {  	s10 =	sadd.s32 s9, s22;
	s9 =	sadd.s32 s9, s23;
	(pc) =	sbr.rel .LBB2_1-.Ltmp0, $4  }
0x1b: {  	s22 =	sadd.s32 s24, s0;
	s23 =	sadd.s32 s24, s7;
	s24 =	smov.u32 s5  }
0x1c: {  	s0 =	simm.s32 $0x300;
	[dreg:$0xd] =	wrdreg s10;
	s26 =	sadd.s32 $0x27000, s9  }
0x1d: {  	s24 =	smov.u32 @p0 s4;
	p0 =	sne.s32 s14, $0xF;
	s9 =	simm.s32 $0x60  }
0x1e: {  	s10 =	simm.s32 $0x400;
	s14 =	simm.s32 $0x6400;
	[dreg:$0x10] =	wrdreg s26  }
.LBB2_4:
0x1f: {  	s7 =	rddreg [dreg:$0xe];
	s8 =	simm.s32 $0xC400  }
0x20: {  	[tilespmem:s8], [sflag:$0x9] =	stream.linear.gather [hbm4b:s7+s2], $0x10, $0x38;
	[tilespmem:$0x1FD80] =	vst v63  }
0x21: {  	_ =	swait.ge [sflag:s3], $0x10  }
0x22: {  	[sflag:s3] =	ssyncset.done $0x0  }
0x23: {  	s13 =	simm.s32 $0xC480;
	s11 =	rddreg [dreg:$0xf];
	[sflag:s3] =	ssyncadd.s32 $0xFFFFFFF0  }
0x24: {  	[tilespmem:s13], [sflag:$0x9] =	stream.linear.gather [hbm4b:s11+s2], $0x10, $0x38;
	[tilespmem:$0x1FD80] =	vst v63  }
0x25: {  	_ =	swait.ge [sflag:s3], $0x10  }
0x26: {  	s7 =	simm.s32 @p1 $0x10;
	[sflag:s3] =	ssyncset.done $0x0  }
0x27: {  	s8 =	simm.s32 @p1 $0xC400;
	s11 =	simm.s32 @p1 $0x400;
	[sflag:s3] =	ssyncadd.s32 $0xFFFFFFF0  }
0x28: {  	[tilespmem:s11], [sflag:$0x2] =	stream.indirect.gather @p1 [hbm4b:s5+s7], $0x80, s8, s7, $0xb8;
	[tilespmem:$0x1FD80] =	vst v63  }
0x29: {  	s7 =	simm.s32 @!p1 $0x10;
	s8 =	simm.s32 @!p1 $0xC400;
	s11 =	simm.s32 @!p1 $0x400  }
0x2a: {  	[tilespmem:s11], [sflag:$0x1] =	stream.indirect.gather @!p1 [hbm4b:s4+s7], $0x80, s8, s7, $0xb8;
	[tilespmem:$0x1FD80] =	vst v63  }
0x2b: {  	s7 =	simm.s32 @!p1 $0x1  }
0x2c: {  	s7 =	simm.s32 @p1 $0x2  }
0x2d: {  	_ =	swait.ge [sflag:s7], $0x800  }
0x2e: {  	[sflag:s7] =	ssyncset.done $0x0  }
0x2f: {  	s21 =	simm.s32 $0x10;
	[sflag:s7] =	ssyncadd.s32 $0xFFFFF800  }
0x30: {  	[spmem:s1] =	stream.indirect.scatter.add.f32 [tilespmem:s10], [sflag:$0x9], $0x80, s13, s21, $0xb8;
	[tilespmem:$0x1FD80] =	vst v63  }
0x31: {  	_ =	swait.ge [sflag:s3], $0x800  }
0x32: {  	[sflag:s3] =	ssyncset.done $0x0  }
0x33: {  	[sflag:s3] =	ssyncadd.s32 $0xFFFFF800  }
0x34: {  	[bflag:$0x0] =	sbarrier.arrive $0xFFFF  }
0x35: {  	s26 =	rddreg [dreg:$0xd]  }
0x36: {  	s29 =	rddreg [dreg:$0x13]  }
0x37: {  	[hbm:s26], [sflag:s15] =	dma.local [spmem:s29], $0x2700  }
0x38: {  	_ =	swait.ge [sflag:s3], $0x2700  }
0x39: {  	[sflag:s3] =	ssyncset.done $0x0;
	s7 =	rddreg [dreg:$0x10]  }
0x3a: {  	s8 =	rddreg [dreg:$0x14];
	[sflag:s3] =	ssyncadd.s32 $0xFFFFD900  }
0x3b: {  	[hbm:s7], [sflag:s15] =	dma.local @!p0 [spmem:s8], $0x100  }
0x3c: {  	s7 =	simm.s32 @!p0 $0x9  }
0x3d: {  	_ =	swait.ge @!p0 [sflag:s7], $0x100  }
0x3e: {  	s25 =	sadd.s32 $0x1, s25;
	s31 =	rddreg [dreg:$0x11]  }
0x3f: {  	p2 =	sne.s32 s25, s31  }
.Ltmp1:
0x40: {  	_ = 	snop;
	(pc) =	sbr.rel @!p2 .LBB2_5-.Ltmp1, $3  }
0x41: {  	_ =	sdelay $0x1  }
0x42: {  	[sflag:s7] =	ssyncset.done @!p0 $0x0  }
0x43: {  	[sflag:s7] =	ssyncadd.s32 @!p0 $0xFFFFFF00  }
.LBB2_1:
0x44: {  	s7 =	rddreg [dreg:$0x4]  }
0x45: {  	s21 =	rddreg [dreg:$0x5]  }
0x46: {  	s26 =	rddreg [dreg:$0x6]  }
0x47: {  	[tilespmem:s2], [sflag:$0x5] =	stream.linear.gather [hbm4b:s7+s2], $0x60, $0x38;
	[tilespmem:$0x1FD80] =	vst v63  }
0x48: {  	s29 =	rddreg [dreg:$0x7]  }
0x49: {  	[tilespmem:s28], [sflag:$0x5] =	stream.linear.gather [hbm4b:s21+s2], $0x60, $0x38;
	[tilespmem:$0x1FD80] =	vst v63  }
0x4a: {  	s11 =	simm.s32 $0x80;
	s8 =	rddreg [dreg:$0x8]  }
0x4b: {  	[tilespmem:s11], [sflag:$0x6] =	stream.linear.gather [hbm4b:s26+s2], $0x60, $0x38;
	[tilespmem:$0x1FD80] =	vst v63  }
0x4c: {  	s7 =	rddreg [dreg:$0x3]  }
0x4d: {  	[tilespmem:s30], [sflag:$0x6] =	stream.linear.gather [hbm4b:s29+s2], $0x60, $0x38;
	[tilespmem:$0x1FD80] =	vst v63  }
0x4e: {  	s13 =	simm.s32 $0x100;
	s26 =	rddreg [dreg:$0xa]  }
0x4f: {  	[tilespmem:s13], [sflag:$0x7] =	stream.linear.gather [hbm4b:s8+s2], $0x60, $0x38;
	[tilespmem:$0x1FD80] =	vst v63  }
0x50: {  	s21 =	rddreg [dreg:$0x9];
	s8 =	sshrl.u32 s26, $0x3  }
0x51: {  	[dreg:$0x13] =	wrdreg s8  }
0x52: {  	[tilespmem:s0], [sflag:$0x7] =	stream.linear.gather [hbm4b:s21+s2], $0x60, $0x38;
	[tilespmem:$0x1FD80] =	vst v63  }
0x53: {  	[spmem:s8], [sflag:s15] =	dma.local [hbm:s7], $0x2700  }
0x54: {  	_ =	swait.ge [sflag:s3], $0x2700  }
0x55: {  	s8 =	rddreg [dreg:$0x12]  }
0x56: {  	[sflag:s3] =	ssyncset.done $0x0;
	s8 =	sshrl.u32 @!p0 s8, $0x3  }
0x57: {  	[sflag:s3] =	ssyncadd.s32 $0xFFFFD900;
	[dreg:$0x14] =	wrdreg s8  }
0x58: {  	[spmem:s8], [sflag:s15] =	dma.local @!p0 [hbm:s7], $0x100  }
0x59: {  	s7 =	simm.s32 @!p0 $0x9  }
0x5a: {  	_ =	swait.ge @!p0 [sflag:s7], $0x100  }
0x5b: {  	[sflag:s7] =	ssyncset.done @!p0 $0x0  }
0x5c: {  	s29 =	simm.s32 $0x5;
	[sflag:s7] =	ssyncadd.s32 @!p0 $0xFFFFFF00  }
0x5d: {  	_ =	swait.ge [sflag:s29], $0x60  }
0x5e: {  	[sflag:s29] =	ssyncset.done $0x0  }
0x5f: {  	[sflag:s29] =	ssyncadd.s32 $0xFFFFFFA0  }
0x60: {  	_ =	swait.ge [sflag:s29], $0x60  }
0x61: {  	[sflag:s29] =	ssyncset.done $0x0  }
0x62: {  	s8 =	simm.s32 $0x6;
	[sflag:s29] =	ssyncadd.s32 $0xFFFFFFA0  }
0x63: {  	[tilespmem:s10], [sflag:$0x1] =	stream.indirect.gather [hbm4b:s24+s9], $0x80, s2, s9, $0xb8;
	[tilespmem:$0x1FD80] =	vst v63  }
0x64: {  	_ =	swait.ge [sflag:s8], $0x60  }
0x65: {  	[sflag:s8] =	ssyncset.done $0x0  }
0x66: {  	[sflag:s8] =	ssyncadd.s32 $0xFFFFFFA0  }
0x67: {  	_ =	swait.ge [sflag:s8], $0x60  }
0x68: {  	[sflag:s8] =	ssyncset.done $0x0  }
0x69: {  	s21 =	simm.s32 $0x7;
	[sflag:s8] =	ssyncadd.s32 $0xFFFFFFA0  }
0x6a: {  	[tilespmem:s12], [sflag:$0x2] =	stream.indirect.gather [hbm4b:s24+s9], $0x80, s11, s9, $0xb8;
	[tilespmem:$0x1FD80] =	vst v63  }
0x6b: {  	_ =	swait.ge [sflag:s21], $0x60  }
0x6c: {  	[sflag:s21] =	ssyncset.done $0x0  }
0x6d: {  	[sflag:s21] =	ssyncadd.s32 $0xFFFFFFA0  }
0x6e: {  	_ =	swait.ge [sflag:s21], $0x60  }
0x6f: {  	[sflag:s21] =	ssyncset.done $0x0  }
0x70: {  	[sflag:s21] =	ssyncadd.s32 $0xFFFFFFA0  }
0x71: {  	[tilespmem:s14], [sflag:$0x3] =	stream.indirect.gather [hbm4b:s24+s9], $0x80, s13, s9, $0xb8;
	[tilespmem:$0x1FD80] =	vst v63  }
0x72: {  	s26 =	rddreg [dreg:$0xb]  }
0x73: {  	[tilespmem:s16], [sflag:$0x8] =	stream.linear.gather [hbm4b:s26+s2], $0x60, $0x38;
	[tilespmem:$0x1FD80] =	vst v63  }
0x74: {  	s29 =	rddreg [dreg:$0xc]  }
0x75: {  	[tilespmem:s17], [sflag:$0x8] =	stream.linear.gather [hbm4b:s29+s2], $0x60, $0x38;
	[tilespmem:$0x1FD80] =	vst v63  }
0x76: {  	s31 =	simm.s32 $0x0;
	[bflag:$0x0] =	sbarrier.arrive $0xFFFF  }
.LBB2_2:
0x77: {  	_ =	swait.ge [sflag:s18], $0x3000  }
0x78: {  	[sflag:s18] =	ssyncset.done $0x0  }
0x79: {  	[sflag:s18] =	ssyncadd.s32 $0xFFFFD000  }
0x7a: {  	_ =	swait.ge [sflag:s19], $0x60  }
0x7b: {  	[sflag:s19] =	ssyncset.done $0x0  }
0x7c: {  	[sflag:s19] =	ssyncadd.s32 $0xFFFFFFA0  }
0x7d: {  	_ =	swait.ge [sflag:s19], $0x60  }
0x7e: {  	[sflag:s19] =	ssyncset.done $0x0  }
0x7f: {  	[sflag:s19] =	ssyncadd.s32 $0xFFFFFFA0  }
0x80: {  	[tilespmem:s20], [sflag:$0x4] =	stream.indirect.gather [hbm4b:s24+s9], $0x80, s16, s9, $0xb8;
	[tilespmem:$0x1FD80] =	vst v63  }
0x81: {  	_ = 	snop  }
0x82: {  	[spmem:s1] =	stream.indirect.scatter.add.f32 [tilespmem:s10], [sflag:$0x9], $0x80, s28, s9, $0xb8;
	[tilespmem:$0x1FD80] =	vst v63  }
0x83: {  	_ =	swait.ge [sflag:s3], $0x3000  }
0x84: {  	p2 =	seq.s32 s31, $0x4B0;
	[sflag:s3] =	ssyncset.done $0x0  }
0x85: {  	s8 =	simm.s32 @p2 $0x2;
	[sflag:s3] =	ssyncadd.s32 $0xFFFFD000  }
0x86: {  	_ =	swait.ge @p2 [sflag:s8], $0x3000  }
0x87: {  	s7 =	sadd.s32 @!p2 s31, s23;
	[sflag:s8] =	ssyncset.done @p2 $0x0  }
0x88: {  	s21 =	simm.s32 @!p2 $0x0;
	[sflag:s8] =	ssyncadd.s32 @p2 $0xFFFFD000;
	s8 =	sadd.s32 @!p2 $0x30, s7  }
0x89: {  	[tilespmem:s21], [sflag:$0x5] =	stream.linear.gather @!p2 [hbm4b:s8+s21], $0x60, $0x38;
	[tilespmem:$0x1FD80] =	vst v63  }
0x8a: {  	s8 =	sadd.s32 @!p2 s31, s22  }
0x8b: {  	s13 =	simm.s32 @!p2 $0x200;
	s11 =	sadd.s32 @!p2 $0x30, s8  }
0x8c: {  	[tilespmem:s13], [sflag:$0x5] =	stream.linear.gather @!p2 [hbm4b:s11+s21], $0x60, $0x38;
	[tilespmem:$0x1FD80] =	vst v63  }
0x8d: {  	s11 =	simm.s32 @!p2 $0x2  }
0x8e: {  	_ =	swait.ge @!p2 [sflag:s11], $0x3000  }
0x8f: {  	[sflag:s11] =	ssyncset.done @!p2 $0x0  }
0x90: {  	[sflag:s11] =	ssyncadd.s32 @!p2 $0xFFFFD000;
	s11 =	simm.s32 @!p2 $0x5  }
0x91: {  	_ =	swait.ge @!p2 [sflag:s11], $0x60  }
0x92: {  	[sflag:s11] =	ssyncset.done @!p2 $0x0  }
0x93: {  	p4 =	sne.s32 @!p2 s6, $0x0;
	[sflag:s11] =	ssyncadd.s32 @!p2 $0xFFFFFFA0  }
0x94: {  	p3 =	por !p4, p2;
	_ =	swait.ge @!p2 [sflag:s11], $0x60  }
0x95: {  	p4 =	por p4, p2;
	s29 =	simm.s32 @!p3 $0x400;
	[sflag:s11] =	ssyncset.done @!p2 $0x0  }
0x96: {  	s13 =	simm.s32 @!p3 $0x0;
	[sflag:s11] =	ssyncadd.s32 @!p2 $0xFFFFFFA0;
	s11 =	simm.s32 @!p3 $0x60  }
0x97: {  	[tilespmem:s29], [sflag:$0x1] =	stream.indirect.gather @!p3 [hbm4b:s5+s11], $0x80, s13, s11, $0xb8;
	[tilespmem:$0x1FD80] =	vst v63  }
0x98: {  	s26 =	simm.s32 @!p4 $0x400;
	s13 =	simm.s32 @!p4 $0x60;
	s29 =	simm.s32 @!p4 $0x0  }
0x99: {  	[tilespmem:s26], [sflag:$0x1] =	stream.indirect.gather @!p4 [hbm4b:s4+s13], $0x80, s29, s13, $0xb8;
	[tilespmem:$0x1FD80] =	vst v63  }
0x9a: {  	_ = 	snop  }
0x9b: {  	[spmem:s1] =	stream.indirect.scatter.add.f32 [tilespmem:s12], [sflag:$0x9], $0x80, s30, s9, $0xb8;
	[tilespmem:$0x1FD80] =	vst v63  }
0x9c: {  	_ =	swait.ge [sflag:s3], $0x3000  }
0x9d: {  	[sflag:s3] =	ssyncset.done $0x0  }
0x9e: {  	s26 =	simm.s32 @p2 $0x3;
	[sflag:s3] =	ssyncadd.s32 $0xFFFFD000  }
0x9f: {  	_ =	swait.ge @p2 [sflag:s26], $0x3000  }
0xa0: {  	[sflag:s26] =	ssyncset.done @p2 $0x0  }
0xa1: {  	s29 =	simm.s32 @!p2 $0x80;
	[sflag:s26] =	ssyncadd.s32 @p2 $0xFFFFD000;
	s26 =	sadd.s32 @!p2 $0x3C, s7  }
0xa2: {  	[tilespmem:s29], [sflag:$0x6] =	stream.linear.gather @!p2 [hbm4b:s26+s21], $0x60, $0x38;
	[tilespmem:$0x1FD80] =	vst v63  }
0xa3: {  	s26 =	sadd.s32 @!p2 $0x3C, s8;
	s29 =	simm.s32 @!p2 $0x280  }
0xa4: {  	[tilespmem:s29], [sflag:$0x6] =	stream.linear.gather @!p2 [hbm4b:s26+s21], $0x60, $0x38;
	[tilespmem:$0x1FD80] =	vst v63  }
0xa5: {  	s26 =	simm.s32 @!p2 $0x3  }
0xa6: {  	_ =	swait.ge @!p2 [sflag:s26], $0x3000  }
0xa7: {  	[sflag:s26] =	ssyncset.done @!p2 $0x0  }
0xa8: {  	[sflag:s26] =	ssyncadd.s32 @!p2 $0xFFFFD000;
	s26 =	simm.s32 @!p2 $0x6  }
0xa9: {  	_ =	swait.ge @!p2 [sflag:s26], $0x60  }
0xaa: {  	[sflag:s26] =	ssyncset.done @!p2 $0x0  }
0xab: {  	[sflag:s26] =	ssyncadd.s32 @!p2 $0xFFFFFFA0  }
0xac: {  	_ =	swait.ge @!p2 [sflag:s26], $0x60  }
0xad: {  	[sflag:s26] =	ssyncset.done @!p2 $0x0  }
0xae: {  	s29 =	simm.s32 @!p3 $0x3400;
	[sflag:s26] =	ssyncadd.s32 @!p2 $0xFFFFFFA0;
	s26 =	simm.s32 @!p3 $0x80  }
0xaf: {  	[tilespmem:s29], [sflag:$0x2] =	stream.indirect.gather @!p3 [hbm4b:s5+s11], $0x80, s26, s11, $0xb8;
	[tilespmem:$0x1FD80] =	vst v63  }
0xb0: {  	s26 =	simm.s32 @!p4 $0x80;
	s29 =	simm.s32 @!p4 $0x3400  }
0xb1: {  	[tilespmem:s29], [sflag:$0x2] =	stream.indirect.gather @!p4 [hbm4b:s4+s13], $0x80, s26, s13, $0xb8;
	[tilespmem:$0x1FD80] =	vst v63  }
0xb2: {  	_ = 	snop  }
0xb3: {  	[spmem:s1] =	stream.indirect.scatter.add.f32 [tilespmem:s14], [sflag:$0x9], $0x80, s0, s9, $0xb8;
	[tilespmem:$0x1FD80] =	vst v63  }
0xb4: {  	_ =	swait.ge [sflag:s3], $0x3000  }
0xb5: {  	[sflag:s3] =	ssyncset.done $0x0  }
0xb6: {  	s26 =	simm.s32 @p2 $0x4;
	[sflag:s3] =	ssyncadd.s32 $0xFFFFD000  }
0xb7: {  	_ =	swait.ge @p2 [sflag:s26], $0x3000  }
0xb8: {  	[sflag:s26] =	ssyncset.done @p2 $0x0  }
0xb9: {  	s7 =	sadd.s32 @!p2 $0x48, s7;
	[sflag:s26] =	ssyncadd.s32 @p2 $0xFFFFD000;
	s26 =	simm.s32 @!p2 $0x100  }
0xba: {  	[tilespmem:s26], [sflag:$0x7] =	stream.linear.gather @!p2 [hbm4b:s7+s21], $0x60, $0x38;
	[tilespmem:$0x1FD80] =	vst v63  }
0xbb: {  	s7 =	sadd.s32 @!p2 $0x48, s8;
	s8 =	simm.s32 @!p2 $0x300  }
0xbc: {  	[tilespmem:s8], [sflag:$0x7] =	stream.linear.gather @!p2 [hbm4b:s7+s21], $0x60, $0x38;
	[tilespmem:$0x1FD80] =	vst v63  }
0xbd: {  	s7 =	simm.s32 @!p2 $0x4  }
0xbe: {  	_ =	swait.ge @!p2 [sflag:s7], $0x3000  }
0xbf: {  	[sflag:s7] =	ssyncset.done @!p2 $0x0  }
0xc0: {  	[sflag:s7] =	ssyncadd.s32 @!p2 $0xFFFFD000;
	s7 =	simm.s32 @!p2 $0x7  }
0xc1: {  	_ =	swait.ge @!p2 [sflag:s7], $0x60  }
0xc2: {  	[sflag:s7] =	ssyncset.done @!p2 $0x0  }
0xc3: {  	[sflag:s7] =	ssyncadd.s32 @!p2 $0xFFFFFFA0  }
0xc4: {  	_ =	swait.ge @!p2 [sflag:s7], $0x60  }
0xc5: {  	[sflag:s7] =	ssyncset.done @!p2 $0x0  }
0xc6: {  	s8 =	simm.s32 @!p3 $0x6400;
	[sflag:s7] =	ssyncadd.s32 @!p2 $0xFFFFFFA0;
	s7 =	simm.s32 @!p3 $0x100  }
0xc7: {  	[tilespmem:s8], [sflag:$0x3] =	stream.indirect.gather @!p3 [hbm4b:s5+s11], $0x80, s7, s11, $0xb8;
	[tilespmem:$0x1FD80] =	vst v63  }
0xc8: {  	s7 =	simm.s32 @!p4 $0x100;
	s8 =	simm.s32 @!p4 $0x6400  }
0xc9: {  	[tilespmem:s8], [sflag:$0x3] =	stream.indirect.gather @!p4 [hbm4b:s4+s13], $0x80, s7, s13, $0xb8;
	[tilespmem:$0x1FD80] =	vst v63  }
.Ltmp2:
0xca: {  	_ = 	snop;
	(pc) =	sbr.rel @p2 .LBB2_4-.Ltmp2, $4  }
0xcb: {  	[spmem:s1] =	stream.indirect.scatter.add.f32 [tilespmem:s20], [sflag:$0x9], $0x80, s17, s9, $0xb8;
	[tilespmem:$0x1FD80] =	vst v63  }
0xcc: {  	_ =	swait.ge [sflag:s3], $0x3000  }
0xcd: {  	[sflag:s3] =	ssyncset.done $0x0  }
0xce: {  	[sflag:s3] =	ssyncadd.s32 $0xFFFFD000  }
.Ltmp3:
0xcf: {  	s7 =	sadd.s32 s31, s23;
	(pc) =	sbr.rel .LBB2_2-.Ltmp3, $4  }
0xd0: {  	s29 =	sadd.s32 s31, s22;
	s7 =	sadd.s32 $0x54, s7  }
0xd1: {  	[tilespmem:s16], [sflag:$0x8] =	stream.linear.gather [hbm4b:s7+s2], $0x60, $0x38;
	[tilespmem:$0x1FD80] =	vst v63  }
0xd2: {  	s31 =	sadd.s32 $0x30, s31;
	s7 =	sadd.s32 $0x54, s29  }
0xd3: {  	[tilespmem:s17], [sflag:$0x8] =	stream.linear.gather [hbm4b:s7+s2], $0x60, $0x38;
	[tilespmem:$0x1FD80] =	vst v63  }
.LBB2_5:
0xd4: {  	_ =	sfence.sel $0x180000  }
0xd5: {  	[bflag:$0x0] =	sbarrier.arrive $0xFFFF  }
0xd6: {  	_ =	strace $0x90000047  }
0xd7: {  	s0 =	stileid.u32;
	[bflag:$0x2] =	sbarrier.arrive $0xFFFF  }
0xd8: {  	p0 =	sne.s32 s0, $0x0;
	s0 =	rddreg [dreg:$0x2]  }
0xd9: {  	s0 =	sadd.s32 @!p0 $0x100000, s0  }
0xda: {  	[sflag:s0] =	ssyncadd.tile.s32 @!p0 $0x1;
	_ =	shalt  }
.Lfunc_end2:
_tile_overlayer_lowered:
.L_overlay_start_2:
0xdb: {  	(tag) =	ssettag $0x2  }
0xdc: {  	s0 =	rddreg [dreg:$0x0];
	s2 =	stileid.u32  }
0xdd: {  	s1 =	rddreg [dreg:$0x1];
	p0 =	sne.s32 s2, $0x0  }
0xde: {  	s3 =	rddreg [dreg:$0x2];
	[bflag:$0x3] =	sbarrier.arrive $0xFFFF;
	s2 =	simm.s32 @!p0 $0x1C09  }
0xdf: {  	[timem:s3], [sflag:s2] =	dma.local @!p0 [hbm:s0], s1  }
0xe0: {  	s0 =	simm.s32 @!p0 $0x9  }
0xe1: {  	_ =	swait.ge @!p0 [sflag:s0], s1  }
0xe2: {  	s1 =	ssub.s32 @!p0 $0x0, s1;
	[sflag:s0] =	ssyncset.done @!p0 $0x0  }
0xe3: {  	[sflag:s0] =	ssyncadd.s32 @!p0 s1  }
0xe4: {  	[bflag:$0x3] =	sbarrier.arrive $0xFFFF  }
0xe5: {  	_ =	shalt  }

</sc_bundles>
